<compile_context>
chip_gen: v7x
topology: tpu7x:2x2x1
jax: 0.10.2.dev20260603
libtpu: 0.0.44.dev20260713+nightly
codegen_flags: <defaults>
</compile_context>

<pallas_src>
import functools

import jax
import jax.numpy as jnp
from jax import lax
from jax.experimental import pallas as pl
from jax.experimental.pallas import tpu as pltpu
from jax.experimental.pallas import tpu_sc as plsc

_D = 64
_NC = 2
_NS = 16
_NW = _NC * _NS
_K = 16
_CH = _K * 16
_NBUF = 4
_LEAD = 2
_SCALE = 8.0


def _tec_body(n_chunks, idx_hbm, table_hbm, out_hbm, idx_v, bufs, gsems,
              ssems):
    wid = lax.axis_index("s") * _NC + lax.axis_index("c")
    nper = n_chunks * _CH
    pltpu.sync_copy(idx_hbm.at[pl.ds(wid * nper, nper)], idx_v)
    base = wid * nper

    def gather_start(j, b):
        for k in range(_K):
            ids = idx_v[pl.ds(j * _CH + k * 16, 16)]
            pltpu.async_copy(table_hbm.at[ids], bufs[b].at[pl.ds(k * 16, 16)],
                             gsems[b])

    def gather_wait(b):
        pltpu.make_async_copy(table_hbm.at[pl.ds(0, _CH)], bufs[b],
                              gsems[b]).wait()

    def out_window(j):
        return out_hbm.at[pl.ds(base + j * _CH, _CH), pl.ds(0, _D)]

    def scatter_start(j, b):
        pltpu.async_copy(bufs[b], out_window(j), ssems[b])

    def scatter_wait(j, b):
        pltpu.make_async_copy(bufs[b], out_window(j), ssems[b]).wait()

    for j in range(_LEAD):
        gather_start(j, j % _NBUF)

    def outer(g):
        for b in range(_NBUF):
            j = g + b
            gather_wait(b)
            buf = bufs[b]

            def row(i):
                for c in range(_D // 16):
                    sl = pl.ds(c * 16, 16)
                    buf[i, sl] = buf[i, sl] * _SCALE

            plsc.parallel_loop(0, _CH, 1, unroll=4)(row)

            scatter_start(j, b)
            jn = j + _LEAD
            bn = (b + _LEAD) % _NBUF

            @pl.when(jn < n_chunks)
            def _():
                @pl.when(jn >= _NBUF)
                def _():
                    scatter_wait(jn - _NBUF, bn)

                gather_start(jn, bn)

    pl.loop(0, n_chunks, step=_NBUF)(outer)

    for b in range(_NBUF):
        scatter_wait(n_chunks - _NBUF + b, b)


@jax.jit
def kernel(x, table):
    b, h = x.shape
    n = b * h
    assert n % (_NW * _CH * _NBUF) == 0
    n_chunks = n // (_NW * _CH)
    idx = x.reshape(n).astype(jnp.int32)

    mesh = plsc.VectorSubcoreMesh(core_axis_name="c", subcore_axis_name="s")
    out_padded = pl.kernel(
        functools.partial(_tec_body, n_chunks),
        out_type=jax.ShapeDtypeStruct((n, 2 * _D), jnp.float32),
        mesh=mesh,
        scratch_types=[
            pltpu.VMEM((n_chunks * _CH,), jnp.int32),
            [pltpu.VMEM((_CH, _D), jnp.float32) for _ in range(_NBUF)],
            [pltpu.SemaphoreType.DMA for _ in range(_NBUF)],
            [pltpu.SemaphoreType.DMA for _ in range(_NBUF)],
        ],
        compiler_params=pltpu.CompilerParams(use_tc_tiling_on_sc=False),
    )(idx, table)
    return out_padded[:, :_D].reshape(b, h, _D)

# --- scband reference (transcript-rebuilt; emitter-appended) ---
"""Pipeline reference for scband-token-embedding-55353538510856 (READ-ONLY COPY).

The authoritative reference and input builder live on the scoring server;
editing this copy changes nothing except your own understanding.
"""

import jax, jax.numpy as jnp
import numpy as np

VOCAB = 1000000
EMB_DIM = 64
BATCH = 4096
HIST = 200

def setup_inputs(seed: int = 0) -> dict:
    key = jax.random.key(seed)
    k1, k2 = jax.random.split(key)
    x = jax.random.randint(k1, (BATCH, HIST), 0, VOCAB, dtype=jnp.int64 if jax.config.jax_enable_x64 else jnp.int32)
    table = jax.random.normal(k2, (VOCAB, EMB_DIM), dtype=jnp.float32)
    return {"x": x, "table": table}

def reference(x, table):
    scale = jnp.sqrt(jnp.array([EMB_DIM], dtype=jnp.float32))
    emb = jnp.take(table, x, axis=0)
    return emb * scale

if __name__ == "__main__":
    import jax
    _d = setup_inputs()
    print(jax.jit(kernel)(*tuple(_d.values())))

</pallas_src>

<mosaic_0001>
#map = affine_map<(d0, d1) -> (0)>
#map1 = affine_map<(d0, d1) -> (0, 0)>
module attributes {stable_mosaic.version = 14 : i64} {
  func.func @_tec_body(%arg0: i32, %arg1: i32, %arg2: memref<819200xi32, #tpu.memory_space<hbm>>, %arg3: memref<1000000x64xf32, #tpu.memory_space<hbm>>, %arg4: memref<819200x128xf32, #tpu.memory_space<hbm>>, %arg5: memref<25600xi32, #tpu.memory_space<vmem>>, %arg6: memref<256x64xf32, #tpu.memory_space<vmem>>, %arg7: memref<256x64xf32, #tpu.memory_space<vmem>>, %arg8: memref<256x64xf32, #tpu.memory_space<vmem>>, %arg9: memref<256x64xf32, #tpu.memory_space<vmem>>, %arg10: memref<!tpu.dma_semaphore, #tpu.memory_space<semaphore_mem>>, %arg11: memref<!tpu.dma_semaphore, #tpu.memory_space<semaphore_mem>>, %arg12: memref<!tpu.dma_semaphore, #tpu.memory_space<semaphore_mem>>, %arg13: memref<!tpu.dma_semaphore, #tpu.memory_space<semaphore_mem>>, %arg14: memref<!tpu.dma_semaphore, #tpu.memory_space<semaphore_mem>>, %arg15: memref<!tpu.dma_semaphore, #tpu.memory_space<semaphore_mem>>, %arg16: memref<!tpu.dma_semaphore, #tpu.memory_space<semaphore_mem>>, %arg17: memref<!tpu.dma_semaphore, #tpu.memory_space<semaphore_mem>>) attributes {dimension_semantics = [#tpu.dimension_semantics<core_parallel>, #tpu.dimension_semantics<subcore_parallel>], iteration_bounds = array<i64: 2, 16>, scalar_prefetch = 0 : i64, scratch_operands = 13 : i64, tpu.core_type = #tpu.core_type<sc_vector_subcore>, window_params = [{transform_indices = #map}, {transform_indices = #map1}, {transform_indices = #map1}]} {
    %mul3A = arith.constant 2 : i32
    %mul3A_0 = arith.muli %arg1, %mul3A : i32
    %add3A = arith.addi %mul3A_0, %arg0 : i32
    %mul3A_1 = arith.constant 25600 : i32
    %mul3A_2 = arith.muli %add3A, %mul3A_1 : i32
    "tpu.region"() ({
      %run_scoped3A = tpu.sem_alloc : memref<!tpu.dma_semaphore, #tpu.memory_space<semaphore_mem>>
      %dma_start3A_318 = tpu.memref_slice %arg2[%mul3A_2] : memref<819200xi32, #tpu.memory_space<hbm>> -> memref<25600xi32, #tpu.memory_space<hbm>>
      %dma_start3A_319 = tpu.memref_slice %arg2[%mul3A_2] : memref<819200xi32, #tpu.memory_space<hbm>> -> memref<25600xi32, #tpu.memory_space<hbm>>
      tpu.enqueue_dma source(%dma_start3A_319 : memref<25600xi32, #tpu.memory_space<hbm>>) target(%arg5 : memref<25600xi32, #tpu.memory_space<vmem>>) target_semaphore(%run_scoped3A : memref<!tpu.dma_semaphore, #tpu.memory_space<semaphore_mem>>)
      %dma_wait3A_320 = tpu.memref_slice %arg2[%mul3A_2] : memref<819200xi32, #tpu.memory_space<hbm>> -> memref<25600xi32, #tpu.memory_space<hbm>>
      %dma_wait3A_321 = tpu.memref_slice %arg2[%mul3A_2] : memref<819200xi32, #tpu.memory_space<hbm>> -> memref<25600xi32, #tpu.memory_space<hbm>>
      tpu.wait_dma2 semaphore(%run_scoped3A : memref<!tpu.dma_semaphore, #tpu.memory_space<semaphore_mem>>) src(%dma_wait3A_321 : memref<25600xi32, #tpu.memory_space<hbm>>) dst(%arg5 : memref<25600xi32, #tpu.memory_space<vmem>>)
      tpu.yield
    }) : () -> ()
    %mul3A_3 = arith.constant 25600 : i32
    %mul3A_4 = arith.muli %add3A, %mul3A_3 : i32
    %get3A = arith.constant 0 : index
    %get3A_5 = tpu.vector_load %arg5[%get3A] {strides = array<i32>} : memref<25600xi32, #tpu.memory_space<vmem>>, vector<16xi32>,
    %get3A_6 = vector.shape_cast %get3A_5 : vector<16xi32> to vector<16xi32>
    %dma_start3A = arith.constant 0 : i32
    %dma_start3A_7 = arith.constant 0 : i32
    %dma_start3A_8 = tpu.memref_slice %arg6[%dma_start3A, %dma_start3A_7] : memref<256x64xf32, #tpu.memory_space<vmem>> -> memref<16x64xf32, #tpu.memory_space<vmem>>
    %dma_start3A_9 = arith.constant 0 : i32
    %dma_start3A_10 = arith.constant 0 : i32
    %dma_start3A_11 = tpu.memref_slice %arg3[%dma_start3A_9, %dma_start3A_10] : memref<1000000x64xf32, #tpu.memory_space<hbm>> -> memref<1000000x64xf32, #tpu.memory_space<hbm>>
    tpu.enqueue_indirect_dma source(%dma_start3A_11 : memref<1000000x64xf32, #tpu.memory_space<hbm>>) target(%dma_start3A_8 : memref<16x64xf32, #tpu.memory_space<vmem>>) offsets(%get3A_6 : vector<16xi32>) semaphore(%arg10 : memref<!tpu.dma_semaphore, #tpu.memory_space<semaphore_mem>>)
    %get3A_12 = arith.constant 16 : index
    %get3A_13 = tpu.vector_load %arg5[%get3A_12] {strides = array<i32>} : memref<25600xi32, #tpu.memory_space<vmem>>, vector<16xi32>,
    %get3A_14 = vector.shape_cast %get3A_13 : vector<16xi32> to vector<16xi32>
    %dma_start3A_15 = arith.constant 16 : i32
    %dma_start3A_16 = arith.constant 0 : i32
    %dma_start3A_17 = tpu.memref_slice %arg6[%dma_start3A_15, %dma_start3A_16] : memref<256x64xf32, #tpu.memory_space<vmem>> -> memref<16x64xf32, #tpu.memory_space<vmem>>
    %dma_start3A_18 = arith.constant 0 : i32
    %dma_start3A_19 = arith.constant 0 : i32
    %dma_start3A_20 = tpu.memref_slice %arg3[%dma_start3A_18, %dma_start3A_19] : memref<1000000x64xf32, #tpu.memory_space<hbm>> -> memref<1000000x64xf32, #tpu.memory_space<hbm>>
    tpu.enqueue_indirect_dma source(%dma_start3A_20 : memref<1000000x64xf32, #tpu.memory_space<hbm>>) target(%dma_start3A_17 : memref<16x64xf32, #tpu.memory_space<vmem>>) offsets(%get3A_14 : vector<16xi32>) semaphore(%arg10 : memref<!tpu.dma_semaphore, #tpu.memory_space<semaphore_mem>>)
    %get3A_21 = arith.constant 32 : index
    %get3A_22 = tpu.vector_load %arg5[%get3A_21] {strides = array<i32>} : memref<25600xi32, #tpu.memory_space<vmem>>, vector<16xi32>,
    %get3A_23 = vector.shape_cast %get3A_22 : vector<16xi32> to vector<16xi32>
    %dma_start3A_24 = arith.constant 32 : i32
    %dma_start3A_25 = arith.constant 0 : i32
    %dma_start3A_26 = tpu.memref_slice %arg6[%dma_start3A_24, %dma_start3A_25] : memref<256x64xf32, #tpu.memory_space<vmem>> -> memref<16x64xf32, #tpu.memory_space<vmem>>
    %dma_start3A_27 = arith.constant 0 : i32
    %dma_start3A_28 = arith.constant 0 : i32
    %dma_start3A_29 = tpu.memref_slice %arg3[%dma_start3A_27, %dma_start3A_28] : memref<1000000x64xf32, #tpu.memory_space<hbm>> -> memref<1000000x64xf32, #tpu.memory_space<hbm>>
    tpu.enqueue_indirect_dma source(%dma_start3A_29 : memref<1000000x64xf32, #tpu.memory_space<hbm>>) target(%dma_start3A_26 : memref<16x64xf32, #tpu.memory_space<vmem>>) offsets(%get3A_23 : vector<16xi32>) semaphore(%arg10 : memref<!tpu.dma_semaphore, #tpu.memory_space<semaphore_mem>>)
    %get3A_30 = arith.constant 48 : index
    %get3A_31 = tpu.vector_load %arg5[%get3A_30] {strides = array<i32>} : memref<25600xi32, #tpu.memory_space<vmem>>, vector<16xi32>,
    %get3A_32 = vector.shape_cast %get3A_31 : vector<16xi32> to vector<16xi32>
    %dma_start3A_33 = arith.constant 48 : i32
    %dma_start3A_34 = arith.constant 0 : i32
    %dma_start3A_35 = tpu.memref_slice %arg6[%dma_start3A_33, %dma_start3A_34] : memref<256x64xf32, #tpu.memory_space<vmem>> -> memref<16x64xf32, #tpu.memory_space<vmem>>
    %dma_start3A_36 = arith.constant 0 : i32
    %dma_start3A_37 = arith.constant 0 : i32
    %dma_start3A_38 = tpu.memref_slice %arg3[%dma_start3A_36, %dma_start3A_37] : memref<1000000x64xf32, #tpu.memory_space<hbm>> -> memref<1000000x64xf32, #tpu.memory_space<hbm>>
    tpu.enqueue_indirect_dma source(%dma_start3A_38 : memref<1000000x64xf32, #tpu.memory_space<hbm>>) target(%dma_start3A_35 : memref<16x64xf32, #tpu.memory_space<vmem>>) offsets(%get3A_32 : vector<16xi32>) semaphore(%arg10 : memref<!tpu.dma_semaphore, #tpu.memory_space<semaphore_mem>>)
    %get3A_39 = arith.constant 64 : index
    %get3A_40 = tpu.vector_load %arg5[%get3A_39] {strides = array<i32>} : memref<25600xi32, #tpu.memory_space<vmem>>, vector<16xi32>,
    %get3A_41 = vector.shape_cast %get3A_40 : vector<16xi32> to vector<16xi32>
    %dma_start3A_42 = arith.constant 64 : i32
    %dma_start3A_43 = arith.constant 0 : i32
    %dma_start3A_44 = tpu.memref_slice %arg6[%dma_start3A_42, %dma_start3A_43] : memref<256x64xf32, #tpu.memory_space<vmem>> -> memref<16x64xf32, #tpu.memory_space<vmem>>
    %dma_start3A_45 = arith.constant 0 : i32
    %dma_start3A_46 = arith.constant 0 : i32
    %dma_start3A_47 = tpu.memref_slice %arg3[%dma_start3A_45, %dma_start3A_46] : memref<1000000x64xf32, #tpu.memory_space<hbm>> -> memref<1000000x64xf32, #tpu.memory_space<hbm>>
    tpu.enqueue_indirect_dma source(%dma_start3A_47 : memref<1000000x64xf32, #tpu.memory_space<hbm>>) target(%dma_start3A_44 : memref<16x64xf32, #tpu.memory_space<vmem>>) offsets(%get3A_41 : vector<16xi32>) semaphore(%arg10 : memref<!tpu.dma_semaphore, #tpu.memory_space<semaphore_mem>>)
    %get3A_48 = arith.constant 80 : index
    %get3A_49 = tpu.vector_load %arg5[%get3A_48] {strides = array<i32>} : memref<25600xi32, #tpu.memory_space<vmem>>, vector<16xi32>,
    %get3A_50 = vector.shape_cast %get3A_49 : vector<16xi32> to vector<16xi32>
    %dma_start3A_51 = arith.constant 80 : i32
    %dma_start3A_52 = arith.constant 0 : i32
    %dma_start3A_53 = tpu.memref_slice %arg6[%dma_start3A_51, %dma_start3A_52] : memref<256x64xf32, #tpu.memory_space<vmem>> -> memref<16x64xf32, #tpu.memory_space<vmem>>
    %dma_start3A_54 = arith.constant 0 : i32
    %dma_start3A_55 = arith.constant 0 : i32
    %dma_start3A_56 = tpu.memref_slice %arg3[%dma_start3A_54, %dma_start3A_55] : memref<1000000x64xf32, #tpu.memory_space<hbm>> -> memref<1000000x64xf32, #tpu.memory_space<hbm>>
    tpu.enqueue_indirect_dma source(%dma_start3A_56 : memref<1000000x64xf32, #tpu.memory_space<hbm>>) target(%dma_start3A_53 : memref<16x64xf32, #tpu.memory_space<vmem>>) offsets(%get3A_50 : vector<16xi32>) semaphore(%arg10 : memref<!tpu.dma_semaphore, #tpu.memory_space<semaphore_mem>>)
    %get3A_57 = arith.constant 96 : index
    %get3A_58 = tpu.vector_load %arg5[%get3A_57] {strides = array<i32>} : memref<25600xi32, #tpu.memory_space<vmem>>, vector<16xi32>,
    %get3A_59 = vector.shape_cast %get3A_58 : vector<16xi32> to vector<16xi32>
    %dma_start3A_60 = arith.constant 96 : i32
    %dma_start3A_61 = arith.constant 0 : i32
    %dma_start3A_62 = tpu.memref_slice %arg6[%dma_start3A_60, %dma_start3A_61] : memref<256x64xf32, #tpu.memory_space<vmem>> -> memref<16x64xf32, #tpu.memory_space<vmem>>
    %dma_start3A_63 = arith.constant 0 : i32
    %dma_start3A_64 = arith.constant 0 : i32
    %dma_start3A_65 = tpu.memref_slice %arg3[%dma_start3A_63, %dma_start3A_64] : memref<1000000x64xf32, #tpu.memory_space<hbm>> -> memref<1000000x64xf32, #tpu.memory_space<hbm>>
    tpu.enqueue_indirect_dma source(%dma_start3A_65 : memref<1000000x64xf32, #tpu.memory_space<hbm>>) target(%dma_start3A_62 : memref<16x64xf32, #tpu.memory_space<vmem>>) offsets(%get3A_59 : vector<16xi32>) semaphore(%arg10 : memref<!tpu.dma_semaphore, #tpu.memory_space<semaphore_mem>>)
    %get3A_66 = arith.constant 112 : index
    %get3A_67 = tpu.vector_load %arg5[%get3A_66] {strides = array<i32>} : memref<25600xi32, #tpu.memory_space<vmem>>, vector<16xi32>,
    %get3A_68 = vector.shape_cast %get3A_67 : vector<16xi32> to vector<16xi32>
    %dma_start3A_69 = arith.constant 112 : i32
    %dma_start3A_70 = arith.constant 0 : i32
    %dma_start3A_71 = tpu.memref_slice %arg6[%dma_start3A_69, %dma_start3A_70] : memref<256x64xf32, #tpu.memory_space<vmem>> -> memref<16x64xf32, #tpu.memory_space<vmem>>
    %dma_start3A_72 = arith.constant 0 : i32
    %dma_start3A_73 = arith.constant 0 : i32
    %dma_start3A_74 = tpu.memref_slice %arg3[%dma_start3A_72, %dma_start3A_73] : memref<1000000x64xf32, #tpu.memory_space<hbm>> -> memref<1000000x64xf32, #tpu.memory_space<hbm>>
    tpu.enqueue_indirect_dma source(%dma_start3A_74 : memref<1000000x64xf32, #tpu.memory_space<hbm>>) target(%dma_start3A_71 : memref<16x64xf32, #tpu.memory_space<vmem>>) offsets(%get3A_68 : vector<16xi32>) semaphore(%arg10 : memref<!tpu.dma_semaphore, #tpu.memory_space<semaphore_mem>>)
    %get3A_75 = arith.constant 128 : index
    %get3A_76 = tpu.vector_load %arg5[%get3A_75] {strides = array<i32>} : memref<25600xi32, #tpu.memory_space<vmem>>, vector<16xi32>,
    %get3A_77 = vector.shape_cast %get3A_76 : vector<16xi32> to vector<16xi32>
    %dma_start3A_78 = arith.constant 128 : i32
    %dma_start3A_79 = arith.constant 0 : i32
    %dma_start3A_80 = tpu.memref_slice %arg6[%dma_start3A_78, %dma_start3A_79] : memref<256x64xf32, #tpu.memory_space<vmem>> -> memref<16x64xf32, #tpu.memory_space<vmem>>
    %dma_start3A_81 = arith.constant 0 : i32
    %dma_start3A_82 = arith.constant 0 : i32
    %dma_start3A_83 = tpu.memref_slice %arg3[%dma_start3A_81, %dma_start3A_82] : memref<1000000x64xf32, #tpu.memory_space<hbm>> -> memref<1000000x64xf32, #tpu.memory_space<hbm>>
    tpu.enqueue_indirect_dma source(%dma_start3A_83 : memref<1000000x64xf32, #tpu.memory_space<hbm>>) target(%dma_start3A_80 : memref<16x64xf32, #tpu.memory_space<vmem>>) offsets(%get3A_77 : vector<16xi32>) semaphore(%arg10 : memref<!tpu.dma_semaphore, #tpu.memory_space<semaphore_mem>>)
    %get3A_84 = arith.constant 144 : index
    %get3A_85 = tpu.vector_load %arg5[%get3A_84] {strides = array<i32>} : memref<25600xi32, #tpu.memory_space<vmem>>, vector<16xi32>,
    %get3A_86 = vector.shape_cast %get3A_85 : vector<16xi32> to vector<16xi32>
    %dma_start3A_87 = arith.constant 144 : i32
    %dma_start3A_88 = arith.constant 0 : i32
    %dma_start3A_89 = tpu.memref_slice %arg6[%dma_start3A_87, %dma_start3A_88] : memref<256x64xf32, #tpu.memory_space<vmem>> -> memref<16x64xf32, #tpu.memory_space<vmem>>
    %dma_start3A_90 = arith.constant 0 : i32
    %dma_start3A_91 = arith.constant 0 : i32
    %dma_start3A_92 = tpu.memref_slice %arg3[%dma_start3A_90, %dma_start3A_91] : memref<1000000x64xf32, #tpu.memory_space<hbm>> -> memref<1000000x64xf32, #tpu.memory_space<hbm>>
    tpu.enqueue_indirect_dma source(%dma_start3A_92 : memref<1000000x64xf32, #tpu.memory_space<hbm>>) target(%dma_start3A_89 : memref<16x64xf32, #tpu.memory_space<vmem>>) offsets(%get3A_86 : vector<16xi32>) semaphore(%arg10 : memref<!tpu.dma_semaphore, #tpu.memory_space<semaphore_mem>>)
    %get3A_93 = arith.constant 160 : index
    %get3A_94 = tpu.vector_load %arg5[%get3A_93] {strides = array<i32>} : memref<25600xi32, #tpu.memory_space<vmem>>, vector<16xi32>,
    %get3A_95 = vector.shape_cast %get3A_94 : vector<16xi32> to vector<16xi32>
    %dma_start3A_96 = arith.constant 160 : i32
    %dma_start3A_97 = arith.constant 0 : i32
    %dma_start3A_98 = tpu.memref_slice %arg6[%dma_start3A_96, %dma_start3A_97] : memref<256x64xf32, #tpu.memory_space<vmem>> -> memref<16x64xf32, #tpu.memory_space<vmem>>
    %dma_start3A_99 = arith.constant 0 : i32
    %dma_start3A_100 = arith.constant 0 : i32
    %dma_start3A_101 = tpu.memref_slice %arg3[%dma_start3A_99, %dma_start3A_100] : memref<1000000x64xf32, #tpu.memory_space<hbm>> -> memref<1000000x64xf32, #tpu.memory_space<hbm>>
    tpu.enqueue_indirect_dma source(%dma_start3A_101 : memref<1000000x64xf32, #tpu.memory_space<hbm>>) target(%dma_start3A_98 : memref<16x64xf32, #tpu.memory_space<vmem>>) offsets(%get3A_95 : vector<16xi32>) semaphore(%arg10 : memref<!tpu.dma_semaphore, #tpu.memory_space<semaphore_mem>>)
    %get3A_102 = arith.constant 176 : index
    %get3A_103 = tpu.vector_load %arg5[%get3A_102] {strides = array<i32>} : memref<25600xi32, #tpu.memory_space<vmem>>, vector<16xi32>,
    %get3A_104 = vector.shape_cast %get3A_103 : vector<16xi32> to vector<16xi32>
    %dma_start3A_105 = arith.constant 176 : i32
    %dma_start3A_106 = arith.constant 0 : i32
    %dma_start3A_107 = tpu.memref_slice %arg6[%dma_start3A_105, %dma_start3A_106] : memref<256x64xf32, #tpu.memory_space<vmem>> -> memref<16x64xf32, #tpu.memory_space<vmem>>
    %dma_start3A_108 = arith.constant 0 : i32
    %dma_start3A_109 = arith.constant 0 : i32
    %dma_start3A_110 = tpu.memref_slice %arg3[%dma_start3A_108, %dma_start3A_109] : memref<1000000x64xf32, #tpu.memory_space<hbm>> -> memref<1000000x64xf32, #tpu.memory_space<hbm>>
    tpu.enqueue_indirect_dma source(%dma_start3A_110 : memref<1000000x64xf32, #tpu.memory_space<hbm>>) target(%dma_start3A_107 : memref<16x64xf32, #tpu.memory_space<vmem>>) offsets(%get3A_104 : vector<16xi32>) semaphore(%arg10 : memref<!tpu.dma_semaphore, #tpu.memory_space<semaphore_mem>>)
    %get3A_111 = arith.constant 192 : index
    %get3A_112 = tpu.vector_load %arg5[%get3A_111] {strides = array<i32>} : memref<25600xi32, #tpu.memory_space<vmem>>, vector<16xi32>,
    %get3A_113 = vector.shape_cast %get3A_112 : vector<16xi32> to vector<16xi32>
    %dma_start3A_114 = arith.constant 192 : i32
    %dma_start3A_115 = arith.constant 0 : i32
    %dma_start3A_116 = tpu.memref_slice %arg6[%dma_start3A_114, %dma_start3A_115] : memref<256x64xf32, #tpu.memory_space<vmem>> -> memref<16x64xf32, #tpu.memory_space<vmem>>
    %dma_start3A_117 = arith.constant 0 : i32
    %dma_start3A_118 = arith.constant 0 : i32
    %dma_start3A_119 = tpu.memref_slice %arg3[%dma_start3A_117, %dma_start3A_118] : memref<1000000x64xf32, #tpu.memory_space<hbm>> -> memref<1000000x64xf32, #tpu.memory_space<hbm>>
    tpu.enqueue_indirect_dma source(%dma_start3A_119 : memref<1000000x64xf32, #tpu.memory_space<hbm>>) target(%dma_start3A_116 : memref<16x64xf32, #tpu.memory_space<vmem>>) offsets(%get3A_113 : vector<16xi32>) semaphore(%arg10 : memref<!tpu.dma_semaphore, #tpu.memory_space<semaphore_mem>>)
    %get3A_120 = arith.constant 208 : index
    %get3A_121 = tpu.vector_load %arg5[%get3A_120] {strides = array<i32>} : memref<25600xi32, #tpu.memory_space<vmem>>, vector<16xi32>,
    %get3A_122 = vector.shape_cast %get3A_121 : vector<16xi32> to vector<16xi32>
    %dma_start3A_123 = arith.constant 208 : i32
    %dma_start3A_124 = arith.constant 0 : i32
    %dma_start3A_125 = tpu.memref_slice %arg6[%dma_start3A_123, %dma_start3A_124] : memref<256x64xf32, #tpu.memory_space<vmem>> -> memref<16x64xf32, #tpu.memory_space<vmem>>
    %dma_start3A_126 = arith.constant 0 : i32
    %dma_start3A_127 = arith.constant 0 : i32
    %dma_start3A_128 = tpu.memref_slice %arg3[%dma_start3A_126, %dma_start3A_127] : memref<1000000x64xf32, #tpu.memory_space<hbm>> -> memref<1000000x64xf32, #tpu.memory_space<hbm>>
    tpu.enqueue_indirect_dma source(%dma_start3A_128 : memref<1000000x64xf32, #tpu.memory_space<hbm>>) target(%dma_start3A_125 : memref<16x64xf32, #tpu.memory_space<vmem>>) offsets(%get3A_122 : vector<16xi32>) semaphore(%arg10 : memref<!tpu.dma_semaphore, #tpu.memory_space<semaphore_mem>>)
    %get3A_129 = arith.constant 224 : index
    %get3A_130 = tpu.vector_load %arg5[%get3A_129] {strides = array<i32>} : memref<25600xi32, #tpu.memory_space<vmem>>, vector<16xi32>,
    %get3A_131 = vector.shape_cast %get3A_130 : vector<16xi32> to vector<16xi32>
    %dma_start3A_132 = arith.constant 224 : i32
    %dma_start3A_133 = arith.constant 0 : i32
    %dma_start3A_134 = tpu.memref_slice %arg6[%dma_start3A_132, %dma_start3A_133] : memref<256x64xf32, #tpu.memory_space<vmem>> -> memref<16x64xf32, #tpu.memory_space<vmem>>
    %dma_start3A_135 = arith.constant 0 : i32
    %dma_start3A_136 = arith.constant 0 : i32
    %dma_start3A_137 = tpu.memref_slice %arg3[%dma_start3A_135, %dma_start3A_136] : memref<1000000x64xf32, #tpu.memory_space<hbm>> -> memref<1000000x64xf32, #tpu.memory_space<hbm>>
    tpu.enqueue_indirect_dma source(%dma_start3A_137 : memref<1000000x64xf32, #tpu.memory_space<hbm>>) target(%dma_start3A_134 : memref<16x64xf32, #tpu.memory_space<vmem>>) offsets(%get3A_131 : vector<16xi32>) semaphore(%arg10 : memref<!tpu.dma_semaphore, #tpu.memory_space<semaphore_mem>>)
    %get3A_138 = arith.constant 240 : index
    %get3A_139 = tpu.vector_load %arg5[%get3A_138] {strides = array<i32>} : memref<25600xi32, #tpu.memory_space<vmem>>, vector<16xi32>,
    %get3A_140 = vector.shape_cast %get3A_139 : vector<16xi32> to vector<16xi32>
    %dma_start3A_141 = arith.constant 240 : i32
    %dma_start3A_142 = arith.constant 0 : i32
    %dma_start3A_143 = tpu.memref_slice %arg6[%dma_start3A_141, %dma_start3A_142] : memref<256x64xf32, #tpu.memory_space<vmem>> -> memref<16x64xf32, #tpu.memory_space<vmem>>
    %dma_start3A_144 = arith.constant 0 : i32
    %dma_start3A_145 = arith.constant 0 : i32
    %dma_start3A_146 = tpu.memref_slice %arg3[%dma_start3A_144, %dma_start3A_145] : memref<1000000x64xf32, #tpu.memory_space<hbm>> -> memref<1000000x64xf32, #tpu.memory_space<hbm>>
    tpu.enqueue_indirect_dma source(%dma_start3A_146 : memref<1000000x64xf32, #tpu.memory_space<hbm>>) target(%dma_start3A_143 : memref<16x64xf32, #tpu.memory_space<vmem>>) offsets(%get3A_140 : vector<16xi32>) semaphore(%arg10 : memref<!tpu.dma_semaphore, #tpu.memory_space<semaphore_mem>>)
    %get3A_147 = arith.constant 256 : index
    %get3A_148 = tpu.vector_load %arg5[%get3A_147] {strides = array<i32>} : memref<25600xi32, #tpu.memory_space<vmem>>, vector<16xi32>,
    %get3A_149 = vector.shape_cast %get3A_148 : vector<16xi32> to vector<16xi32>
    %dma_start3A_150 = arith.constant 0 : i32
    %dma_start3A_151 = arith.constant 0 : i32
    %dma_start3A_152 = tpu.memref_slice %arg7[%dma_start3A_150, %dma_start3A_151] : memref<256x64xf32, #tpu.memory_space<vmem>> -> memref<16x64xf32, #tpu.memory_space<vmem>>
    %dma_start3A_153 = arith.constant 0 : i32
    %dma_start3A_154 = arith.constant 0 : i32
    %dma_start3A_155 = tpu.memref_slice %arg3[%dma_start3A_153, %dma_start3A_154] : memref<1000000x64xf32, #tpu.memory_space<hbm>> -> memref<1000000x64xf32, #tpu.memory_space<hbm>>
    tpu.enqueue_indirect_dma source(%dma_start3A_155 : memref<1000000x64xf32, #tpu.memory_space<hbm>>) target(%dma_start3A_152 : memref<16x64xf32, #tpu.memory_space<vmem>>) offsets(%get3A_149 : vector<16xi32>) semaphore(%arg11 : memref<!tpu.dma_semaphore, #tpu.memory_space<semaphore_mem>>)
    %get3A_156 = arith.constant 272 : index
    %get3A_157 = tpu.vector_load %arg5[%get3A_156] {strides = array<i32>} : memref<25600xi32, #tpu.memory_space<vmem>>, vector<16xi32>,
    %get3A_158 = vector.shape_cast %get3A_157 : vector<16xi32> to vector<16xi32>
    %dma_start3A_159 = arith.constant 16 : i32
    %dma_start3A_160 = arith.constant 0 : i32
    %dma_start3A_161 = tpu.memref_slice %arg7[%dma_start3A_159, %dma_start3A_160] : memref<256x64xf32, #tpu.memory_space<vmem>> -> memref<16x64xf32, #tpu.memory_space<vmem>>
    %dma_start3A_162 = arith.constant 0 : i32
    %dma_start3A_163 = arith.constant 0 : i32
    %dma_start3A_164 = tpu.memref_slice %arg3[%dma_start3A_162, %dma_start3A_163] : memref<1000000x64xf32, #tpu.memory_space<hbm>> -> memref<1000000x64xf32, #tpu.memory_space<hbm>>
    tpu.enqueue_indirect_dma source(%dma_start3A_164 : memref<1000000x64xf32, #tpu.memory_space<hbm>>) target(%dma_start3A_161 : memref<16x64xf32, #tpu.memory_space<vmem>>) offsets(%get3A_158 : vector<16xi32>) semaphore(%arg11 : memref<!tpu.dma_semaphore, #tpu.memory_space<semaphore_mem>>)
    %get3A_165 = arith.constant 288 : index
    %get3A_166 = tpu.vector_load %arg5[%get3A_165] {strides = array<i32>} : memref<25600xi32, #tpu.memory_space<vmem>>, vector<16xi32>,
    %get3A_167 = vector.shape_cast %get3A_166 : vector<16xi32> to vector<16xi32>
    %dma_start3A_168 = arith.constant 32 : i32
    %dma_start3A_169 = arith.constant 0 : i32
    %dma_start3A_170 = tpu.memref_slice %arg7[%dma_start3A_168, %dma_start3A_169] : memref<256x64xf32, #tpu.memory_space<vmem>> -> memref<16x64xf32, #tpu.memory_space<vmem>>
    %dma_start3A_171 = arith.constant 0 : i32
    %dma_start3A_172 = arith.constant 0 : i32
    %dma_start3A_173 = tpu.memref_slice %arg3[%dma_start3A_171, %dma_start3A_172] : memref<1000000x64xf32, #tpu.memory_space<hbm>> -> memref<1000000x64xf32, #tpu.memory_space<hbm>>
    tpu.enqueue_indirect_dma source(%dma_start3A_173 : memref<1000000x64xf32, #tpu.memory_space<hbm>>) target(%dma_start3A_170 : memref<16x64xf32, #tpu.memory_space<vmem>>) offsets(%get3A_167 : vector<16xi32>) semaphore(%arg11 : memref<!tpu.dma_semaphore, #tpu.memory_space<semaphore_mem>>)
    %get3A_174 = arith.constant 304 : index
    %get3A_175 = tpu.vector_load %arg5[%get3A_174] {strides = array<i32>} : memref<25600xi32, #tpu.memory_space<vmem>>, vector<16xi32>,
    %get3A_176 = vector.shape_cast %get3A_175 : vector<16xi32> to vector<16xi32>
    %dma_start3A_177 = arith.constant 48 : i32
    %dma_start3A_178 = arith.constant 0 : i32
    %dma_start3A_179 = tpu.memref_slice %arg7[%dma_start3A_177, %dma_start3A_178] : memref<256x64xf32, #tpu.memory_space<vmem>> -> memref<16x64xf32, #tpu.memory_space<vmem>>
    %dma_start3A_180 = arith.constant 0 : i32
    %dma_start3A_181 = arith.constant 0 : i32
    %dma_start3A_182 = tpu.memref_slice %arg3[%dma_start3A_180, %dma_start3A_181] : memref<1000000x64xf32, #tpu.memory_space<hbm>> -> memref<1000000x64xf32, #tpu.memory_space<hbm>>
    tpu.enqueue_indirect_dma source(%dma_start3A_182 : memref<1000000x64xf32, #tpu.memory_space<hbm>>) target(%dma_start3A_179 : memref<16x64xf32, #tpu.memory_space<vmem>>) offsets(%get3A_176 : vector<16xi32>) semaphore(%arg11 : memref<!tpu.dma_semaphore, #tpu.memory_space<semaphore_mem>>)
    %get3A_183 = arith.constant 320 : index
    %get3A_184 = tpu.vector_load %arg5[%get3A_183] {strides = array<i32>} : memref<25600xi32, #tpu.memory_space<vmem>>, vector<16xi32>,
    %get3A_185 = vector.shape_cast %get3A_184 : vector<16xi32> to vector<16xi32>
    %dma_start3A_186 = arith.constant 64 : i32
    %dma_start3A_187 = arith.constant 0 : i32
    %dma_start3A_188 = tpu.memref_slice %arg7[%dma_start3A_186, %dma_start3A_187] : memref<256x64xf32, #tpu.memory_space<vmem>> -> memref<16x64xf32, #tpu.memory_space<vmem>>
    %dma_start3A_189 = arith.constant 0 : i32
    %dma_start3A_190 = arith.constant 0 : i32
    %dma_start3A_191 = tpu.memref_slice %arg3[%dma_start3A_189, %dma_start3A_190] : memref<1000000x64xf32, #tpu.memory_space<hbm>> -> memref<1000000x64xf32, #tpu.memory_space<hbm>>
    tpu.enqueue_indirect_dma source(%dma_start3A_191 : memref<1000000x64xf32, #tpu.memory_space<hbm>>) target(%dma_start3A_188 : memref<16x64xf32, #tpu.memory_space<vmem>>) offsets(%get3A_185 : vector<16xi32>) semaphore(%arg11 : memref<!tpu.dma_semaphore, #tpu.memory_space<semaphore_mem>>)
    %get3A_192 = arith.constant 336 : index
    %get3A_193 = tpu.vector_load %arg5[%get3A_192] {strides = array<i32>} : memref<25600xi32, #tpu.memory_space<vmem>>, vector<16xi32>,
    %get3A_194 = vector.shape_cast %get3A_193 : vector<16xi32> to vector<16xi32>
    %dma_start3A_195 = arith.constant 80 : i32
    %dma_start3A_196 = arith.constant 0 : i32
    %dma_start3A_197 = tpu.memref_slice %arg7[%dma_start3A_195, %dma_start3A_196] : memref<256x64xf32, #tpu.memory_space<vmem>> -> memref<16x64xf32, #tpu.memory_space<vmem>>
    %dma_start3A_198 = arith.constant 0 : i32
    %dma_start3A_199 = arith.constant 0 : i32
    %dma_start3A_200 = tpu.memref_slice %arg3[%dma_start3A_198, %dma_start3A_199] : memref<1000000x64xf32, #tpu.memory_space<hbm>> -> memref<1000000x64xf32, #tpu.memory_space<hbm>>
    tpu.enqueue_indirect_dma source(%dma_start3A_200 : memref<1000000x64xf32, #tpu.memory_space<hbm>>) target(%dma_start3A_197 : memref<16x64xf32, #tpu.memory_space<vmem>>) offsets(%get3A_194 : vector<16xi32>) semaphore(%arg11 : memref<!tpu.dma_semaphore, #tpu.memory_space<semaphore_mem>>)
    %get3A_201 = arith.constant 352 : index
    %get3A_202 = tpu.vector_load %arg5[%get3A_201] {strides = array<i32>} : memref<25600xi32, #tpu.memory_space<vmem>>, vector<16xi32>,
    %get3A_203 = vector.shape_cast %get3A_202 : vector<16xi32> to vector<16xi32>
    %dma_start3A_204 = arith.constant 96 : i32
    %dma_start3A_205 = arith.constant 0 : i32
    %dma_start3A_206 = tpu.memref_slice %arg7[%dma_start3A_204, %dma_start3A_205] : memref<256x64xf32, #tpu.memory_space<vmem>> -> memref<16x64xf32, #tpu.memory_space<vmem>>
    %dma_start3A_207 = arith.constant 0 : i32
    %dma_start3A_208 = arith.constant 0 : i32
    %dma_start3A_209 = tpu.memref_slice %arg3[%dma_start3A_207, %dma_start3A_208] : memref<1000000x64xf32, #tpu.memory_space<hbm>> -> memref<1000000x64xf32, #tpu.memory_space<hbm>>
    tpu.enqueue_indirect_dma source(%dma_start3A_209 : memref<1000000x64xf32, #tpu.memory_space<hbm>>) target(%dma_start3A_206 : memref<16x64xf32, #tpu.memory_space<vmem>>) offsets(%get3A_203 : vector<16xi32>) semaphore(%arg11 : memref<!tpu.dma_semaphore, #tpu.memory_space<semaphore_mem>>)
    %get3A_210 = arith.constant 368 : index
    %get3A_211 = tpu.vector_load %arg5[%get3A_210] {strides = array<i32>} : memref<25600xi32, #tpu.memory_space<vmem>>, vector<16xi32>,
    %get3A_212 = vector.shape_cast %get3A_211 : vector<16xi32> to vector<16xi32>
    %dma_start3A_213 = arith.constant 112 : i32
    %dma_start3A_214 = arith.constant 0 : i32
    %dma_start3A_215 = tpu.memref_slice %arg7[%dma_start3A_213, %dma_start3A_214] : memref<256x64xf32, #tpu.memory_space<vmem>> -> memref<16x64xf32, #tpu.memory_space<vmem>>
    %dma_start3A_216 = arith.constant 0 : i32
    %dma_start3A_217 = arith.constant 0 : i32
    %dma_start3A_218 = tpu.memref_slice %arg3[%dma_start3A_216, %dma_start3A_217] : memref<1000000x64xf32, #tpu.memory_space<hbm>> -> memref<1000000x64xf32, #tpu.memory_space<hbm>>
    tpu.enqueue_indirect_dma source(%dma_start3A_218 : memref<1000000x64xf32, #tpu.memory_space<hbm>>) target(%dma_start3A_215 : memref<16x64xf32, #tpu.memory_space<vmem>>) offsets(%get3A_212 : vector<16xi32>) semaphore(%arg11 : memref<!tpu.dma_semaphore, #tpu.memory_space<semaphore_mem>>)
    %get3A_219 = arith.constant 384 : index
    %get3A_220 = tpu.vector_load %arg5[%get3A_219] {strides = array<i32>} : memref<25600xi32, #tpu.memory_space<vmem>>, vector<16xi32>,
    %get3A_221 = vector.shape_cast %get3A_220 : vector<16xi32> to vector<16xi32>
    %dma_start3A_222 = arith.constant 128 : i32
    %dma_start3A_223 = arith.constant 0 : i32
    %dma_start3A_224 = tpu.memref_slice %arg7[%dma_start3A_222, %dma_start3A_223] : memref<256x64xf32, #tpu.memory_space<vmem>> -> memref<16x64xf32, #tpu.memory_space<vmem>>
    %dma_start3A_225 = arith.constant 0 : i32
    %dma_start3A_226 = arith.constant 0 : i32
    %dma_start3A_227 = tpu.memref_slice %arg3[%dma_start3A_225, %dma_start3A_226] : memref<1000000x64xf32, #tpu.memory_space<hbm>> -> memref<1000000x64xf32, #tpu.memory_space<hbm>>
    tpu.enqueue_indirect_dma source(%dma_start3A_227 : memref<1000000x64xf32, #tpu.memory_space<hbm>>) target(%dma_start3A_224 : memref<16x64xf32, #tpu.memory_space<vmem>>) offsets(%get3A_221 : vector<16xi32>) semaphore(%arg11 : memref<!tpu.dma_semaphore, #tpu.memory_space<semaphore_mem>>)
    %get3A_228 = arith.constant 400 : index
    %get3A_229 = tpu.vector_load %arg5[%get3A_228] {strides = array<i32>} : memref<25600xi32, #tpu.memory_space<vmem>>, vector<16xi32>,
    %get3A_230 = vector.shape_cast %get3A_229 : vector<16xi32> to vector<16xi32>
    %dma_start3A_231 = arith.constant 144 : i32
    %dma_start3A_232 = arith.constant 0 : i32
    %dma_start3A_233 = tpu.memref_slice %arg7[%dma_start3A_231, %dma_start3A_232] : memref<256x64xf32, #tpu.memory_space<vmem>> -> memref<16x64xf32, #tpu.memory_space<vmem>>
    %dma_start3A_234 = arith.constant 0 : i32
    %dma_start3A_235 = arith.constant 0 : i32
    %dma_start3A_236 = tpu.memref_slice %arg3[%dma_start3A_234, %dma_start3A_235] : memref<1000000x64xf32, #tpu.memory_space<hbm>> -> memref<1000000x64xf32, #tpu.memory_space<hbm>>
    tpu.enqueue_indirect_dma source(%dma_start3A_236 : memref<1000000x64xf32, #tpu.memory_space<hbm>>) target(%dma_start3A_233 : memref<16x64xf32, #tpu.memory_space<vmem>>) offsets(%get3A_230 : vector<16xi32>) semaphore(%arg11 : memref<!tpu.dma_semaphore, #tpu.memory_space<semaphore_mem>>)
    %get3A_237 = arith.constant 416 : index
    %get3A_238 = tpu.vector_load %arg5[%get3A_237] {strides = array<i32>} : memref<25600xi32, #tpu.memory_space<vmem>>, vector<16xi32>,
    %get3A_239 = vector.shape_cast %get3A_238 : vector<16xi32> to vector<16xi32>
    %dma_start3A_240 = arith.constant 160 : i32
    %dma_start3A_241 = arith.constant 0 : i32
    %dma_start3A_242 = tpu.memref_slice %arg7[%dma_start3A_240, %dma_start3A_241] : memref<256x64xf32, #tpu.memory_space<vmem>> -> memref<16x64xf32, #tpu.memory_space<vmem>>
    %dma_start3A_243 = arith.constant 0 : i32
    %dma_start3A_244 = arith.constant 0 : i32
    %dma_start3A_245 = tpu.memref_slice %arg3[%dma_start3A_243, %dma_start3A_244] : memref<1000000x64xf32, #tpu.memory_space<hbm>> -> memref<1000000x64xf32, #tpu.memory_space<hbm>>
    tpu.enqueue_indirect_dma source(%dma_start3A_245 : memref<1000000x64xf32, #tpu.memory_space<hbm>>) target(%dma_start3A_242 : memref<16x64xf32, #tpu.memory_space<vmem>>) offsets(%get3A_239 : vector<16xi32>) semaphore(%arg11 : memref<!tpu.dma_semaphore, #tpu.memory_space<semaphore_mem>>)
    %get3A_246 = arith.constant 432 : index
    %get3A_247 = tpu.vector_load %arg5[%get3A_246] {strides = array<i32>} : memref<25600xi32, #tpu.memory_space<vmem>>, vector<16xi32>,
    %get3A_248 = vector.shape_cast %get3A_247 : vector<16xi32> to vector<16xi32>
    %dma_start3A_249 = arith.constant 176 : i32
    %dma_start3A_250 = arith.constant 0 : i32
    %dma_start3A_251 = tpu.memref_slice %arg7[%dma_start3A_249, %dma_start3A_250] : memref<256x64xf32, #tpu.memory_space<vmem>> -> memref<16x64xf32, #tpu.memory_space<vmem>>
    %dma_start3A_252 = arith.constant 0 : i32
    %dma_start3A_253 = arith.constant 0 : i32
    %dma_start3A_254 = tpu.memref_slice %arg3[%dma_start3A_252, %dma_start3A_253] : memref<1000000x64xf32, #tpu.memory_space<hbm>> -> memref<1000000x64xf32, #tpu.memory_space<hbm>>
    tpu.enqueue_indirect_dma source(%dma_start3A_254 : memref<1000000x64xf32, #tpu.memory_space<hbm>>) target(%dma_start3A_251 : memref<16x64xf32, #tpu.memory_space<vmem>>) offsets(%get3A_248 : vector<16xi32>) semaphore(%arg11 : memref<!tpu.dma_semaphore, #tpu.memory_space<semaphore_mem>>)
    %get3A_255 = arith.constant 448 : index
    %get3A_256 = tpu.vector_load %arg5[%get3A_255] {strides = array<i32>} : memref<25600xi32, #tpu.memory_space<vmem>>, vector<16xi32>,
    %get3A_257 = vector.shape_cast %get3A_256 : vector<16xi32> to vector<16xi32>
    %dma_start3A_258 = arith.constant 192 : i32
    %dma_start3A_259 = arith.constant 0 : i32
    %dma_start3A_260 = tpu.memref_slice %arg7[%dma_start3A_258, %dma_start3A_259] : memref<256x64xf32, #tpu.memory_space<vmem>> -> memref<16x64xf32, #tpu.memory_space<vmem>>
    %dma_start3A_261 = arith.constant 0 : i32
    %dma_start3A_262 = arith.constant 0 : i32
    %dma_start3A_263 = tpu.memref_slice %arg3[%dma_start3A_261, %dma_start3A_262] : memref<1000000x64xf32, #tpu.memory_space<hbm>> -> memref<1000000x64xf32, #tpu.memory_space<hbm>>
    tpu.enqueue_indirect_dma source(%dma_start3A_263 : memref<1000000x64xf32, #tpu.memory_space<hbm>>) target(%dma_start3A_260 : memref<16x64xf32, #tpu.memory_space<vmem>>) offsets(%get3A_257 : vector<16xi32>) semaphore(%arg11 : memref<!tpu.dma_semaphore, #tpu.memory_space<semaphore_mem>>)
    %get3A_264 = arith.constant 464 : index
    %get3A_265 = tpu.vector_load %arg5[%get3A_264] {strides = array<i32>} : memref<25600xi32, #tpu.memory_space<vmem>>, vector<16xi32>,
    %get3A_266 = vector.shape_cast %get3A_265 : vector<16xi32> to vector<16xi32>
    %dma_start3A_267 = arith.constant 208 : i32
    %dma_start3A_268 = arith.constant 0 : i32
    %dma_start3A_269 = tpu.memref_slice %arg7[%dma_start3A_267, %dma_start3A_268] : memref<256x64xf32, #tpu.memory_space<vmem>> -> memref<16x64xf32, #tpu.memory_space<vmem>>
    %dma_start3A_270 = arith.constant 0 : i32
    %dma_start3A_271 = arith.constant 0 : i32
    %dma_start3A_272 = tpu.memref_slice %arg3[%dma_start3A_270, %dma_start3A_271] : memref<1000000x64xf32, #tpu.memory_space<hbm>> -> memref<1000000x64xf32, #tpu.memory_space<hbm>>
    tpu.enqueue_indirect_dma source(%dma_start3A_272 : memref<1000000x64xf32, #tpu.memory_space<hbm>>) target(%dma_start3A_269 : memref<16x64xf32, #tpu.memory_space<vmem>>) offsets(%get3A_266 : vector<16xi32>) semaphore(%arg11 : memref<!tpu.dma_semaphore, #tpu.memory_space<semaphore_mem>>)
    %get3A_273 = arith.constant 480 : index
    %get3A_274 = tpu.vector_load %arg5[%get3A_273] {strides = array<i32>} : memref<25600xi32, #tpu.memory_space<vmem>>, vector<16xi32>,
    %get3A_275 = vector.shape_cast %get3A_274 : vector<16xi32> to vector<16xi32>
    %dma_start3A_276 = arith.constant 224 : i32
    %dma_start3A_277 = arith.constant 0 : i32
    %dma_start3A_278 = tpu.memref_slice %arg7[%dma_start3A_276, %dma_start3A_277] : memref<256x64xf32, #tpu.memory_space<vmem>> -> memref<16x64xf32, #tpu.memory_space<vmem>>
    %dma_start3A_279 = arith.constant 0 : i32
    %dma_start3A_280 = arith.constant 0 : i32
    %dma_start3A_281 = tpu.memref_slice %arg3[%dma_start3A_279, %dma_start3A_280] : memref<1000000x64xf32, #tpu.memory_space<hbm>> -> memref<1000000x64xf32, #tpu.memory_space<hbm>>
    tpu.enqueue_indirect_dma source(%dma_start3A_281 : memref<1000000x64xf32, #tpu.memory_space<hbm>>) target(%dma_start3A_278 : memref<16x64xf32, #tpu.memory_space<vmem>>) offsets(%get3A_275 : vector<16xi32>) semaphore(%arg11 : memref<!tpu.dma_semaphore, #tpu.memory_space<semaphore_mem>>)
    %get3A_282 = arith.constant 496 : index
    %get3A_283 = tpu.vector_load %arg5[%get3A_282] {strides = array<i32>} : memref<25600xi32, #tpu.memory_space<vmem>>, vector<16xi32>,
    %get3A_284 = vector.shape_cast %get3A_283 : vector<16xi32> to vector<16xi32>
    %dma_start3A_285 = arith.constant 240 : i32
    %dma_start3A_286 = arith.constant 0 : i32
    %dma_start3A_287 = tpu.memref_slice %arg7[%dma_start3A_285, %dma_start3A_286] : memref<256x64xf32, #tpu.memory_space<vmem>> -> memref<16x64xf32, #tpu.memory_space<vmem>>
    %dma_start3A_288 = arith.constant 0 : i32
    %dma_start3A_289 = arith.constant 0 : i32
    %dma_start3A_290 = tpu.memref_slice %arg3[%dma_start3A_288, %dma_start3A_289] : memref<1000000x64xf32, #tpu.memory_space<hbm>> -> memref<1000000x64xf32, #tpu.memory_space<hbm>>
    tpu.enqueue_indirect_dma source(%dma_start3A_290 : memref<1000000x64xf32, #tpu.memory_space<hbm>>) target(%dma_start3A_287 : memref<16x64xf32, #tpu.memory_space<vmem>>) offsets(%get3A_284 : vector<16xi32>) semaphore(%arg11 : memref<!tpu.dma_semaphore, #tpu.memory_space<semaphore_mem>>)
    %scan3A = arith.constant 0 : i32
    %scan3A_291 = arith.constant 25 : i32
    %scan3A_292 = arith.addi %scan3A, %scan3A_291 : i32
    %scan3A_293 = arith.constant 1 : i32
    scf.for %scan3A_318 = %scan3A to %scan3A_292 step %scan3A_293  : i32 {
      %mul3A_319 = arith.constant 4 : i32
      %mul3A_320 = arith.muli %scan3A_318, %mul3A_319 : i32
      %add3A_321 = arith.constant 0 : i32
      %add3A_322 = arith.addi %add3A_321, %mul3A_320 : i32
      %add3A_323 = arith.constant 0 : i32
      %add3A_324 = arith.addi %add3A_322, %add3A_323 : i32
      %dma_wait3A_325 = arith.constant 0 : i32
      %dma_wait3A_326 = arith.constant 0 : i32
      %dma_wait3A_327 = tpu.memref_slice %arg3[%dma_wait3A_325, %dma_wait3A_326] : memref<1000000x64xf32, #tpu.memory_space<hbm>> -> memref<256x64xf32, #tpu.memory_space<hbm>>
      %dma_wait3A_328 = arith.constant 0 : i32
      %dma_wait3A_329 = arith.constant 0 : i32
      %dma_wait3A_330 = tpu.memref_slice %arg3[%dma_wait3A_328, %dma_wait3A_329] : memref<1000000x64xf32, #tpu.memory_space<hbm>> -> memref<256x64xf32, #tpu.memory_space<hbm>>
      tpu.wait_dma2 semaphore(%arg10 : memref<!tpu.dma_semaphore, #tpu.memory_space<semaphore_mem>>) src(%dma_wait3A_330 : memref<256x64xf32, #tpu.memory_space<hbm>>) dst(%arg6 : memref<256x64xf32, #tpu.memory_space<vmem>>)
      %parallel_loop3A = arith.constant 0 : i32
      %parallel_loop3A_331 = arith.constant 256 : i32
      %parallel_loop3A_332 = arith.constant 1 : i32
      scf.for %parallel_loop3A_419 = %parallel_loop3A to %parallel_loop3A_331 step %parallel_loop3A_332  : i32 {
        %parallel_loop3A_420 = arith.index_cast %parallel_loop3A_419 : i32 to index
        %parallel_loop3A_421 = arith.constant 0 : index
        %parallel_loop3A_422 = tpu.vector_load %arg6[%parallel_loop3A_420, %parallel_loop3A_421] {strides = array<i32>} : memref<256x64xf32, #tpu.memory_space<vmem>>, vector<1x16xf32>,
        %parallel_loop3A_423 = vector.shape_cast %parallel_loop3A_422 : vector<1x16xf32> to vector<16xf32>
        %parallel_loop3A_424 = arith.constant 8.000000e+00 : f32
        %parallel_loop3A_425 = vector.broadcast %parallel_loop3A_424 : f32 to vector<16xf32>
        %parallel_loop3A_426 = arith.mulf %parallel_loop3A_423, %parallel_loop3A_425 : vector<16xf32>
        %parallel_loop3A_427 = arith.index_cast %parallel_loop3A_419 : i32 to index
        %parallel_loop3A_428 = arith.constant 0 : index
        %parallel_loop3A_429 = tpu.vector_load %arg6[%parallel_loop3A_427, %parallel_loop3A_428] {strides = array<i32>} : memref<256x64xf32, #tpu.memory_space<vmem>>, vector<1x16xf32>,
        %parallel_loop3A_430 = vector.shape_cast %parallel_loop3A_429 : vector<1x16xf32> to vector<16xf32>
        %parallel_loop3A_431 = vector.shape_cast %parallel_loop3A_426 : vector<16xf32> to vector<1x16xf32>
        tpu.vector_store %arg6[%parallel_loop3A_427, %parallel_loop3A_428], %parallel_loop3A_431 {strides = array<i32>} : memref<256x64xf32, #tpu.memory_space<vmem>>, vector<1x16xf32>,
        %parallel_loop3A_432 = arith.index_cast %parallel_loop3A_419 : i32 to index
        %parallel_loop3A_433 = arith.constant 16 : index
        %parallel_loop3A_434 = tpu.vector_load %arg6[%parallel_loop3A_432, %parallel_loop3A_433] {strides = array<i32>} : memref<256x64xf32, #tpu.memory_space<vmem>>, vector<1x16xf32>,
        %parallel_loop3A_435 = vector.shape_cast %parallel_loop3A_434 : vector<1x16xf32> to vector<16xf32>
        %parallel_loop3A_436 = arith.constant 8.000000e+00 : f32
        %parallel_loop3A_437 = vector.broadcast %parallel_loop3A_436 : f32 to vector<16xf32>
        %parallel_loop3A_438 = arith.mulf %parallel_loop3A_435, %parallel_loop3A_437 : vector<16xf32>
        %parallel_loop3A_439 = arith.index_cast %parallel_loop3A_419 : i32 to index
        %parallel_loop3A_440 = arith.constant 16 : index
        %parallel_loop3A_441 = tpu.vector_load %arg6[%parallel_loop3A_439, %parallel_loop3A_440] {strides = array<i32>} : memref<256x64xf32, #tpu.memory_space<vmem>>, vector<1x16xf32>,
        %parallel_loop3A_442 = vector.shape_cast %parallel_loop3A_441 : vector<1x16xf32> to vector<16xf32>
        %parallel_loop3A_443 = vector.shape_cast %parallel_loop3A_438 : vector<16xf32> to vector<1x16xf32>
        tpu.vector_store %arg6[%parallel_loop3A_439, %parallel_loop3A_440], %parallel_loop3A_443 {strides = array<i32>} : memref<256x64xf32, #tpu.memory_space<vmem>>, vector<1x16xf32>,
        %parallel_loop3A_444 = arith.index_cast %parallel_loop3A_419 : i32 to index
        %parallel_loop3A_445 = arith.constant 32 : index
        %parallel_loop3A_446 = tpu.vector_load %arg6[%parallel_loop3A_444, %parallel_loop3A_445] {strides = array<i32>} : memref<256x64xf32, #tpu.memory_space<vmem>>, vector<1x16xf32>,
        %parallel_loop3A_447 = vector.shape_cast %parallel_loop3A_446 : vector<1x16xf32> to vector<16xf32>
        %parallel_loop3A_448 = arith.constant 8.000000e+00 : f32
        %parallel_loop3A_449 = vector.broadcast %parallel_loop3A_448 : f32 to vector<16xf32>
        %parallel_loop3A_450 = arith.mulf %parallel_loop3A_447, %parallel_loop3A_449 : vector<16xf32>
        %parallel_loop3A_451 = arith.index_cast %parallel_loop3A_419 : i32 to index
        %parallel_loop3A_452 = arith.constant 32 : index
        %parallel_loop3A_453 = tpu.vector_load %arg6[%parallel_loop3A_451, %parallel_loop3A_452] {strides = array<i32>} : memref<256x64xf32, #tpu.memory_space<vmem>>, vector<1x16xf32>,
        %parallel_loop3A_454 = vector.shape_cast %parallel_loop3A_453 : vector<1x16xf32> to vector<16xf32>
        %parallel_loop3A_455 = vector.shape_cast %parallel_loop3A_450 : vector<16xf32> to vector<1x16xf32>
        tpu.vector_store %arg6[%parallel_loop3A_451, %parallel_loop3A_452], %parallel_loop3A_455 {strides = array<i32>} : memref<256x64xf32, #tpu.memory_space<vmem>>, vector<1x16xf32>,
        %parallel_loop3A_456 = arith.index_cast %parallel_loop3A_419 : i32 to index
        %parallel_loop3A_457 = arith.constant 48 : index
        %parallel_loop3A_458 = tpu.vector_load %arg6[%parallel_loop3A_456, %parallel_loop3A_457] {strides = array<i32>} : memref<256x64xf32, #tpu.memory_space<vmem>>, vector<1x16xf32>,
        %parallel_loop3A_459 = vector.shape_cast %parallel_loop3A_458 : vector<1x16xf32> to vector<16xf32>
        %parallel_loop3A_460 = arith.constant 8.000000e+00 : f32
        %parallel_loop3A_461 = vector.broadcast %parallel_loop3A_460 : f32 to vector<16xf32>
        %parallel_loop3A_462 = arith.mulf %parallel_loop3A_459, %parallel_loop3A_461 : vector<16xf32>
        %parallel_loop3A_463 = arith.index_cast %parallel_loop3A_419 : i32 to index
        %parallel_loop3A_464 = arith.constant 48 : index
        %parallel_loop3A_465 = tpu.vector_load %arg6[%parallel_loop3A_463, %parallel_loop3A_464] {strides = array<i32>} : memref<256x64xf32, #tpu.memory_space<vmem>>, vector<1x16xf32>,
        %parallel_loop3A_466 = vector.shape_cast %parallel_loop3A_465 : vector<1x16xf32> to vector<16xf32>
        %parallel_loop3A_467 = vector.shape_cast %parallel_loop3A_462 : vector<16xf32> to vector<1x16xf32>
        tpu.vector_store %arg6[%parallel_loop3A_463, %parallel_loop3A_464], %parallel_loop3A_467 {strides = array<i32>} : memref<256x64xf32, #tpu.memory_space<vmem>>, vector<1x16xf32>,
      } {sc.loop_unroll_factor = 4 : i64, sc.parallel_access}
      %mul3A_333 = arith.constant 256 : i32
      %mul3A_334 = arith.muli %add3A_324, %mul3A_333 : i32
      %add3A_335 = arith.addi %mul3A_4, %mul3A_334 : i32
      %dma_start3A_336 = arith.constant 0 : i32
      %dma_start3A_337 = tpu.memref_slice %arg4[%add3A_335, %dma_start3A_336] : memref<819200x128xf32, #tpu.memory_space<hbm>> -> memref<256x64xf32, #tpu.memory_space<hbm>>
      %dma_start3A_338 = arith.constant 0 : i32
      %dma_start3A_339 = tpu.memref_slice %arg4[%add3A_335, %dma_start3A_338] : memref<819200x128xf32, #tpu.memory_space<hbm>> -> memref<256x64xf32, #tpu.memory_space<hbm>>
      tpu.enqueue_dma source(%arg6 : memref<256x64xf32, #tpu.memory_space<vmem>>) target(%dma_start3A_339 : memref<256x64xf32, #tpu.memory_space<hbm>>) target_semaphore(%arg14 : memref<!tpu.dma_semaphore, #tpu.memory_space<semaphore_mem>>)
      %add3A_340 = arith.constant 2 : i32
      %add3A_341 = arith.addi %add3A_324, %add3A_340 : i32
      %lt3A = arith.constant 100 : i32
      %lt3A_342 = arith.cmpi slt, %add3A_341, %lt3A : i32
      %convert_element_type3A = arith.extui %lt3A_342 : i1 to i32
      %cond3A = arith.constant 0 : i32
      %cond3A_343 = arith.cmpi ne, %convert_element_type3A, %cond3A : i32
      scf.if %cond3A_343 {
        %ge3A = arith.constant 4 : i32
        %ge3A_419 = arith.cmpi sge, %add3A_341, %ge3A : i32
        %convert_element_type3A_420 = arith.extui %ge3A_419 : i1 to i32
        %cond3A_421 = arith.constant 0 : i32
        %cond3A_422 = arith.cmpi ne, %convert_element_type3A_420, %cond3A_421 : i32
        scf.if %cond3A_422 {
          %sub3A = arith.constant 4 : i32
          %sub3A_631 = arith.subi %add3A_341, %sub3A : i32
          %mul3A_632 = arith.constant 256 : i32
          %mul3A_633 = arith.muli %sub3A_631, %mul3A_632 : i32
          %add3A_634 = arith.addi %mul3A_4, %mul3A_633 : i32
          %dma_wait3A_635 = arith.constant 0 : i32
          %dma_wait3A_636 = tpu.memref_slice %arg4[%add3A_634, %dma_wait3A_635] : memref<819200x128xf32, #tpu.memory_space<hbm>> -> memref<256x64xf32, #tpu.memory_space<hbm>>
          %dma_wait3A_637 = arith.constant 0 : i32
          %dma_wait3A_638 = tpu.memref_slice %arg4[%add3A_634, %dma_wait3A_637] : memref<819200x128xf32, #tpu.memory_space<hbm>> -> memref<256x64xf32, #tpu.memory_space<hbm>>
          tpu.wait_dma2 semaphore(%arg16 : memref<!tpu.dma_semaphore, #tpu.memory_space<semaphore_mem>>) src(%arg8 : memref<256x64xf32, #tpu.memory_space<vmem>>) dst(%dma_wait3A_638 : memref<256x64xf32, #tpu.memory_space<hbm>>)
        } else {
        }
        %mul3A_423 = arith.constant 256 : i32
        %mul3A_424 = arith.muli %add3A_341, %mul3A_423 : i32
        %add3A_425 = arith.constant 0 : i32
        %add3A_426 = arith.addi %mul3A_424, %add3A_425 : i32
        %get3A_427 = arith.index_cast %add3A_426 : i32 to index
        %get3A_428 = tpu.vector_load %arg5[%get3A_427] {strides = array<i32>} : memref<25600xi32, #tpu.memory_space<vmem>>, vector<16xi32>,
        %get3A_429 = vector.shape_cast %get3A_428 : vector<16xi32> to vector<16xi32>
        %dma_start3A_430 = arith.constant 0 : i32
        %dma_start3A_431 = arith.constant 0 : i32
        %dma_start3A_432 = tpu.memref_slice %arg8[%dma_start3A_430, %dma_start3A_431] : memref<256x64xf32, #tpu.memory_space<vmem>> -> memref<16x64xf32, #tpu.memory_space<vmem>>
        %dma_start3A_433 = arith.constant 0 : i32
        %dma_start3A_434 = arith.constant 0 : i32
        %dma_start3A_435 = tpu.memref_slice %arg3[%dma_start3A_433, %dma_start3A_434] : memref<1000000x64xf32, #tpu.memory_space<hbm>> -> memref<1000000x64xf32, #tpu.memory_space<hbm>>
        tpu.enqueue_indirect_dma source(%dma_start3A_435 : memref<1000000x64xf32, #tpu.memory_space<hbm>>) target(%dma_start3A_432 : memref<16x64xf32, #tpu.memory_space<vmem>>) offsets(%get3A_429 : vector<16xi32>) semaphore(%arg12 : memref<!tpu.dma_semaphore, #tpu.memory_space<semaphore_mem>>)
        %mul3A_436 = arith.constant 256 : i32
        %mul3A_437 = arith.muli %add3A_341, %mul3A_436 : i32
        %add3A_438 = arith.constant 16 : i32
        %add3A_439 = arith.addi %mul3A_437, %add3A_438 : i32
        %get3A_440 = arith.index_cast %add3A_439 : i32 to index
        %get3A_441 = tpu.vector_load %arg5[%get3A_440] {strides = array<i32>} : memref<25600xi32, #tpu.memory_space<vmem>>, vector<16xi32>,
        %get3A_442 = vector.shape_cast %get3A_441 : vector<16xi32> to vector<16xi32>
        %dma_start3A_443 = arith.constant 16 : i32
        %dma_start3A_444 = arith.constant 0 : i32
        %dma_start3A_445 = tpu.memref_slice %arg8[%dma_start3A_443, %dma_start3A_444] : memref<256x64xf32, #tpu.memory_space<vmem>> -> memref<16x64xf32, #tpu.memory_space<vmem>>
        %dma_start3A_446 = arith.constant 0 : i32
        %dma_start3A_447 = arith.constant 0 : i32
        %dma_start3A_448 = tpu.memref_slice %arg3[%dma_start3A_446, %dma_start3A_447] : memref<1000000x64xf32, #tpu.memory_space<hbm>> -> memref<1000000x64xf32, #tpu.memory_space<hbm>>
        tpu.enqueue_indirect_dma source(%dma_start3A_448 : memref<1000000x64xf32, #tpu.memory_space<hbm>>) target(%dma_start3A_445 : memref<16x64xf32, #tpu.memory_space<vmem>>) offsets(%get3A_442 : vector<16xi32>) semaphore(%arg12 : memref<!tpu.dma_semaphore, #tpu.memory_space<semaphore_mem>>)
        %mul3A_449 = arith.constant 256 : i32
        %mul3A_450 = arith.muli %add3A_341, %mul3A_449 : i32
        %add3A_451 = arith.constant 32 : i32
        %add3A_452 = arith.addi %mul3A_450, %add3A_451 : i32
        %get3A_453 = arith.index_cast %add3A_452 : i32 to index
        %get3A_454 = tpu.vector_load %arg5[%get3A_453] {strides = array<i32>} : memref<25600xi32, #tpu.memory_space<vmem>>, vector<16xi32>,
        %get3A_455 = vector.shape_cast %get3A_454 : vector<16xi32> to vector<16xi32>
        %dma_start3A_456 = arith.constant 32 : i32
        %dma_start3A_457 = arith.constant 0 : i32
        %dma_start3A_458 = tpu.memref_slice %arg8[%dma_start3A_456, %dma_start3A_457] : memref<256x64xf32, #tpu.memory_space<vmem>> -> memref<16x64xf32, #tpu.memory_space<vmem>>
        %dma_start3A_459 = arith.constant 0 : i32
        %dma_start3A_460 = arith.constant 0 : i32
        %dma_start3A_461 = tpu.memref_slice %arg3[%dma_start3A_459, %dma_start3A_460] : memref<1000000x64xf32, #tpu.memory_space<hbm>> -> memref<1000000x64xf32, #tpu.memory_space<hbm>>
        tpu.enqueue_indirect_dma source(%dma_start3A_461 : memref<1000000x64xf32, #tpu.memory_space<hbm>>) target(%dma_start3A_458 : memref<16x64xf32, #tpu.memory_space<vmem>>) offsets(%get3A_455 : vector<16xi32>) semaphore(%arg12 : memref<!tpu.dma_semaphore, #tpu.memory_space<semaphore_mem>>)
        %mul3A_462 = arith.constant 256 : i32
        %mul3A_463 = arith.muli %add3A_341, %mul3A_462 : i32
        %add3A_464 = arith.constant 48 : i32
        %add3A_465 = arith.addi %mul3A_463, %add3A_464 : i32
        %get3A_466 = arith.index_cast %add3A_465 : i32 to index
        %get3A_467 = tpu.vector_load %arg5[%get3A_466] {strides = array<i32>} : memref<25600xi32, #tpu.memory_space<vmem>>, vector<16xi32>,
        %get3A_468 = vector.shape_cast %get3A_467 : vector<16xi32> to vector<16xi32>
        %dma_start3A_469 = arith.constant 48 : i32
        %dma_start3A_470 = arith.constant 0 : i32
        %dma_start3A_471 = tpu.memref_slice %arg8[%dma_start3A_469, %dma_start3A_470] : memref<256x64xf32, #tpu.memory_space<vmem>> -> memref<16x64xf32, #tpu.memory_space<vmem>>
        %dma_start3A_472 = arith.constant 0 : i32
        %dma_start3A_473 = arith.constant 0 : i32
        %dma_start3A_474 = tpu.memref_slice %arg3[%dma_start3A_472, %dma_start3A_473] : memref<1000000x64xf32, #tpu.memory_space<hbm>> -> memref<1000000x64xf32, #tpu.memory_space<hbm>>
        tpu.enqueue_indirect_dma source(%dma_start3A_474 : memref<1000000x64xf32, #tpu.memory_space<hbm>>) target(%dma_start3A_471 : memref<16x64xf32, #tpu.memory_space<vmem>>) offsets(%get3A_468 : vector<16xi32>) semaphore(%arg12 : memref<!tpu.dma_semaphore, #tpu.memory_space<semaphore_mem>>)
        %mul3A_475 = arith.constant 256 : i32
        %mul3A_476 = arith.muli %add3A_341, %mul3A_475 : i32
        %add3A_477 = arith.constant 64 : i32
        %add3A_478 = arith.addi %mul3A_476, %add3A_477 : i32
        %get3A_479 = arith.index_cast %add3A_478 : i32 to index
        %get3A_480 = tpu.vector_load %arg5[%get3A_479] {strides = array<i32>} : memref<25600xi32, #tpu.memory_space<vmem>>, vector<16xi32>,
        %get3A_481 = vector.shape_cast %get3A_480 : vector<16xi32> to vector<16xi32>
        %dma_start3A_482 = arith.constant 64 : i32
        %dma_start3A_483 = arith.constant 0 : i32
        %dma_start3A_484 = tpu.memref_slice %arg8[%dma_start3A_482, %dma_start3A_483] : memref<256x64xf32, #tpu.memory_space<vmem>> -> memref<16x64xf32, #tpu.memory_space<vmem>>
        %dma_start3A_485 = arith.constant 0 : i32
        %dma_start3A_486 = arith.constant 0 : i32
        %dma_start3A_487 = tpu.memref_slice %arg3[%dma_start3A_485, %dma_start3A_486] : memref<1000000x64xf32, #tpu.memory_space<hbm>> -> memref<1000000x64xf32, #tpu.memory_space<hbm>>
        tpu.enqueue_indirect_dma source(%dma_start3A_487 : memref<1000000x64xf32, #tpu.memory_space<hbm>>) target(%dma_start3A_484 : memref<16x64xf32, #tpu.memory_space<vmem>>) offsets(%get3A_481 : vector<16xi32>) semaphore(%arg12 : memref<!tpu.dma_semaphore, #tpu.memory_space<semaphore_mem>>)
        %mul3A_488 = arith.constant 256 : i32
        %mul3A_489 = arith.muli %add3A_341, %mul3A_488 : i32
        %add3A_490 = arith.constant 80 : i32
        %add3A_491 = arith.addi %mul3A_489, %add3A_490 : i32
        %get3A_492 = arith.index_cast %add3A_491 : i32 to index
        %get3A_493 = tpu.vector_load %arg5[%get3A_492] {strides = array<i32>} : memref<25600xi32, #tpu.memory_space<vmem>>, vector<16xi32>,
        %get3A_494 = vector.shape_cast %get3A_493 : vector<16xi32> to vector<16xi32>
        %dma_start3A_495 = arith.constant 80 : i32
        %dma_start3A_496 = arith.constant 0 : i32
        %dma_start3A_497 = tpu.memref_slice %arg8[%dma_start3A_495, %dma_start3A_496] : memref<256x64xf32, #tpu.memory_space<vmem>> -> memref<16x64xf32, #tpu.memory_space<vmem>>
        %dma_start3A_498 = arith.constant 0 : i32
        %dma_start3A_499 = arith.constant 0 : i32
        %dma_start3A_500 = tpu.memref_slice %arg3[%dma_start3A_498, %dma_start3A_499] : memref<1000000x64xf32, #tpu.memory_space<hbm>> -> memref<1000000x64xf32, #tpu.memory_space<hbm>>
        tpu.enqueue_indirect_dma source(%dma_start3A_500 : memref<1000000x64xf32, #tpu.memory_space<hbm>>) target(%dma_start3A_497 : memref<16x64xf32, #tpu.memory_space<vmem>>) offsets(%get3A_494 : vector<16xi32>) semaphore(%arg12 : memref<!tpu.dma_semaphore, #tpu.memory_space<semaphore_mem>>)
        %mul3A_501 = arith.constant 256 : i32
        %mul3A_502 = arith.muli %add3A_341, %mul3A_501 : i32
        %add3A_503 = arith.constant 96 : i32
        %add3A_504 = arith.addi %mul3A_502, %add3A_503 : i32
        %get3A_505 = arith.index_cast %add3A_504 : i32 to index
        %get3A_506 = tpu.vector_load %arg5[%get3A_505] {strides = array<i32>} : memref<25600xi32, #tpu.memory_space<vmem>>, vector<16xi32>,
        %get3A_507 = vector.shape_cast %get3A_506 : vector<16xi32> to vector<16xi32>
        %dma_start3A_508 = arith.constant 96 : i32
        %dma_start3A_509 = arith.constant 0 : i32
        %dma_start3A_510 = tpu.memref_slice %arg8[%dma_start3A_508, %dma_start3A_509] : memref<256x64xf32, #tpu.memory_space<vmem>> -> memref<16x64xf32, #tpu.memory_space<vmem>>
        %dma_start3A_511 = arith.constant 0 : i32
        %dma_start3A_512 = arith.constant 0 : i32
        %dma_start3A_513 = tpu.memref_slice %arg3[%dma_start3A_511, %dma_start3A_512] : memref<1000000x64xf32, #tpu.memory_space<hbm>> -> memref<1000000x64xf32, #tpu.memory_space<hbm>>
        tpu.enqueue_indirect_dma source(%dma_start3A_513 : memref<1000000x64xf32, #tpu.memory_space<hbm>>) target(%dma_start3A_510 : memref<16x64xf32, #tpu.memory_space<vmem>>) offsets(%get3A_507 : vector<16xi32>) semaphore(%arg12 : memref<!tpu.dma_semaphore, #tpu.memory_space<semaphore_mem>>)
        %mul3A_514 = arith.constant 256 : i32
        %mul3A_515 = arith.muli %add3A_341, %mul3A_514 : i32
        %add3A_516 = arith.constant 112 : i32
        %add3A_517 = arith.addi %mul3A_515, %add3A_516 : i32
        %get3A_518 = arith.index_cast %add3A_517 : i32 to index
        %get3A_519 = tpu.vector_load %arg5[%get3A_518] {strides = array<i32>} : memref<25600xi32, #tpu.memory_space<vmem>>, vector<16xi32>,
        %get3A_520 = vector.shape_cast %get3A_519 : vector<16xi32> to vector<16xi32>
        %dma_start3A_521 = arith.constant 112 : i32
        %dma_start3A_522 = arith.constant 0 : i32
        %dma_start3A_523 = tpu.memref_slice %arg8[%dma_start3A_521, %dma_start3A_522] : memref<256x64xf32, #tpu.memory_space<vmem>> -> memref<16x64xf32, #tpu.memory_space<vmem>>
        %dma_start3A_524 = arith.constant 0 : i32
        %dma_start3A_525 = arith.constant 0 : i32
        %dma_start3A_526 = tpu.memref_slice %arg3[%dma_start3A_524, %dma_start3A_525] : memref<1000000x64xf32, #tpu.memory_space<hbm>> -> memref<1000000x64xf32, #tpu.memory_space<hbm>>
        tpu.enqueue_indirect_dma source(%dma_start3A_526 : memref<1000000x64xf32, #tpu.memory_space<hbm>>) target(%dma_start3A_523 : memref<16x64xf32, #tpu.memory_space<vmem>>) offsets(%get3A_520 : vector<16xi32>) semaphore(%arg12 : memref<!tpu.dma_semaphore, #tpu.memory_space<semaphore_mem>>)
        %mul3A_527 = arith.constant 256 : i32
        %mul3A_528 = arith.muli %add3A_341, %mul3A_527 : i32
        %add3A_529 = arith.constant 128 : i32
        %add3A_530 = arith.addi %mul3A_528, %add3A_529 : i32
        %get3A_531 = arith.index_cast %add3A_530 : i32 to index
        %get3A_532 = tpu.vector_load %arg5[%get3A_531] {strides = array<i32>} : memref<25600xi32, #tpu.memory_space<vmem>>, vector<16xi32>,
        %get3A_533 = vector.shape_cast %get3A_532 : vector<16xi32> to vector<16xi32>
        %dma_start3A_534 = arith.constant 128 : i32
        %dma_start3A_535 = arith.constant 0 : i32
        %dma_start3A_536 = tpu.memref_slice %arg8[%dma_start3A_534, %dma_start3A_535] : memref<256x64xf32, #tpu.memory_space<vmem>> -> memref<16x64xf32, #tpu.memory_space<vmem>>
        %dma_start3A_537 = arith.constant 0 : i32
        %dma_start3A_538 = arith.constant 0 : i32
        %dma_start3A_539 = tpu.memref_slice %arg3[%dma_start3A_537, %dma_start3A_538] : memref<1000000x64xf32, #tpu.memory_space<hbm>> -> memref<1000000x64xf32, #tpu.memory_space<hbm>>
        tpu.enqueue_indirect_dma source(%dma_start3A_539 : memref<1000000x64xf32, #tpu.memory_space<hbm>>) target(%dma_start3A_536 : memref<16x64xf32, #tpu.memory_space<vmem>>) offsets(%get3A_533 : vector<16xi32>) semaphore(%arg12 : memref<!tpu.dma_semaphore, #tpu.memory_space<semaphore_mem>>)
        %mul3A_540 = arith.constant 256 : i32
        %mul3A_541 = arith.muli %add3A_341, %mul3A_540 : i32
        %add3A_542 = arith.constant 144 : i32
        %add3A_543 = arith.addi %mul3A_541, %add3A_542 : i32
        %get3A_544 = arith.index_cast %add3A_543 : i32 to index
        %get3A_545 = tpu.vector_load %arg5[%get3A_544] {strides = array<i32>} : memref<25600xi32, #tpu.memory_space<vmem>>, vector<16xi32>,
        %get3A_546 = vector.shape_cast %get3A_545 : vector<16xi32> to vector<16xi32>
        %dma_start3A_547 = arith.constant 144 : i32
        %dma_start3A_548 = arith.constant 0 : i32
        %dma_start3A_549 = tpu.memref_slice %arg8[%dma_start3A_547, %dma_start3A_548] : memref<256x64xf32, #tpu.memory_space<vmem>> -> memref<16x64xf32, #tpu.memory_space<vmem>>
        %dma_start3A_550 = arith.constant 0 : i32
        %dma_start3A_551 = arith.constant 0 : i32
        %dma_start3A_552 = tpu.memref_slice %arg3[%dma_start3A_550, %dma_start3A_551] : memref<1000000x64xf32, #tpu.memory_space<hbm>> -> memref<1000000x64xf32, #tpu.memory_space<hbm>>
        tpu.enqueue_indirect_dma source(%dma_start3A_552 : memref<1000000x64xf32, #tpu.memory_space<hbm>>) target(%dma_start3A_549 : memref<16x64xf32, #tpu.memory_space<vmem>>) offsets(%get3A_546 : vector<16xi32>) semaphore(%arg12 : memref<!tpu.dma_semaphore, #tpu.memory_space<semaphore_mem>>)
        %mul3A_553 = arith.constant 256 : i32
        %mul3A_554 = arith.muli %add3A_341, %mul3A_553 : i32
        %add3A_555 = arith.constant 160 : i32
        %add3A_556 = arith.addi %mul3A_554, %add3A_555 : i32
        %get3A_557 = arith.index_cast %add3A_556 : i32 to index
        %get3A_558 = tpu.vector_load %arg5[%get3A_557] {strides = array<i32>} : memref<25600xi32, #tpu.memory_space<vmem>>, vector<16xi32>,
        %get3A_559 = vector.shape_cast %get3A_558 : vector<16xi32> to vector<16xi32>
        %dma_start3A_560 = arith.constant 160 : i32
        %dma_start3A_561 = arith.constant 0 : i32
        %dma_start3A_562 = tpu.memref_slice %arg8[%dma_start3A_560, %dma_start3A_561] : memref<256x64xf32, #tpu.memory_space<vmem>> -> memref<16x64xf32, #tpu.memory_space<vmem>>
        %dma_start3A_563 = arith.constant 0 : i32
        %dma_start3A_564 = arith.constant 0 : i32
        %dma_start3A_565 = tpu.memref_slice %arg3[%dma_start3A_563, %dma_start3A_564] : memref<1000000x64xf32, #tpu.memory_space<hbm>> -> memref<1000000x64xf32, #tpu.memory_space<hbm>>
        tpu.enqueue_indirect_dma source(%dma_start3A_565 : memref<1000000x64xf32, #tpu.memory_space<hbm>>) target(%dma_start3A_562 : memref<16x64xf32, #tpu.memory_space<vmem>>) offsets(%get3A_559 : vector<16xi32>) semaphore(%arg12 : memref<!tpu.dma_semaphore, #tpu.memory_space<semaphore_mem>>)
        %mul3A_566 = arith.constant 256 : i32
        %mul3A_567 = arith.muli %add3A_341, %mul3A_566 : i32
        %add3A_568 = arith.constant 176 : i32
        %add3A_569 = arith.addi %mul3A_567, %add3A_568 : i32
        %get3A_570 = arith.index_cast %add3A_569 : i32 to index
        %get3A_571 = tpu.vector_load %arg5[%get3A_570] {strides = array<i32>} : memref<25600xi32, #tpu.memory_space<vmem>>, vector<16xi32>,
        %get3A_572 = vector.shape_cast %get3A_571 : vector<16xi32> to vector<16xi32>
        %dma_start3A_573 = arith.constant 176 : i32
        %dma_start3A_574 = arith.constant 0 : i32
        %dma_start3A_575 = tpu.memref_slice %arg8[%dma_start3A_573, %dma_start3A_574] : memref<256x64xf32, #tpu.memory_space<vmem>> -> memref<16x64xf32, #tpu.memory_space<vmem>>
        %dma_start3A_576 = arith.constant 0 : i32
        %dma_start3A_577 = arith.constant 0 : i32
        %dma_start3A_578 = tpu.memref_slice %arg3[%dma_start3A_576, %dma_start3A_577] : memref<1000000x64xf32, #tpu.memory_space<hbm>> -> memref<1000000x64xf32, #tpu.memory_space<hbm>>
        tpu.enqueue_indirect_dma source(%dma_start3A_578 : memref<1000000x64xf32, #tpu.memory_space<hbm>>) target(%dma_start3A_575 : memref<16x64xf32, #tpu.memory_space<vmem>>) offsets(%get3A_572 : vector<16xi32>) semaphore(%arg12 : memref<!tpu.dma_semaphore, #tpu.memory_space<semaphore_mem>>)
        %mul3A_579 = arith.constant 256 : i32
        %mul3A_580 = arith.muli %add3A_341, %mul3A_579 : i32
        %add3A_581 = arith.constant 192 : i32
        %add3A_582 = arith.addi %mul3A_580, %add3A_581 : i32
        %get3A_583 = arith.index_cast %add3A_582 : i32 to index
        %get3A_584 = tpu.vector_load %arg5[%get3A_583] {strides = array<i32>} : memref<25600xi32, #tpu.memory_space<vmem>>, vector<16xi32>,
        %get3A_585 = vector.shape_cast %get3A_584 : vector<16xi32> to vector<16xi32>
        %dma_start3A_586 = arith.constant 192 : i32
        %dma_start3A_587 = arith.constant 0 : i32
        %dma_start3A_588 = tpu.memref_slice %arg8[%dma_start3A_586, %dma_start3A_587] : memref<256x64xf32, #tpu.memory_space<vmem>> -> memref<16x64xf32, #tpu.memory_space<vmem>>
        %dma_start3A_589 = arith.constant 0 : i32
        %dma_start3A_590 = arith.constant 0 : i32
        %dma_start3A_591 = tpu.memref_slice %arg3[%dma_start3A_589, %dma_start3A_590] : memref<1000000x64xf32, #tpu.memory_space<hbm>> -> memref<1000000x64xf32, #tpu.memory_space<hbm>>
        tpu.enqueue_indirect_dma source(%dma_start3A_591 : memref<1000000x64xf32, #tpu.memory_space<hbm>>) target(%dma_start3A_588 : memref<16x64xf32, #tpu.memory_space<vmem>>) offsets(%get3A_585 : vector<16xi32>) semaphore(%arg12 : memref<!tpu.dma_semaphore, #tpu.memory_space<semaphore_mem>>)
        %mul3A_592 = arith.constant 256 : i32
        %mul3A_593 = arith.muli %add3A_341, %mul3A_592 : i32
        %add3A_594 = arith.constant 208 : i32
        %add3A_595 = arith.addi %mul3A_593, %add3A_594 : i32
        %get3A_596 = arith.index_cast %add3A_595 : i32 to index
        %get3A_597 = tpu.vector_load %arg5[%get3A_596] {strides = array<i32>} : memref<25600xi32, #tpu.memory_space<vmem>>, vector<16xi32>,
        %get3A_598 = vector.shape_cast %get3A_597 : vector<16xi32> to vector<16xi32>
        %dma_start3A_599 = arith.constant 208 : i32
        %dma_start3A_600 = arith.constant 0 : i32
        %dma_start3A_601 = tpu.memref_slice %arg8[%dma_start3A_599, %dma_start3A_600] : memref<256x64xf32, #tpu.memory_space<vmem>> -> memref<16x64xf32, #tpu.memory_space<vmem>>
        %dma_start3A_602 = arith.constant 0 : i32
        %dma_start3A_603 = arith.constant 0 : i32
        %dma_start3A_604 = tpu.memref_slice %arg3[%dma_start3A_602, %dma_start3A_603] : memref<1000000x64xf32, #tpu.memory_space<hbm>> -> memref<1000000x64xf32, #tpu.memory_space<hbm>>
        tpu.enqueue_indirect_dma source(%dma_start3A_604 : memref<1000000x64xf32, #tpu.memory_space<hbm>>) target(%dma_start3A_601 : memref<16x64xf32, #tpu.memory_space<vmem>>) offsets(%get3A_598 : vector<16xi32>) semaphore(%arg12 : memref<!tpu.dma_semaphore, #tpu.memory_space<semaphore_mem>>)
        %mul3A_605 = arith.constant 256 : i32
        %mul3A_606 = arith.muli %add3A_341, %mul3A_605 : i32
        %add3A_607 = arith.constant 224 : i32
        %add3A_608 = arith.addi %mul3A_606, %add3A_607 : i32
        %get3A_609 = arith.index_cast %add3A_608 : i32 to index
        %get3A_610 = tpu.vector_load %arg5[%get3A_609] {strides = array<i32>} : memref<25600xi32, #tpu.memory_space<vmem>>, vector<16xi32>,
        %get3A_611 = vector.shape_cast %get3A_610 : vector<16xi32> to vector<16xi32>
        %dma_start3A_612 = arith.constant 224 : i32
        %dma_start3A_613 = arith.constant 0 : i32
        %dma_start3A_614 = tpu.memref_slice %arg8[%dma_start3A_612, %dma_start3A_613] : memref<256x64xf32, #tpu.memory_space<vmem>> -> memref<16x64xf32, #tpu.memory_space<vmem>>
        %dma_start3A_615 = arith.constant 0 : i32
        %dma_start3A_616 = arith.constant 0 : i32
        %dma_start3A_617 = tpu.memref_slice %arg3[%dma_start3A_615, %dma_start3A_616] : memref<1000000x64xf32, #tpu.memory_space<hbm>> -> memref<1000000x64xf32, #tpu.memory_space<hbm>>
        tpu.enqueue_indirect_dma source(%dma_start3A_617 : memref<1000000x64xf32, #tpu.memory_space<hbm>>) target(%dma_start3A_614 : memref<16x64xf32, #tpu.memory_space<vmem>>) offsets(%get3A_611 : vector<16xi32>) semaphore(%arg12 : memref<!tpu.dma_semaphore, #tpu.memory_space<semaphore_mem>>)
        %mul3A_618 = arith.constant 256 : i32
        %mul3A_619 = arith.muli %add3A_341, %mul3A_618 : i32
        %add3A_620 = arith.constant 240 : i32
        %add3A_621 = arith.addi %mul3A_619, %add3A_620 : i32
        %get3A_622 = arith.index_cast %add3A_621 : i32 to index
        %get3A_623 = tpu.vector_load %arg5[%get3A_622] {strides = array<i32>} : memref<25600xi32, #tpu.memory_space<vmem>>, vector<16xi32>,
        %get3A_624 = vector.shape_cast %get3A_623 : vector<16xi32> to vector<16xi32>
        %dma_start3A_625 = arith.constant 240 : i32
        %dma_start3A_626 = arith.constant 0 : i32
        %dma_start3A_627 = tpu.memref_slice %arg8[%dma_start3A_625, %dma_start3A_626] : memref<256x64xf32, #tpu.memory_space<vmem>> -> memref<16x64xf32, #tpu.memory_space<vmem>>
        %dma_start3A_628 = arith.constant 0 : i32
        %dma_start3A_629 = arith.constant 0 : i32
        %dma_start3A_630 = tpu.memref_slice %arg3[%dma_start3A_628, %dma_start3A_629] : memref<1000000x64xf32, #tpu.memory_space<hbm>> -> memref<1000000x64xf32, #tpu.memory_space<hbm>>
        tpu.enqueue_indirect_dma source(%dma_start3A_630 : memref<1000000x64xf32, #tpu.memory_space<hbm>>) target(%dma_start3A_627 : memref<16x64xf32, #tpu.memory_space<vmem>>) offsets(%get3A_624 : vector<16xi32>) semaphore(%arg12 : memref<!tpu.dma_semaphore, #tpu.memory_space<semaphore_mem>>)
      } else {
      }
      %add3A_344 = arith.constant 1 : i32
      %add3A_345 = arith.addi %add3A_322, %add3A_344 : i32
      %dma_wait3A_346 = arith.constant 0 : i32
      %dma_wait3A_347 = arith.constant 0 : i32
      %dma_wait3A_348 = tpu.memref_slice %arg3[%dma_wait3A_346, %dma_wait3A_347] : memref<1000000x64xf32, #tpu.memory_space<hbm>> -> memref<256x64xf32, #tpu.memory_space<hbm>>
      %dma_wait3A_349 = arith.constant 0 : i32
      %dma_wait3A_350 = arith.constant 0 : i32
      %dma_wait3A_351 = tpu.memref_slice %arg3[%dma_wait3A_349, %dma_wait3A_350] : memref<1000000x64xf32, #tpu.memory_space<hbm>> -> memref<256x64xf32, #tpu.memory_space<hbm>>
      tpu.wait_dma2 semaphore(%arg11 : memref<!tpu.dma_semaphore, #tpu.memory_space<semaphore_mem>>) src(%dma_wait3A_351 : memref<256x64xf32, #tpu.memory_space<hbm>>) dst(%arg7 : memref<256x64xf32, #tpu.memory_space<vmem>>)
      %parallel_loop3A_352 = arith.constant 0 : i32
      %parallel_loop3A_353 = arith.constant 256 : i32
      %parallel_loop3A_354 = arith.constant 1 : i32
      scf.for %parallel_loop3A_419 = %parallel_loop3A_352 to %parallel_loop3A_353 step %parallel_loop3A_354  : i32 {
        %parallel_loop3A_420 = arith.index_cast %parallel_loop3A_419 : i32 to index
        %parallel_loop3A_421 = arith.constant 0 : index
        %parallel_loop3A_422 = tpu.vector_load %arg7[%parallel_loop3A_420, %parallel_loop3A_421] {strides = array<i32>} : memref<256x64xf32, #tpu.memory_space<vmem>>, vector<1x16xf32>,
        %parallel_loop3A_423 = vector.shape_cast %parallel_loop3A_422 : vector<1x16xf32> to vector<16xf32>
        %parallel_loop3A_424 = arith.constant 8.000000e+00 : f32
        %parallel_loop3A_425 = vector.broadcast %parallel_loop3A_424 : f32 to vector<16xf32>
        %parallel_loop3A_426 = arith.mulf %parallel_loop3A_423, %parallel_loop3A_425 : vector<16xf32>
        %parallel_loop3A_427 = arith.index_cast %parallel_loop3A_419 : i32 to index
        %parallel_loop3A_428 = arith.constant 0 : index
        %parallel_loop3A_429 = tpu.vector_load %arg7[%parallel_loop3A_427, %parallel_loop3A_428] {strides = array<i32>} : memref<256x64xf32, #tpu.memory_space<vmem>>, vector<1x16xf32>,
        %parallel_loop3A_430 = vector.shape_cast %parallel_loop3A_429 : vector<1x16xf32> to vector<16xf32>
        %parallel_loop3A_431 = vector.shape_cast %parallel_loop3A_426 : vector<16xf32> to vector<1x16xf32>
        tpu.vector_store %arg7[%parallel_loop3A_427, %parallel_loop3A_428], %parallel_loop3A_431 {strides = array<i32>} : memref<256x64xf32, #tpu.memory_space<vmem>>, vector<1x16xf32>,
        %parallel_loop3A_432 = arith.index_cast %parallel_loop3A_419 : i32 to index
        %parallel_loop3A_433 = arith.constant 16 : index
        %parallel_loop3A_434 = tpu.vector_load %arg7[%parallel_loop3A_432, %parallel_loop3A_433] {strides = array<i32>} : memref<256x64xf32, #tpu.memory_space<vmem>>, vector<1x16xf32>,
        %parallel_loop3A_435 = vector.shape_cast %parallel_loop3A_434 : vector<1x16xf32> to vector<16xf32>
        %parallel_loop3A_436 = arith.constant 8.000000e+00 : f32
        %parallel_loop3A_437 = vector.broadcast %parallel_loop3A_436 : f32 to vector<16xf32>
        %parallel_loop3A_438 = arith.mulf %parallel_loop3A_435, %parallel_loop3A_437 : vector<16xf32>
        %parallel_loop3A_439 = arith.index_cast %parallel_loop3A_419 : i32 to index
        %parallel_loop3A_440 = arith.constant 16 : index
        %parallel_loop3A_441 = tpu.vector_load %arg7[%parallel_loop3A_439, %parallel_loop3A_440] {strides = array<i32>} : memref<256x64xf32, #tpu.memory_space<vmem>>, vector<1x16xf32>,
        %parallel_loop3A_442 = vector.shape_cast %parallel_loop3A_441 : vector<1x16xf32> to vector<16xf32>
        %parallel_loop3A_443 = vector.shape_cast %parallel_loop3A_438 : vector<16xf32> to vector<1x16xf32>
        tpu.vector_store %arg7[%parallel_loop3A_439, %parallel_loop3A_440], %parallel_loop3A_443 {strides = array<i32>} : memref<256x64xf32, #tpu.memory_space<vmem>>, vector<1x16xf32>,
        %parallel_loop3A_444 = arith.index_cast %parallel_loop3A_419 : i32 to index
        %parallel_loop3A_445 = arith.constant 32 : index
        %parallel_loop3A_446 = tpu.vector_load %arg7[%parallel_loop3A_444, %parallel_loop3A_445] {strides = array<i32>} : memref<256x64xf32, #tpu.memory_space<vmem>>, vector<1x16xf32>,
        %parallel_loop3A_447 = vector.shape_cast %parallel_loop3A_446 : vector<1x16xf32> to vector<16xf32>
        %parallel_loop3A_448 = arith.constant 8.000000e+00 : f32
        %parallel_loop3A_449 = vector.broadcast %parallel_loop3A_448 : f32 to vector<16xf32>
        %parallel_loop3A_450 = arith.mulf %parallel_loop3A_447, %parallel_loop3A_449 : vector<16xf32>
        %parallel_loop3A_451 = arith.index_cast %parallel_loop3A_419 : i32 to index
        %parallel_loop3A_452 = arith.constant 32 : index
        %parallel_loop3A_453 = tpu.vector_load %arg7[%parallel_loop3A_451, %parallel_loop3A_452] {strides = array<i32>} : memref<256x64xf32, #tpu.memory_space<vmem>>, vector<1x16xf32>,
        %parallel_loop3A_454 = vector.shape_cast %parallel_loop3A_453 : vector<1x16xf32> to vector<16xf32>
        %parallel_loop3A_455 = vector.shape_cast %parallel_loop3A_450 : vector<16xf32> to vector<1x16xf32>
        tpu.vector_store %arg7[%parallel_loop3A_451, %parallel_loop3A_452], %parallel_loop3A_455 {strides = array<i32>} : memref<256x64xf32, #tpu.memory_space<vmem>>, vector<1x16xf32>,
        %parallel_loop3A_456 = arith.index_cast %parallel_loop3A_419 : i32 to index
        %parallel_loop3A_457 = arith.constant 48 : index
        %parallel_loop3A_458 = tpu.vector_load %arg7[%parallel_loop3A_456, %parallel_loop3A_457] {strides = array<i32>} : memref<256x64xf32, #tpu.memory_space<vmem>>, vector<1x16xf32>,
        %parallel_loop3A_459 = vector.shape_cast %parallel_loop3A_458 : vector<1x16xf32> to vector<16xf32>
        %parallel_loop3A_460 = arith.constant 8.000000e+00 : f32
        %parallel_loop3A_461 = vector.broadcast %parallel_loop3A_460 : f32 to vector<16xf32>
        %parallel_loop3A_462 = arith.mulf %parallel_loop3A_459, %parallel_loop3A_461 : vector<16xf32>
        %parallel_loop3A_463 = arith.index_cast %parallel_loop3A_419 : i32 to index
        %parallel_loop3A_464 = arith.constant 48 : index
        %parallel_loop3A_465 = tpu.vector_load %arg7[%parallel_loop3A_463, %parallel_loop3A_464] {strides = array<i32>} : memref<256x64xf32, #tpu.memory_space<vmem>>, vector<1x16xf32>,
        %parallel_loop3A_466 = vector.shape_cast %parallel_loop3A_465 : vector<1x16xf32> to vector<16xf32>
        %parallel_loop3A_467 = vector.shape_cast %parallel_loop3A_462 : vector<16xf32> to vector<1x16xf32>
        tpu.vector_store %arg7[%parallel_loop3A_463, %parallel_loop3A_464], %parallel_loop3A_467 {strides = array<i32>} : memref<256x64xf32, #tpu.memory_space<vmem>>, vector<1x16xf32>,
      } {sc.loop_unroll_factor = 4 : i64, sc.parallel_access}
      %mul3A_355 = arith.constant 256 : i32
      %mul3A_356 = arith.muli %add3A_345, %mul3A_355 : i32
      %add3A_357 = arith.addi %mul3A_4, %mul3A_356 : i32
      %dma_start3A_358 = arith.constant 0 : i32
      %dma_start3A_359 = tpu.memref_slice %arg4[%add3A_357, %dma_start3A_358] : memref<819200x128xf32, #tpu.memory_space<hbm>> -> memref<256x64xf32, #tpu.memory_space<hbm>>
      %dma_start3A_360 = arith.constant 0 : i32
      %dma_start3A_361 = tpu.memref_slice %arg4[%add3A_357, %dma_start3A_360] : memref<819200x128xf32, #tpu.memory_space<hbm>> -> memref<256x64xf32, #tpu.memory_space<hbm>>
      tpu.enqueue_dma source(%arg7 : memref<256x64xf32, #tpu.memory_space<vmem>>) target(%dma_start3A_361 : memref<256x64xf32, #tpu.memory_space<hbm>>) target_semaphore(%arg15 : memref<!tpu.dma_semaphore, #tpu.memory_space<semaphore_mem>>)
      %add3A_362 = arith.constant 2 : i32
      %add3A_363 = arith.addi %add3A_345, %add3A_362 : i32
      %lt3A_364 = arith.constant 100 : i32
      %lt3A_365 = arith.cmpi slt, %add3A_363, %lt3A_364 : i32
      %convert_element_type3A_366 = arith.extui %lt3A_365 : i1 to i32
      %cond3A_367 = arith.constant 0 : i32
      %cond3A_368 = arith.cmpi ne, %convert_element_type3A_366, %cond3A_367 : i32
      scf.if %cond3A_368 {
        %ge3A = arith.constant 4 : i32
        %ge3A_419 = arith.cmpi sge, %add3A_363, %ge3A : i32
        %convert_element_type3A_420 = arith.extui %ge3A_419 : i1 to i32
        %cond3A_421 = arith.constant 0 : i32
        %cond3A_422 = arith.cmpi ne, %convert_element_type3A_420, %cond3A_421 : i32
        scf.if %cond3A_422 {
          %sub3A = arith.constant 4 : i32
          %sub3A_631 = arith.subi %add3A_363, %sub3A : i32
          %mul3A_632 = arith.constant 256 : i32
          %mul3A_633 = arith.muli %sub3A_631, %mul3A_632 : i32
          %add3A_634 = arith.addi %mul3A_4, %mul3A_633 : i32
          %dma_wait3A_635 = arith.constant 0 : i32
          %dma_wait3A_636 = tpu.memref_slice %arg4[%add3A_634, %dma_wait3A_635] : memref<819200x128xf32, #tpu.memory_space<hbm>> -> memref<256x64xf32, #tpu.memory_space<hbm>>
          %dma_wait3A_637 = arith.constant 0 : i32
          %dma_wait3A_638 = tpu.memref_slice %arg4[%add3A_634, %dma_wait3A_637] : memref<819200x128xf32, #tpu.memory_space<hbm>> -> memref<256x64xf32, #tpu.memory_space<hbm>>
          tpu.wait_dma2 semaphore(%arg17 : memref<!tpu.dma_semaphore, #tpu.memory_space<semaphore_mem>>) src(%arg9 : memref<256x64xf32, #tpu.memory_space<vmem>>) dst(%dma_wait3A_638 : memref<256x64xf32, #tpu.memory_space<hbm>>)
        } else {
        }
        %mul3A_423 = arith.constant 256 : i32
        %mul3A_424 = arith.muli %add3A_363, %mul3A_423 : i32
        %add3A_425 = arith.constant 0 : i32
        %add3A_426 = arith.addi %mul3A_424, %add3A_425 : i32
        %get3A_427 = arith.index_cast %add3A_426 : i32 to index
        %get3A_428 = tpu.vector_load %arg5[%get3A_427] {strides = array<i32>} : memref<25600xi32, #tpu.memory_space<vmem>>, vector<16xi32>,
        %get3A_429 = vector.shape_cast %get3A_428 : vector<16xi32> to vector<16xi32>
        %dma_start3A_430 = arith.constant 0 : i32
        %dma_start3A_431 = arith.constant 0 : i32
        %dma_start3A_432 = tpu.memref_slice %arg9[%dma_start3A_430, %dma_start3A_431] : memref<256x64xf32, #tpu.memory_space<vmem>> -> memref<16x64xf32, #tpu.memory_space<vmem>>
        %dma_start3A_433 = arith.constant 0 : i32
        %dma_start3A_434 = arith.constant 0 : i32
        %dma_start3A_435 = tpu.memref_slice %arg3[%dma_start3A_433, %dma_start3A_434] : memref<1000000x64xf32, #tpu.memory_space<hbm>> -> memref<1000000x64xf32, #tpu.memory_space<hbm>>
        tpu.enqueue_indirect_dma source(%dma_start3A_435 : memref<1000000x64xf32, #tpu.memory_space<hbm>>) target(%dma_start3A_432 : memref<16x64xf32, #tpu.memory_space<vmem>>) offsets(%get3A_429 : vector<16xi32>) semaphore(%arg13 : memref<!tpu.dma_semaphore, #tpu.memory_space<semaphore_mem>>)
        %mul3A_436 = arith.constant 256 : i32
        %mul3A_437 = arith.muli %add3A_363, %mul3A_436 : i32
        %add3A_438 = arith.constant 16 : i32
        %add3A_439 = arith.addi %mul3A_437, %add3A_438 : i32
        %get3A_440 = arith.index_cast %add3A_439 : i32 to index
        %get3A_441 = tpu.vector_load %arg5[%get3A_440] {strides = array<i32>} : memref<25600xi32, #tpu.memory_space<vmem>>, vector<16xi32>,
        %get3A_442 = vector.shape_cast %get3A_441 : vector<16xi32> to vector<16xi32>
        %dma_start3A_443 = arith.constant 16 : i32
        %dma_start3A_444 = arith.constant 0 : i32
        %dma_start3A_445 = tpu.memref_slice %arg9[%dma_start3A_443, %dma_start3A_444] : memref<256x64xf32, #tpu.memory_space<vmem>> -> memref<16x64xf32, #tpu.memory_space<vmem>>
        %dma_start3A_446 = arith.constant 0 : i32
        %dma_start3A_447 = arith.constant 0 : i32
        %dma_start3A_448 = tpu.memref_slice %arg3[%dma_start3A_446, %dma_start3A_447] : memref<1000000x64xf32, #tpu.memory_space<hbm>> -> memref<1000000x64xf32, #tpu.memory_space<hbm>>
        tpu.enqueue_indirect_dma source(%dma_start3A_448 : memref<1000000x64xf32, #tpu.memory_space<hbm>>) target(%dma_start3A_445 : memref<16x64xf32, #tpu.memory_space<vmem>>) offsets(%get3A_442 : vector<16xi32>) semaphore(%arg13 : memref<!tpu.dma_semaphore, #tpu.memory_space<semaphore_mem>>)
        %mul3A_449 = arith.constant 256 : i32
        %mul3A_450 = arith.muli %add3A_363, %mul3A_449 : i32
        %add3A_451 = arith.constant 32 : i32
        %add3A_452 = arith.addi %mul3A_450, %add3A_451 : i32
        %get3A_453 = arith.index_cast %add3A_452 : i32 to index
        %get3A_454 = tpu.vector_load %arg5[%get3A_453] {strides = array<i32>} : memref<25600xi32, #tpu.memory_space<vmem>>, vector<16xi32>,
        %get3A_455 = vector.shape_cast %get3A_454 : vector<16xi32> to vector<16xi32>
        %dma_start3A_456 = arith.constant 32 : i32
        %dma_start3A_457 = arith.constant 0 : i32
        %dma_start3A_458 = tpu.memref_slice %arg9[%dma_start3A_456, %dma_start3A_457] : memref<256x64xf32, #tpu.memory_space<vmem>> -> memref<16x64xf32, #tpu.memory_space<vmem>>
        %dma_start3A_459 = arith.constant 0 : i32
        %dma_start3A_460 = arith.constant 0 : i32
        %dma_start3A_461 = tpu.memref_slice %arg3[%dma_start3A_459, %dma_start3A_460] : memref<1000000x64xf32, #tpu.memory_space<hbm>> -> memref<1000000x64xf32, #tpu.memory_space<hbm>>
        tpu.enqueue_indirect_dma source(%dma_start3A_461 : memref<1000000x64xf32, #tpu.memory_space<hbm>>) target(%dma_start3A_458 : memref<16x64xf32, #tpu.memory_space<vmem>>) offsets(%get3A_455 : vector<16xi32>) semaphore(%arg13 : memref<!tpu.dma_semaphore, #tpu.memory_space<semaphore_mem>>)
        %mul3A_462 = arith.constant 256 : i32
        %mul3A_463 = arith.muli %add3A_363, %mul3A_462 : i32
        %add3A_464 = arith.constant 48 : i32
        %add3A_465 = arith.addi %mul3A_463, %add3A_464 : i32
        %get3A_466 = arith.index_cast %add3A_465 : i32 to index
        %get3A_467 = tpu.vector_load %arg5[%get3A_466] {strides = array<i32>} : memref<25600xi32, #tpu.memory_space<vmem>>, vector<16xi32>,
        %get3A_468 = vector.shape_cast %get3A_467 : vector<16xi32> to vector<16xi32>
        %dma_start3A_469 = arith.constant 48 : i32
        %dma_start3A_470 = arith.constant 0 : i32
        %dma_start3A_471 = tpu.memref_slice %arg9[%dma_start3A_469, %dma_start3A_470] : memref<256x64xf32, #tpu.memory_space<vmem>> -> memref<16x64xf32, #tpu.memory_space<vmem>>
        %dma_start3A_472 = arith.constant 0 : i32
        %dma_start3A_473 = arith.constant 0 : i32
        %dma_start3A_474 = tpu.memref_slice %arg3[%dma_start3A_472, %dma_start3A_473] : memref<1000000x64xf32, #tpu.memory_space<hbm>> -> memref<1000000x64xf32, #tpu.memory_space<hbm>>
        tpu.enqueue_indirect_dma source(%dma_start3A_474 : memref<1000000x64xf32, #tpu.memory_space<hbm>>) target(%dma_start3A_471 : memref<16x64xf32, #tpu.memory_space<vmem>>) offsets(%get3A_468 : vector<16xi32>) semaphore(%arg13 : memref<!tpu.dma_semaphore, #tpu.memory_space<semaphore_mem>>)
        %mul3A_475 = arith.constant 256 : i32
        %mul3A_476 = arith.muli %add3A_363, %mul3A_475 : i32
        %add3A_477 = arith.constant 64 : i32
        %add3A_478 = arith.addi %mul3A_476, %add3A_477 : i32
        %get3A_479 = arith.index_cast %add3A_478 : i32 to index
        %get3A_480 = tpu.vector_load %arg5[%get3A_479] {strides = array<i32>} : memref<25600xi32, #tpu.memory_space<vmem>>, vector<16xi32>,
        %get3A_481 = vector.shape_cast %get3A_480 : vector<16xi32> to vector<16xi32>
        %dma_start3A_482 = arith.constant 64 : i32
        %dma_start3A_483 = arith.constant 0 : i32
        %dma_start3A_484 = tpu.memref_slice %arg9[%dma_start3A_482, %dma_start3A_483] : memref<256x64xf32, #tpu.memory_space<vmem>> -> memref<16x64xf32, #tpu.memory_space<vmem>>
        %dma_start3A_485 = arith.constant 0 : i32
        %dma_start3A_486 = arith.constant 0 : i32
        %dma_start3A_487 = tpu.memref_slice %arg3[%dma_start3A_485, %dma_start3A_486] : memref<1000000x64xf32, #tpu.memory_space<hbm>> -> memref<1000000x64xf32, #tpu.memory_space<hbm>>
        tpu.enqueue_indirect_dma source(%dma_start3A_487 : memref<1000000x64xf32, #tpu.memory_space<hbm>>) target(%dma_start3A_484 : memref<16x64xf32, #tpu.memory_space<vmem>>) offsets(%get3A_481 : vector<16xi32>) semaphore(%arg13 : memref<!tpu.dma_semaphore, #tpu.memory_space<semaphore_mem>>)
        %mul3A_488 = arith.constant 256 : i32
        %mul3A_489 = arith.muli %add3A_363, %mul3A_488 : i32
        %add3A_490 = arith.constant 80 : i32
        %add3A_491 = arith.addi %mul3A_489, %add3A_490 : i32
        %get3A_492 = arith.index_cast %add3A_491 : i32 to index
        %get3A_493 = tpu.vector_load %arg5[%get3A_492] {strides = array<i32>} : memref<25600xi32, #tpu.memory_space<vmem>>, vector<16xi32>,
        %get3A_494 = vector.shape_cast %get3A_493 : vector<16xi32> to vector<16xi32>
        %dma_start3A_495 = arith.constant 80 : i32
        %dma_start3A_496 = arith.constant 0 : i32
        %dma_start3A_497 = tpu.memref_slice %arg9[%dma_start3A_495, %dma_start3A_496] : memref<256x64xf32, #tpu.memory_space<vmem>> -> memref<16x64xf32, #tpu.memory_space<vmem>>
        %dma_start3A_498 = arith.constant 0 : i32
        %dma_start3A_499 = arith.constant 0 : i32
        %dma_start3A_500 = tpu.memref_slice %arg3[%dma_start3A_498, %dma_start3A_499] : memref<1000000x64xf32, #tpu.memory_space<hbm>> -> memref<1000000x64xf32, #tpu.memory_space<hbm>>
        tpu.enqueue_indirect_dma source(%dma_start3A_500 : memref<1000000x64xf32, #tpu.memory_space<hbm>>) target(%dma_start3A_497 : memref<16x64xf32, #tpu.memory_space<vmem>>) offsets(%get3A_494 : vector<16xi32>) semaphore(%arg13 : memref<!tpu.dma_semaphore, #tpu.memory_space<semaphore_mem>>)
        %mul3A_501 = arith.constant 256 : i32
        %mul3A_502 = arith.muli %add3A_363, %mul3A_501 : i32
        %add3A_503 = arith.constant 96 : i32
        %add3A_504 = arith.addi %mul3A_502, %add3A_503 : i32
        %get3A_505 = arith.index_cast %add3A_504 : i32 to index
        %get3A_506 = tpu.vector_load %arg5[%get3A_505] {strides = array<i32>} : memref<25600xi32, #tpu.memory_space<vmem>>, vector<16xi32>,
        %get3A_507 = vector.shape_cast %get3A_506 : vector<16xi32> to vector<16xi32>
        %dma_start3A_508 = arith.constant 96 : i32
        %dma_start3A_509 = arith.constant 0 : i32
        %dma_start3A_510 = tpu.memref_slice %arg9[%dma_start3A_508, %dma_start3A_509] : memref<256x64xf32, #tpu.memory_space<vmem>> -> memref<16x64xf32, #tpu.memory_space<vmem>>
        %dma_start3A_511 = arith.constant 0 : i32
        %dma_start3A_512 = arith.constant 0 : i32
        %dma_start3A_513 = tpu.memref_slice %arg3[%dma_start3A_511, %dma_start3A_512] : memref<1000000x64xf32, #tpu.memory_space<hbm>> -> memref<1000000x64xf32, #tpu.memory_space<hbm>>
        tpu.enqueue_indirect_dma source(%dma_start3A_513 : memref<1000000x64xf32, #tpu.memory_space<hbm>>) target(%dma_start3A_510 : memref<16x64xf32, #tpu.memory_space<vmem>>) offsets(%get3A_507 : vector<16xi32>) semaphore(%arg13 : memref<!tpu.dma_semaphore, #tpu.memory_space<semaphore_mem>>)
        %mul3A_514 = arith.constant 256 : i32
        %mul3A_515 = arith.muli %add3A_363, %mul3A_514 : i32
        %add3A_516 = arith.constant 112 : i32
        %add3A_517 = arith.addi %mul3A_515, %add3A_516 : i32
        %get3A_518 = arith.index_cast %add3A_517 : i32 to index
        %get3A_519 = tpu.vector_load %arg5[%get3A_518] {strides = array<i32>} : memref<25600xi32, #tpu.memory_space<vmem>>, vector<16xi32>,
        %get3A_520 = vector.shape_cast %get3A_519 : vector<16xi32> to vector<16xi32>
        %dma_start3A_521 = arith.constant 112 : i32
        %dma_start3A_522 = arith.constant 0 : i32
        %dma_start3A_523 = tpu.memref_slice %arg9[%dma_start3A_521, %dma_start3A_522] : memref<256x64xf32, #tpu.memory_space<vmem>> -> memref<16x64xf32, #tpu.memory_space<vmem>>
        %dma_start3A_524 = arith.constant 0 : i32
        %dma_start3A_525 = arith.constant 0 : i32
        %dma_start3A_526 = tpu.memref_slice %arg3[%dma_start3A_524, %dma_start3A_525] : memref<1000000x64xf32, #tpu.memory_space<hbm>> -> memref<1000000x64xf32, #tpu.memory_space<hbm>>
        tpu.enqueue_indirect_dma source(%dma_start3A_526 : memref<1000000x64xf32, #tpu.memory_space<hbm>>) target(%dma_start3A_523 : memref<16x64xf32, #tpu.memory_space<vmem>>) offsets(%get3A_520 : vector<16xi32>) semaphore(%arg13 : memref<!tpu.dma_semaphore, #tpu.memory_space<semaphore_mem>>)
        %mul3A_527 = arith.constant 256 : i32
        %mul3A_528 = arith.muli %add3A_363, %mul3A_527 : i32
        %add3A_529 = arith.constant 128 : i32
        %add3A_530 = arith.addi %mul3A_528, %add3A_529 : i32
        %get3A_531 = arith.index_cast %add3A_530 : i32 to index
        %get3A_532 = tpu.vector_load %arg5[%get3A_531] {strides = array<i32>} : memref<25600xi32, #tpu.memory_space<vmem>>, vector<16xi32>,
        %get3A_533 = vector.shape_cast %get3A_532 : vector<16xi32> to vector<16xi32>
        %dma_start3A_534 = arith.constant 128 : i32
        %dma_start3A_535 = arith.constant 0 : i32
        %dma_start3A_536 = tpu.memref_slice %arg9[%dma_start3A_534, %dma_start3A_535] : memref<256x64xf32, #tpu.memory_space<vmem>> -> memref<16x64xf32, #tpu.memory_space<vmem>>
        %dma_start3A_537 = arith.constant 0 : i32
        %dma_start3A_538 = arith.constant 0 : i32
        %dma_start3A_539 = tpu.memref_slice %arg3[%dma_start3A_537, %dma_start3A_538] : memref<1000000x64xf32, #tpu.memory_space<hbm>> -> memref<1000000x64xf32, #tpu.memory_space<hbm>>
        tpu.enqueue_indirect_dma source(%dma_start3A_539 : memref<1000000x64xf32, #tpu.memory_space<hbm>>) target(%dma_start3A_536 : memref<16x64xf32, #tpu.memory_space<vmem>>) offsets(%get3A_533 : vector<16xi32>) semaphore(%arg13 : memref<!tpu.dma_semaphore, #tpu.memory_space<semaphore_mem>>)
        %mul3A_540 = arith.constant 256 : i32
        %mul3A_541 = arith.muli %add3A_363, %mul3A_540 : i32
        %add3A_542 = arith.constant 144 : i32
        %add3A_543 = arith.addi %mul3A_541, %add3A_542 : i32
        %get3A_544 = arith.index_cast %add3A_543 : i32 to index
        %get3A_545 = tpu.vector_load %arg5[%get3A_544] {strides = array<i32>} : memref<25600xi32, #tpu.memory_space<vmem>>, vector<16xi32>,
        %get3A_546 = vector.shape_cast %get3A_545 : vector<16xi32> to vector<16xi32>
        %dma_start3A_547 = arith.constant 144 : i32
        %dma_start3A_548 = arith.constant 0 : i32
        %dma_start3A_549 = tpu.memref_slice %arg9[%dma_start3A_547, %dma_start3A_548] : memref<256x64xf32, #tpu.memory_space<vmem>> -> memref<16x64xf32, #tpu.memory_space<vmem>>
        %dma_start3A_550 = arith.constant 0 : i32
        %dma_start3A_551 = arith.constant 0 : i32
        %dma_start3A_552 = tpu.memref_slice %arg3[%dma_start3A_550, %dma_start3A_551] : memref<1000000x64xf32, #tpu.memory_space<hbm>> -> memref<1000000x64xf32, #tpu.memory_space<hbm>>
        tpu.enqueue_indirect_dma source(%dma_start3A_552 : memref<1000000x64xf32, #tpu.memory_space<hbm>>) target(%dma_start3A_549 : memref<16x64xf32, #tpu.memory_space<vmem>>) offsets(%get3A_546 : vector<16xi32>) semaphore(%arg13 : memref<!tpu.dma_semaphore, #tpu.memory_space<semaphore_mem>>)
        %mul3A_553 = arith.constant 256 : i32
        %mul3A_554 = arith.muli %add3A_363, %mul3A_553 : i32
        %add3A_555 = arith.constant 160 : i32
        %add3A_556 = arith.addi %mul3A_554, %add3A_555 : i32
        %get3A_557 = arith.index_cast %add3A_556 : i32 to index
        %get3A_558 = tpu.vector_load %arg5[%get3A_557] {strides = array<i32>} : memref<25600xi32, #tpu.memory_space<vmem>>, vector<16xi32>,
        %get3A_559 = vector.shape_cast %get3A_558 : vector<16xi32> to vector<16xi32>
        %dma_start3A_560 = arith.constant 160 : i32
        %dma_start3A_561 = arith.constant 0 : i32
        %dma_start3A_562 = tpu.memref_slice %arg9[%dma_start3A_560, %dma_start3A_561] : memref<256x64xf32, #tpu.memory_space<vmem>> -> memref<16x64xf32, #tpu.memory_space<vmem>>
        %dma_start3A_563 = arith.constant 0 : i32
        %dma_start3A_564 = arith.constant 0 : i32
        %dma_start3A_565 = tpu.memref_slice %arg3[%dma_start3A_563, %dma_start3A_564] : memref<1000000x64xf32, #tpu.memory_space<hbm>> -> memref<1000000x64xf32, #tpu.memory_space<hbm>>
        tpu.enqueue_indirect_dma source(%dma_start3A_565 : memref<1000000x64xf32, #tpu.memory_space<hbm>>) target(%dma_start3A_562 : memref<16x64xf32, #tpu.memory_space<vmem>>) offsets(%get3A_559 : vector<16xi32>) semaphore(%arg13 : memref<!tpu.dma_semaphore, #tpu.memory_space<semaphore_mem>>)
        %mul3A_566 = arith.constant 256 : i32
        %mul3A_567 = arith.muli %add3A_363, %mul3A_566 : i32
        %add3A_568 = arith.constant 176 : i32
        %add3A_569 = arith.addi %mul3A_567, %add3A_568 : i32
        %get3A_570 = arith.index_cast %add3A_569 : i32 to index
        %get3A_571 = tpu.vector_load %arg5[%get3A_570] {strides = array<i32>} : memref<25600xi32, #tpu.memory_space<vmem>>, vector<16xi32>,
        %get3A_572 = vector.shape_cast %get3A_571 : vector<16xi32> to vector<16xi32>
        %dma_start3A_573 = arith.constant 176 : i32
        %dma_start3A_574 = arith.constant 0 : i32
        %dma_start3A_575 = tpu.memref_slice %arg9[%dma_start3A_573, %dma_start3A_574] : memref<256x64xf32, #tpu.memory_space<vmem>> -> memref<16x64xf32, #tpu.memory_space<vmem>>
        %dma_start3A_576 = arith.constant 0 : i32
        %dma_start3A_577 = arith.constant 0 : i32
        %dma_start3A_578 = tpu.memref_slice %arg3[%dma_start3A_576, %dma_start3A_577] : memref<1000000x64xf32, #tpu.memory_space<hbm>> -> memref<1000000x64xf32, #tpu.memory_space<hbm>>
        tpu.enqueue_indirect_dma source(%dma_start3A_578 : memref<1000000x64xf32, #tpu.memory_space<hbm>>) target(%dma_start3A_575 : memref<16x64xf32, #tpu.memory_space<vmem>>) offsets(%get3A_572 : vector<16xi32>) semaphore(%arg13 : memref<!tpu.dma_semaphore, #tpu.memory_space<semaphore_mem>>)
        %mul3A_579 = arith.constant 256 : i32
        %mul3A_580 = arith.muli %add3A_363, %mul3A_579 : i32
        %add3A_581 = arith.constant 192 : i32
        %add3A_582 = arith.addi %mul3A_580, %add3A_581 : i32
        %get3A_583 = arith.index_cast %add3A_582 : i32 to index
        %get3A_584 = tpu.vector_load %arg5[%get3A_583] {strides = array<i32>} : memref<25600xi32, #tpu.memory_space<vmem>>, vector<16xi32>,
        %get3A_585 = vector.shape_cast %get3A_584 : vector<16xi32> to vector<16xi32>
        %dma_start3A_586 = arith.constant 192 : i32
        %dma_start3A_587 = arith.constant 0 : i32
        %dma_start3A_588 = tpu.memref_slice %arg9[%dma_start3A_586, %dma_start3A_587] : memref<256x64xf32, #tpu.memory_space<vmem>> -> memref<16x64xf32, #tpu.memory_space<vmem>>
        %dma_start3A_589 = arith.constant 0 : i32
        %dma_start3A_590 = arith.constant 0 : i32
        %dma_start3A_591 = tpu.memref_slice %arg3[%dma_start3A_589, %dma_start3A_590] : memref<1000000x64xf32, #tpu.memory_space<hbm>> -> memref<1000000x64xf32, #tpu.memory_space<hbm>>
        tpu.enqueue_indirect_dma source(%dma_start3A_591 : memref<1000000x64xf32, #tpu.memory_space<hbm>>) target(%dma_start3A_588 : memref<16x64xf32, #tpu.memory_space<vmem>>) offsets(%get3A_585 : vector<16xi32>) semaphore(%arg13 : memref<!tpu.dma_semaphore, #tpu.memory_space<semaphore_mem>>)
        %mul3A_592 = arith.constant 256 : i32
        %mul3A_593 = arith.muli %add3A_363, %mul3A_592 : i32
        %add3A_594 = arith.constant 208 : i32
        %add3A_595 = arith.addi %mul3A_593, %add3A_594 : i32
        %get3A_596 = arith.index_cast %add3A_595 : i32 to index
        %get3A_597 = tpu.vector_load %arg5[%get3A_596] {strides = array<i32>} : memref<25600xi32, #tpu.memory_space<vmem>>, vector<16xi32>,
        %get3A_598 = vector.shape_cast %get3A_597 : vector<16xi32> to vector<16xi32>
        %dma_start3A_599 = arith.constant 208 : i32
        %dma_start3A_600 = arith.constant 0 : i32
        %dma_start3A_601 = tpu.memref_slice %arg9[%dma_start3A_599, %dma_start3A_600] : memref<256x64xf32, #tpu.memory_space<vmem>> -> memref<16x64xf32, #tpu.memory_space<vmem>>
        %dma_start3A_602 = arith.constant 0 : i32
        %dma_start3A_603 = arith.constant 0 : i32
        %dma_start3A_604 = tpu.memref_slice %arg3[%dma_start3A_602, %dma_start3A_603] : memref<1000000x64xf32, #tpu.memory_space<hbm>> -> memref<1000000x64xf32, #tpu.memory_space<hbm>>
        tpu.enqueue_indirect_dma source(%dma_start3A_604 : memref<1000000x64xf32, #tpu.memory_space<hbm>>) target(%dma_start3A_601 : memref<16x64xf32, #tpu.memory_space<vmem>>) offsets(%get3A_598 : vector<16xi32>) semaphore(%arg13 : memref<!tpu.dma_semaphore, #tpu.memory_space<semaphore_mem>>)
        %mul3A_605 = arith.constant 256 : i32
        %mul3A_606 = arith.muli %add3A_363, %mul3A_605 : i32
        %add3A_607 = arith.constant 224 : i32
        %add3A_608 = arith.addi %mul3A_606, %add3A_607 : i32
        %get3A_609 = arith.index_cast %add3A_608 : i32 to index
        %get3A_610 = tpu.vector_load %arg5[%get3A_609] {strides = array<i32>} : memref<25600xi32, #tpu.memory_space<vmem>>, vector<16xi32>,
        %get3A_611 = vector.shape_cast %get3A_610 : vector<16xi32> to vector<16xi32>
        %dma_start3A_612 = arith.constant 224 : i32
        %dma_start3A_613 = arith.constant 0 : i32
        %dma_start3A_614 = tpu.memref_slice %arg9[%dma_start3A_612, %dma_start3A_613] : memref<256x64xf32, #tpu.memory_space<vmem>> -> memref<16x64xf32, #tpu.memory_space<vmem>>
        %dma_start3A_615 = arith.constant 0 : i32
        %dma_start3A_616 = arith.constant 0 : i32
        %dma_start3A_617 = tpu.memref_slice %arg3[%dma_start3A_615, %dma_start3A_616] : memref<1000000x64xf32, #tpu.memory_space<hbm>> -> memref<1000000x64xf32, #tpu.memory_space<hbm>>
        tpu.enqueue_indirect_dma source(%dma_start3A_617 : memref<1000000x64xf32, #tpu.memory_space<hbm>>) target(%dma_start3A_614 : memref<16x64xf32, #tpu.memory_space<vmem>>) offsets(%get3A_611 : vector<16xi32>) semaphore(%arg13 : memref<!tpu.dma_semaphore, #tpu.memory_space<semaphore_mem>>)
        %mul3A_618 = arith.constant 256 : i32
        %mul3A_619 = arith.muli %add3A_363, %mul3A_618 : i32
        %add3A_620 = arith.constant 240 : i32
        %add3A_621 = arith.addi %mul3A_619, %add3A_620 : i32
        %get3A_622 = arith.index_cast %add3A_621 : i32 to index
        %get3A_623 = tpu.vector_load %arg5[%get3A_622] {strides = array<i32>} : memref<25600xi32, #tpu.memory_space<vmem>>, vector<16xi32>,
        %get3A_624 = vector.shape_cast %get3A_623 : vector<16xi32> to vector<16xi32>
        %dma_start3A_625 = arith.constant 240 : i32
        %dma_start3A_626 = arith.constant 0 : i32
        %dma_start3A_627 = tpu.memref_slice %arg9[%dma_start3A_625, %dma_start3A_626] : memref<256x64xf32, #tpu.memory_space<vmem>> -> memref<16x64xf32, #tpu.memory_space<vmem>>
        %dma_start3A_628 = arith.constant 0 : i32
        %dma_start3A_629 = arith.constant 0 : i32
        %dma_start3A_630 = tpu.memref_slice %arg3[%dma_start3A_628, %dma_start3A_629] : memref<1000000x64xf32, #tpu.memory_space<hbm>> -> memref<1000000x64xf32, #tpu.memory_space<hbm>>
        tpu.enqueue_indirect_dma source(%dma_start3A_630 : memref<1000000x64xf32, #tpu.memory_space<hbm>>) target(%dma_start3A_627 : memref<16x64xf32, #tpu.memory_space<vmem>>) offsets(%get3A_624 : vector<16xi32>) semaphore(%arg13 : memref<!tpu.dma_semaphore, #tpu.memory_space<semaphore_mem>>)
      } else {
      }
      %add3A_369 = arith.constant 2 : i32
      %add3A_370 = arith.addi %add3A_322, %add3A_369 : i32
      %dma_wait3A_371 = arith.constant 0 : i32
      %dma_wait3A_372 = arith.constant 0 : i32
      %dma_wait3A_373 = tpu.memref_slice %arg3[%dma_wait3A_371, %dma_wait3A_372] : memref<1000000x64xf32, #tpu.memory_space<hbm>> -> memref<256x64xf32, #tpu.memory_space<hbm>>
      %dma_wait3A_374 = arith.constant 0 : i32
      %dma_wait3A_375 = arith.constant 0 : i32
      %dma_wait3A_376 = tpu.memref_slice %arg3[%dma_wait3A_374, %dma_wait3A_375] : memref<1000000x64xf32, #tpu.memory_space<hbm>> -> memref<256x64xf32, #tpu.memory_space<hbm>>
      tpu.wait_dma2 semaphore(%arg12 : memref<!tpu.dma_semaphore, #tpu.memory_space<semaphore_mem>>) src(%dma_wait3A_376 : memref<256x64xf32, #tpu.memory_space<hbm>>) dst(%arg8 : memref<256x64xf32, #tpu.memory_space<vmem>>)
      %parallel_loop3A_377 = arith.constant 0 : i32
      %parallel_loop3A_378 = arith.constant 256 : i32
      %parallel_loop3A_379 = arith.constant 1 : i32
      scf.for %parallel_loop3A_419 = %parallel_loop3A_377 to %parallel_loop3A_378 step %parallel_loop3A_379  : i32 {
        %parallel_loop3A_420 = arith.index_cast %parallel_loop3A_419 : i32 to index
        %parallel_loop3A_421 = arith.constant 0 : index
        %parallel_loop3A_422 = tpu.vector_load %arg8[%parallel_loop3A_420, %parallel_loop3A_421] {strides = array<i32>} : memref<256x64xf32, #tpu.memory_space<vmem>>, vector<1x16xf32>,
        %parallel_loop3A_423 = vector.shape_cast %parallel_loop3A_422 : vector<1x16xf32> to vector<16xf32>
        %parallel_loop3A_424 = arith.constant 8.000000e+00 : f32
        %parallel_loop3A_425 = vector.broadcast %parallel_loop3A_424 : f32 to vector<16xf32>
        %parallel_loop3A_426 = arith.mulf %parallel_loop3A_423, %parallel_loop3A_425 : vector<16xf32>
        %parallel_loop3A_427 = arith.index_cast %parallel_loop3A_419 : i32 to index
        %parallel_loop3A_428 = arith.constant 0 : index
        %parallel_loop3A_429 = tpu.vector_load %arg8[%parallel_loop3A_427, %parallel_loop3A_428] {strides = array<i32>} : memref<256x64xf32, #tpu.memory_space<vmem>>, vector<1x16xf32>,
        %parallel_loop3A_430 = vector.shape_cast %parallel_loop3A_429 : vector<1x16xf32> to vector<16xf32>
        %parallel_loop3A_431 = vector.shape_cast %parallel_loop3A_426 : vector<16xf32> to vector<1x16xf32>
        tpu.vector_store %arg8[%parallel_loop3A_427, %parallel_loop3A_428], %parallel_loop3A_431 {strides = array<i32>} : memref<256x64xf32, #tpu.memory_space<vmem>>, vector<1x16xf32>,
        %parallel_loop3A_432 = arith.index_cast %parallel_loop3A_419 : i32 to index
        %parallel_loop3A_433 = arith.constant 16 : index
        %parallel_loop3A_434 = tpu.vector_load %arg8[%parallel_loop3A_432, %parallel_loop3A_433] {strides = array<i32>} : memref<256x64xf32, #tpu.memory_space<vmem>>, vector<1x16xf32>,
        %parallel_loop3A_435 = vector.shape_cast %parallel_loop3A_434 : vector<1x16xf32> to vector<16xf32>
        %parallel_loop3A_436 = arith.constant 8.000000e+00 : f32
        %parallel_loop3A_437 = vector.broadcast %parallel_loop3A_436 : f32 to vector<16xf32>
        %parallel_loop3A_438 = arith.mulf %parallel_loop3A_435, %parallel_loop3A_437 : vector<16xf32>
        %parallel_loop3A_439 = arith.index_cast %parallel_loop3A_419 : i32 to index
        %parallel_loop3A_440 = arith.constant 16 : index
        %parallel_loop3A_441 = tpu.vector_load %arg8[%parallel_loop3A_439, %parallel_loop3A_440] {strides = array<i32>} : memref<256x64xf32, #tpu.memory_space<vmem>>, vector<1x16xf32>,
        %parallel_loop3A_442 = vector.shape_cast %parallel_loop3A_441 : vector<1x16xf32> to vector<16xf32>
        %parallel_loop3A_443 = vector.shape_cast %parallel_loop3A_438 : vector<16xf32> to vector<1x16xf32>
        tpu.vector_store %arg8[%parallel_loop3A_439, %parallel_loop3A_440], %parallel_loop3A_443 {strides = array<i32>} : memref<256x64xf32, #tpu.memory_space<vmem>>, vector<1x16xf32>,
        %parallel_loop3A_444 = arith.index_cast %parallel_loop3A_419 : i32 to index
        %parallel_loop3A_445 = arith.constant 32 : index
        %parallel_loop3A_446 = tpu.vector_load %arg8[%parallel_loop3A_444, %parallel_loop3A_445] {strides = array<i32>} : memref<256x64xf32, #tpu.memory_space<vmem>>, vector<1x16xf32>,
        %parallel_loop3A_447 = vector.shape_cast %parallel_loop3A_446 : vector<1x16xf32> to vector<16xf32>
        %parallel_loop3A_448 = arith.constant 8.000000e+00 : f32
        %parallel_loop3A_449 = vector.broadcast %parallel_loop3A_448 : f32 to vector<16xf32>
        %parallel_loop3A_450 = arith.mulf %parallel_loop3A_447, %parallel_loop3A_449 : vector<16xf32>
        %parallel_loop3A_451 = arith.index_cast %parallel_loop3A_419 : i32 to index
        %parallel_loop3A_452 = arith.constant 32 : index
        %parallel_loop3A_453 = tpu.vector_load %arg8[%parallel_loop3A_451, %parallel_loop3A_452] {strides = array<i32>} : memref<256x64xf32, #tpu.memory_space<vmem>>, vector<1x16xf32>,
        %parallel_loop3A_454 = vector.shape_cast %parallel_loop3A_453 : vector<1x16xf32> to vector<16xf32>
        %parallel_loop3A_455 = vector.shape_cast %parallel_loop3A_450 : vector<16xf32> to vector<1x16xf32>
        tpu.vector_store %arg8[%parallel_loop3A_451, %parallel_loop3A_452], %parallel_loop3A_455 {strides = array<i32>} : memref<256x64xf32, #tpu.memory_space<vmem>>, vector<1x16xf32>,
        %parallel_loop3A_456 = arith.index_cast %parallel_loop3A_419 : i32 to index
        %parallel_loop3A_457 = arith.constant 48 : index
        %parallel_loop3A_458 = tpu.vector_load %arg8[%parallel_loop3A_456, %parallel_loop3A_457] {strides = array<i32>} : memref<256x64xf32, #tpu.memory_space<vmem>>, vector<1x16xf32>,
        %parallel_loop3A_459 = vector.shape_cast %parallel_loop3A_458 : vector<1x16xf32> to vector<16xf32>
        %parallel_loop3A_460 = arith.constant 8.000000e+00 : f32
        %parallel_loop3A_461 = vector.broadcast %parallel_loop3A_460 : f32 to vector<16xf32>
        %parallel_loop3A_462 = arith.mulf %parallel_loop3A_459, %parallel_loop3A_461 : vector<16xf32>
        %parallel_loop3A_463 = arith.index_cast %parallel_loop3A_419 : i32 to index
        %parallel_loop3A_464 = arith.constant 48 : index
        %parallel_loop3A_465 = tpu.vector_load %arg8[%parallel_loop3A_463, %parallel_loop3A_464] {strides = array<i32>} : memref<256x64xf32, #tpu.memory_space<vmem>>, vector<1x16xf32>,
        %parallel_loop3A_466 = vector.shape_cast %parallel_loop3A_465 : vector<1x16xf32> to vector<16xf32>
        %parallel_loop3A_467 = vector.shape_cast %parallel_loop3A_462 : vector<16xf32> to vector<1x16xf32>
        tpu.vector_store %arg8[%parallel_loop3A_463, %parallel_loop3A_464], %parallel_loop3A_467 {strides = array<i32>} : memref<256x64xf32, #tpu.memory_space<vmem>>, vector<1x16xf32>,
      } {sc.loop_unroll_factor = 4 : i64, sc.parallel_access}
      %mul3A_380 = arith.constant 256 : i32
      %mul3A_381 = arith.muli %add3A_370, %mul3A_380 : i32
      %add3A_382 = arith.addi %mul3A_4, %mul3A_381 : i32
      %dma_start3A_383 = arith.constant 0 : i32
      %dma_start3A_384 = tpu.memref_slice %arg4[%add3A_382, %dma_start3A_383] : memref<819200x128xf32, #tpu.memory_space<hbm>> -> memref<256x64xf32, #tpu.memory_space<hbm>>
      %dma_start3A_385 = arith.constant 0 : i32
      %dma_start3A_386 = tpu.memref_slice %arg4[%add3A_382, %dma_start3A_385] : memref<819200x128xf32, #tpu.memory_space<hbm>> -> memref<256x64xf32, #tpu.memory_space<hbm>>
      tpu.enqueue_dma source(%arg8 : memref<256x64xf32, #tpu.memory_space<vmem>>) target(%dma_start3A_386 : memref<256x64xf32, #tpu.memory_space<hbm>>) target_semaphore(%arg16 : memref<!tpu.dma_semaphore, #tpu.memory_space<semaphore_mem>>)
      %add3A_387 = arith.constant 2 : i32
      %add3A_388 = arith.addi %add3A_370, %add3A_387 : i32
      %lt3A_389 = arith.constant 100 : i32
      %lt3A_390 = arith.cmpi slt, %add3A_388, %lt3A_389 : i32
      %convert_element_type3A_391 = arith.extui %lt3A_390 : i1 to i32
      %cond3A_392 = arith.constant 0 : i32
      %cond3A_393 = arith.cmpi ne, %convert_element_type3A_391, %cond3A_392 : i32
      scf.if %cond3A_393 {
        %ge3A = arith.constant 4 : i32
        %ge3A_419 = arith.cmpi sge, %add3A_388, %ge3A : i32
        %convert_element_type3A_420 = arith.extui %ge3A_419 : i1 to i32
        %cond3A_421 = arith.constant 0 : i32
        %cond3A_422 = arith.cmpi ne, %convert_element_type3A_420, %cond3A_421 : i32
        scf.if %cond3A_422 {
          %sub3A = arith.constant 4 : i32
          %sub3A_631 = arith.subi %add3A_388, %sub3A : i32
          %mul3A_632 = arith.constant 256 : i32
          %mul3A_633 = arith.muli %sub3A_631, %mul3A_632 : i32
          %add3A_634 = arith.addi %mul3A_4, %mul3A_633 : i32
          %dma_wait3A_635 = arith.constant 0 : i32
          %dma_wait3A_636 = tpu.memref_slice %arg4[%add3A_634, %dma_wait3A_635] : memref<819200x128xf32, #tpu.memory_space<hbm>> -> memref<256x64xf32, #tpu.memory_space<hbm>>
          %dma_wait3A_637 = arith.constant 0 : i32
          %dma_wait3A_638 = tpu.memref_slice %arg4[%add3A_634, %dma_wait3A_637] : memref<819200x128xf32, #tpu.memory_space<hbm>> -> memref<256x64xf32, #tpu.memory_space<hbm>>
          tpu.wait_dma2 semaphore(%arg14 : memref<!tpu.dma_semaphore, #tpu.memory_space<semaphore_mem>>) src(%arg6 : memref<256x64xf32, #tpu.memory_space<vmem>>) dst(%dma_wait3A_638 : memref<256x64xf32, #tpu.memory_space<hbm>>)
        } else {
        }
        %mul3A_423 = arith.constant 256 : i32
        %mul3A_424 = arith.muli %add3A_388, %mul3A_423 : i32
        %add3A_425 = arith.constant 0 : i32
        %add3A_426 = arith.addi %mul3A_424, %add3A_425 : i32
        %get3A_427 = arith.index_cast %add3A_426 : i32 to index
        %get3A_428 = tpu.vector_load %arg5[%get3A_427] {strides = array<i32>} : memref<25600xi32, #tpu.memory_space<vmem>>, vector<16xi32>,
        %get3A_429 = vector.shape_cast %get3A_428 : vector<16xi32> to vector<16xi32>
        %dma_start3A_430 = arith.constant 0 : i32
        %dma_start3A_431 = arith.constant 0 : i32
        %dma_start3A_432 = tpu.memref_slice %arg6[%dma_start3A_430, %dma_start3A_431] : memref<256x64xf32, #tpu.memory_space<vmem>> -> memref<16x64xf32, #tpu.memory_space<vmem>>
        %dma_start3A_433 = arith.constant 0 : i32
        %dma_start3A_434 = arith.constant 0 : i32
        %dma_start3A_435 = tpu.memref_slice %arg3[%dma_start3A_433, %dma_start3A_434] : memref<1000000x64xf32, #tpu.memory_space<hbm>> -> memref<1000000x64xf32, #tpu.memory_space<hbm>>
        tpu.enqueue_indirect_dma source(%dma_start3A_435 : memref<1000000x64xf32, #tpu.memory_space<hbm>>) target(%dma_start3A_432 : memref<16x64xf32, #tpu.memory_space<vmem>>) offsets(%get3A_429 : vector<16xi32>) semaphore(%arg10 : memref<!tpu.dma_semaphore, #tpu.memory_space<semaphore_mem>>)
        %mul3A_436 = arith.constant 256 : i32
        %mul3A_437 = arith.muli %add3A_388, %mul3A_436 : i32
        %add3A_438 = arith.constant 16 : i32
        %add3A_439 = arith.addi %mul3A_437, %add3A_438 : i32
        %get3A_440 = arith.index_cast %add3A_439 : i32 to index
        %get3A_441 = tpu.vector_load %arg5[%get3A_440] {strides = array<i32>} : memref<25600xi32, #tpu.memory_space<vmem>>, vector<16xi32>,
        %get3A_442 = vector.shape_cast %get3A_441 : vector<16xi32> to vector<16xi32>
        %dma_start3A_443 = arith.constant 16 : i32
        %dma_start3A_444 = arith.constant 0 : i32
        %dma_start3A_445 = tpu.memref_slice %arg6[%dma_start3A_443, %dma_start3A_444] : memref<256x64xf32, #tpu.memory_space<vmem>> -> memref<16x64xf32, #tpu.memory_space<vmem>>
        %dma_start3A_446 = arith.constant 0 : i32
        %dma_start3A_447 = arith.constant 0 : i32
        %dma_start3A_448 = tpu.memref_slice %arg3[%dma_start3A_446, %dma_start3A_447] : memref<1000000x64xf32, #tpu.memory_space<hbm>> -> memref<1000000x64xf32, #tpu.memory_space<hbm>>
        tpu.enqueue_indirect_dma source(%dma_start3A_448 : memref<1000000x64xf32, #tpu.memory_space<hbm>>) target(%dma_start3A_445 : memref<16x64xf32, #tpu.memory_space<vmem>>) offsets(%get3A_442 : vector<16xi32>) semaphore(%arg10 : memref<!tpu.dma_semaphore, #tpu.memory_space<semaphore_mem>>)
        %mul3A_449 = arith.constant 256 : i32
        %mul3A_450 = arith.muli %add3A_388, %mul3A_449 : i32
        %add3A_451 = arith.constant 32 : i32
        %add3A_452 = arith.addi %mul3A_450, %add3A_451 : i32
        %get3A_453 = arith.index_cast %add3A_452 : i32 to index
        %get3A_454 = tpu.vector_load %arg5[%get3A_453] {strides = array<i32>} : memref<25600xi32, #tpu.memory_space<vmem>>, vector<16xi32>,
        %get3A_455 = vector.shape_cast %get3A_454 : vector<16xi32> to vector<16xi32>
        %dma_start3A_456 = arith.constant 32 : i32
        %dma_start3A_457 = arith.constant 0 : i32
        %dma_start3A_458 = tpu.memref_slice %arg6[%dma_start3A_456, %dma_start3A_457] : memref<256x64xf32, #tpu.memory_space<vmem>> -> memref<16x64xf32, #tpu.memory_space<vmem>>
        %dma_start3A_459 = arith.constant 0 : i32
        %dma_start3A_460 = arith.constant 0 : i32
        %dma_start3A_461 = tpu.memref_slice %arg3[%dma_start3A_459, %dma_start3A_460] : memref<1000000x64xf32, #tpu.memory_space<hbm>> -> memref<1000000x64xf32, #tpu.memory_space<hbm>>
        tpu.enqueue_indirect_dma source(%dma_start3A_461 : memref<1000000x64xf32, #tpu.memory_space<hbm>>) target(%dma_start3A_458 : memref<16x64xf32, #tpu.memory_space<vmem>>) offsets(%get3A_455 : vector<16xi32>) semaphore(%arg10 : memref<!tpu.dma_semaphore, #tpu.memory_space<semaphore_mem>>)
        %mul3A_462 = arith.constant 256 : i32
        %mul3A_463 = arith.muli %add3A_388, %mul3A_462 : i32
        %add3A_464 = arith.constant 48 : i32
        %add3A_465 = arith.addi %mul3A_463, %add3A_464 : i32
        %get3A_466 = arith.index_cast %add3A_465 : i32 to index
        %get3A_467 = tpu.vector_load %arg5[%get3A_466] {strides = array<i32>} : memref<25600xi32, #tpu.memory_space<vmem>>, vector<16xi32>,
        %get3A_468 = vector.shape_cast %get3A_467 : vector<16xi32> to vector<16xi32>
        %dma_start3A_469 = arith.constant 48 : i32
        %dma_start3A_470 = arith.constant 0 : i32
        %dma_start3A_471 = tpu.memref_slice %arg6[%dma_start3A_469, %dma_start3A_470] : memref<256x64xf32, #tpu.memory_space<vmem>> -> memref<16x64xf32, #tpu.memory_space<vmem>>
        %dma_start3A_472 = arith.constant 0 : i32
        %dma_start3A_473 = arith.constant 0 : i32
        %dma_start3A_474 = tpu.memref_slice %arg3[%dma_start3A_472, %dma_start3A_473] : memref<1000000x64xf32, #tpu.memory_space<hbm>> -> memref<1000000x64xf32, #tpu.memory_space<hbm>>
        tpu.enqueue_indirect_dma source(%dma_start3A_474 : memref<1000000x64xf32, #tpu.memory_space<hbm>>) target(%dma_start3A_471 : memref<16x64xf32, #tpu.memory_space<vmem>>) offsets(%get3A_468 : vector<16xi32>) semaphore(%arg10 : memref<!tpu.dma_semaphore, #tpu.memory_space<semaphore_mem>>)
        %mul3A_475 = arith.constant 256 : i32
        %mul3A_476 = arith.muli %add3A_388, %mul3A_475 : i32
        %add3A_477 = arith.constant 64 : i32
        %add3A_478 = arith.addi %mul3A_476, %add3A_477 : i32
        %get3A_479 = arith.index_cast %add3A_478 : i32 to index
        %get3A_480 = tpu.vector_load %arg5[%get3A_479] {strides = array<i32>} : memref<25600xi32, #tpu.memory_space<vmem>>, vector<16xi32>,
        %get3A_481 = vector.shape_cast %get3A_480 : vector<16xi32> to vector<16xi32>
        %dma_start3A_482 = arith.constant 64 : i32
        %dma_start3A_483 = arith.constant 0 : i32
        %dma_start3A_484 = tpu.memref_slice %arg6[%dma_start3A_482, %dma_start3A_483] : memref<256x64xf32, #tpu.memory_space<vmem>> -> memref<16x64xf32, #tpu.memory_space<vmem>>
        %dma_start3A_485 = arith.constant 0 : i32
        %dma_start3A_486 = arith.constant 0 : i32
        %dma_start3A_487 = tpu.memref_slice %arg3[%dma_start3A_485, %dma_start3A_486] : memref<1000000x64xf32, #tpu.memory_space<hbm>> -> memref<1000000x64xf32, #tpu.memory_space<hbm>>
        tpu.enqueue_indirect_dma source(%dma_start3A_487 : memref<1000000x64xf32, #tpu.memory_space<hbm>>) target(%dma_start3A_484 : memref<16x64xf32, #tpu.memory_space<vmem>>) offsets(%get3A_481 : vector<16xi32>) semaphore(%arg10 : memref<!tpu.dma_semaphore, #tpu.memory_space<semaphore_mem>>)
        %mul3A_488 = arith.constant 256 : i32
        %mul3A_489 = arith.muli %add3A_388, %mul3A_488 : i32
        %add3A_490 = arith.constant 80 : i32
        %add3A_491 = arith.addi %mul3A_489, %add3A_490 : i32
        %get3A_492 = arith.index_cast %add3A_491 : i32 to index
        %get3A_493 = tpu.vector_load %arg5[%get3A_492] {strides = array<i32>} : memref<25600xi32, #tpu.memory_space<vmem>>, vector<16xi32>,
        %get3A_494 = vector.shape_cast %get3A_493 : vector<16xi32> to vector<16xi32>
        %dma_start3A_495 = arith.constant 80 : i32
        %dma_start3A_496 = arith.constant 0 : i32
        %dma_start3A_497 = tpu.memref_slice %arg6[%dma_start3A_495, %dma_start3A_496] : memref<256x64xf32, #tpu.memory_space<vmem>> -> memref<16x64xf32, #tpu.memory_space<vmem>>
        %dma_start3A_498 = arith.constant 0 : i32
        %dma_start3A_499 = arith.constant 0 : i32
        %dma_start3A_500 = tpu.memref_slice %arg3[%dma_start3A_498, %dma_start3A_499] : memref<1000000x64xf32, #tpu.memory_space<hbm>> -> memref<1000000x64xf32, #tpu.memory_space<hbm>>
        tpu.enqueue_indirect_dma source(%dma_start3A_500 : memref<1000000x64xf32, #tpu.memory_space<hbm>>) target(%dma_start3A_497 : memref<16x64xf32, #tpu.memory_space<vmem>>) offsets(%get3A_494 : vector<16xi32>) semaphore(%arg10 : memref<!tpu.dma_semaphore, #tpu.memory_space<semaphore_mem>>)
        %mul3A_501 = arith.constant 256 : i32
        %mul3A_502 = arith.muli %add3A_388, %mul3A_501 : i32
        %add3A_503 = arith.constant 96 : i32
        %add3A_504 = arith.addi %mul3A_502, %add3A_503 : i32
        %get3A_505 = arith.index_cast %add3A_504 : i32 to index
        %get3A_506 = tpu.vector_load %arg5[%get3A_505] {strides = array<i32>} : memref<25600xi32, #tpu.memory_space<vmem>>, vector<16xi32>,
        %get3A_507 = vector.shape_cast %get3A_506 : vector<16xi32> to vector<16xi32>
        %dma_start3A_508 = arith.constant 96 : i32
        %dma_start3A_509 = arith.constant 0 : i32
        %dma_start3A_510 = tpu.memref_slice %arg6[%dma_start3A_508, %dma_start3A_509] : memref<256x64xf32, #tpu.memory_space<vmem>> -> memref<16x64xf32, #tpu.memory_space<vmem>>
        %dma_start3A_511 = arith.constant 0 : i32
        %dma_start3A_512 = arith.constant 0 : i32
        %dma_start3A_513 = tpu.memref_slice %arg3[%dma_start3A_511, %dma_start3A_512] : memref<1000000x64xf32, #tpu.memory_space<hbm>> -> memref<1000000x64xf32, #tpu.memory_space<hbm>>
        tpu.enqueue_indirect_dma source(%dma_start3A_513 : memref<1000000x64xf32, #tpu.memory_space<hbm>>) target(%dma_start3A_510 : memref<16x64xf32, #tpu.memory_space<vmem>>) offsets(%get3A_507 : vector<16xi32>) semaphore(%arg10 : memref<!tpu.dma_semaphore, #tpu.memory_space<semaphore_mem>>)
        %mul3A_514 = arith.constant 256 : i32
        %mul3A_515 = arith.muli %add3A_388, %mul3A_514 : i32
        %add3A_516 = arith.constant 112 : i32
        %add3A_517 = arith.addi %mul3A_515, %add3A_516 : i32
        %get3A_518 = arith.index_cast %add3A_517 : i32 to index
        %get3A_519 = tpu.vector_load %arg5[%get3A_518] {strides = array<i32>} : memref<25600xi32, #tpu.memory_space<vmem>>, vector<16xi32>,
        %get3A_520 = vector.shape_cast %get3A_519 : vector<16xi32> to vector<16xi32>
        %dma_start3A_521 = arith.constant 112 : i32
        %dma_start3A_522 = arith.constant 0 : i32
        %dma_start3A_523 = tpu.memref_slice %arg6[%dma_start3A_521, %dma_start3A_522] : memref<256x64xf32, #tpu.memory_space<vmem>> -> memref<16x64xf32, #tpu.memory_space<vmem>>
        %dma_start3A_524 = arith.constant 0 : i32
        %dma_start3A_525 = arith.constant 0 : i32
        %dma_start3A_526 = tpu.memref_slice %arg3[%dma_start3A_524, %dma_start3A_525] : memref<1000000x64xf32, #tpu.memory_space<hbm>> -> memref<1000000x64xf32, #tpu.memory_space<hbm>>
        tpu.enqueue_indirect_dma source(%dma_start3A_526 : memref<1000000x64xf32, #tpu.memory_space<hbm>>) target(%dma_start3A_523 : memref<16x64xf32, #tpu.memory_space<vmem>>) offsets(%get3A_520 : vector<16xi32>) semaphore(%arg10 : memref<!tpu.dma_semaphore, #tpu.memory_space<semaphore_mem>>)
        %mul3A_527 = arith.constant 256 : i32
        %mul3A_528 = arith.muli %add3A_388, %mul3A_527 : i32
        %add3A_529 = arith.constant 128 : i32
        %add3A_530 = arith.addi %mul3A_528, %add3A_529 : i32
        %get3A_531 = arith.index_cast %add3A_530 : i32 to index
        %get3A_532 = tpu.vector_load %arg5[%get3A_531] {strides = array<i32>} : memref<25600xi32, #tpu.memory_space<vmem>>, vector<16xi32>,
        %get3A_533 = vector.shape_cast %get3A_532 : vector<16xi32> to vector<16xi32>
        %dma_start3A_534 = arith.constant 128 : i32
        %dma_start3A_535 = arith.constant 0 : i32
        %dma_start3A_536 = tpu.memref_slice %arg6[%dma_start3A_534, %dma_start3A_535] : memref<256x64xf32, #tpu.memory_space<vmem>> -> memref<16x64xf32, #tpu.memory_space<vmem>>
        %dma_start3A_537 = arith.constant 0 : i32
        %dma_start3A_538 = arith.constant 0 : i32
        %dma_start3A_539 = tpu.memref_slice %arg3[%dma_start3A_537, %dma_start3A_538] : memref<1000000x64xf32, #tpu.memory_space<hbm>> -> memref<1000000x64xf32, #tpu.memory_space<hbm>>
        tpu.enqueue_indirect_dma source(%dma_start3A_539 : memref<1000000x64xf32, #tpu.memory_space<hbm>>) target(%dma_start3A_536 : memref<16x64xf32, #tpu.memory_space<vmem>>) offsets(%get3A_533 : vector<16xi32>) semaphore(%arg10 : memref<!tpu.dma_semaphore, #tpu.memory_space<semaphore_mem>>)
        %mul3A_540 = arith.constant 256 : i32
        %mul3A_541 = arith.muli %add3A_388, %mul3A_540 : i32
        %add3A_542 = arith.constant 144 : i32
        %add3A_543 = arith.addi %mul3A_541, %add3A_542 : i32
        %get3A_544 = arith.index_cast %add3A_543 : i32 to index
        %get3A_545 = tpu.vector_load %arg5[%get3A_544] {strides = array<i32>} : memref<25600xi32, #tpu.memory_space<vmem>>, vector<16xi32>,
        %get3A_546 = vector.shape_cast %get3A_545 : vector<16xi32> to vector<16xi32>
        %dma_start3A_547 = arith.constant 144 : i32
        %dma_start3A_548 = arith.constant 0 : i32
        %dma_start3A_549 = tpu.memref_slice %arg6[%dma_start3A_547, %dma_start3A_548] : memref<256x64xf32, #tpu.memory_space<vmem>> -> memref<16x64xf32, #tpu.memory_space<vmem>>
        %dma_start3A_550 = arith.constant 0 : i32
        %dma_start3A_551 = arith.constant 0 : i32
        %dma_start3A_552 = tpu.memref_slice %arg3[%dma_start3A_550, %dma_start3A_551] : memref<1000000x64xf32, #tpu.memory_space<hbm>> -> memref<1000000x64xf32, #tpu.memory_space<hbm>>
        tpu.enqueue_indirect_dma source(%dma_start3A_552 : memref<1000000x64xf32, #tpu.memory_space<hbm>>) target(%dma_start3A_549 : memref<16x64xf32, #tpu.memory_space<vmem>>) offsets(%get3A_546 : vector<16xi32>) semaphore(%arg10 : memref<!tpu.dma_semaphore, #tpu.memory_space<semaphore_mem>>)
        %mul3A_553 = arith.constant 256 : i32
        %mul3A_554 = arith.muli %add3A_388, %mul3A_553 : i32
        %add3A_555 = arith.constant 160 : i32
        %add3A_556 = arith.addi %mul3A_554, %add3A_555 : i32
        %get3A_557 = arith.index_cast %add3A_556 : i32 to index
        %get3A_558 = tpu.vector_load %arg5[%get3A_557] {strides = array<i32>} : memref<25600xi32, #tpu.memory_space<vmem>>, vector<16xi32>,
        %get3A_559 = vector.shape_cast %get3A_558 : vector<16xi32> to vector<16xi32>
        %dma_start3A_560 = arith.constant 160 : i32
        %dma_start3A_561 = arith.constant 0 : i32
        %dma_start3A_562 = tpu.memref_slice %arg6[%dma_start3A_560, %dma_start3A_561] : memref<256x64xf32, #tpu.memory_space<vmem>> -> memref<16x64xf32, #tpu.memory_space<vmem>>
        %dma_start3A_563 = arith.constant 0 : i32
        %dma_start3A_564 = arith.constant 0 : i32
        %dma_start3A_565 = tpu.memref_slice %arg3[%dma_start3A_563, %dma_start3A_564] : memref<1000000x64xf32, #tpu.memory_space<hbm>> -> memref<1000000x64xf32, #tpu.memory_space<hbm>>
        tpu.enqueue_indirect_dma source(%dma_start3A_565 : memref<1000000x64xf32, #tpu.memory_space<hbm>>) target(%dma_start3A_562 : memref<16x64xf32, #tpu.memory_space<vmem>>) offsets(%get3A_559 : vector<16xi32>) semaphore(%arg10 : memref<!tpu.dma_semaphore, #tpu.memory_space<semaphore_mem>>)
        %mul3A_566 = arith.constant 256 : i32
        %mul3A_567 = arith.muli %add3A_388, %mul3A_566 : i32
        %add3A_568 = arith.constant 176 : i32
        %add3A_569 = arith.addi %mul3A_567, %add3A_568 : i32
        %get3A_570 = arith.index_cast %add3A_569 : i32 to index
        %get3A_571 = tpu.vector_load %arg5[%get3A_570] {strides = array<i32>} : memref<25600xi32, #tpu.memory_space<vmem>>, vector<16xi32>,
        %get3A_572 = vector.shape_cast %get3A_571 : vector<16xi32> to vector<16xi32>
        %dma_start3A_573 = arith.constant 176 : i32
        %dma_start3A_574 = arith.constant 0 : i32
        %dma_start3A_575 = tpu.memref_slice %arg6[%dma_start3A_573, %dma_start3A_574] : memref<256x64xf32, #tpu.memory_space<vmem>> -> memref<16x64xf32, #tpu.memory_space<vmem>>
        %dma_start3A_576 = arith.constant 0 : i32
        %dma_start3A_577 = arith.constant 0 : i32
        %dma_start3A_578 = tpu.memref_slice %arg3[%dma_start3A_576, %dma_start3A_577] : memref<1000000x64xf32, #tpu.memory_space<hbm>> -> memref<1000000x64xf32, #tpu.memory_space<hbm>>
        tpu.enqueue_indirect_dma source(%dma_start3A_578 : memref<1000000x64xf32, #tpu.memory_space<hbm>>) target(%dma_start3A_575 : memref<16x64xf32, #tpu.memory_space<vmem>>) offsets(%get3A_572 : vector<16xi32>) semaphore(%arg10 : memref<!tpu.dma_semaphore, #tpu.memory_space<semaphore_mem>>)
        %mul3A_579 = arith.constant 256 : i32
        %mul3A_580 = arith.muli %add3A_388, %mul3A_579 : i32
        %add3A_581 = arith.constant 192 : i32
        %add3A_582 = arith.addi %mul3A_580, %add3A_581 : i32
        %get3A_583 = arith.index_cast %add3A_582 : i32 to index
        %get3A_584 = tpu.vector_load %arg5[%get3A_583] {strides = array<i32>} : memref<25600xi32, #tpu.memory_space<vmem>>, vector<16xi32>,
        %get3A_585 = vector.shape_cast %get3A_584 : vector<16xi32> to vector<16xi32>
        %dma_start3A_586 = arith.constant 192 : i32
        %dma_start3A_587 = arith.constant 0 : i32
        %dma_start3A_588 = tpu.memref_slice %arg6[%dma_start3A_586, %dma_start3A_587] : memref<256x64xf32, #tpu.memory_space<vmem>> -> memref<16x64xf32, #tpu.memory_space<vmem>>
        %dma_start3A_589 = arith.constant 0 : i32
        %dma_start3A_590 = arith.constant 0 : i32
        %dma_start3A_591 = tpu.memref_slice %arg3[%dma_start3A_589, %dma_start3A_590] : memref<1000000x64xf32, #tpu.memory_space<hbm>> -> memref<1000000x64xf32, #tpu.memory_space<hbm>>
        tpu.enqueue_indirect_dma source(%dma_start3A_591 : memref<1000000x64xf32, #tpu.memory_space<hbm>>) target(%dma_start3A_588 : memref<16x64xf32, #tpu.memory_space<vmem>>) offsets(%get3A_585 : vector<16xi32>) semaphore(%arg10 : memref<!tpu.dma_semaphore, #tpu.memory_space<semaphore_mem>>)
        %mul3A_592 = arith.constant 256 : i32
        %mul3A_593 = arith.muli %add3A_388, %mul3A_592 : i32
        %add3A_594 = arith.constant 208 : i32
        %add3A_595 = arith.addi %mul3A_593, %add3A_594 : i32
        %get3A_596 = arith.index_cast %add3A_595 : i32 to index
        %get3A_597 = tpu.vector_load %arg5[%get3A_596] {strides = array<i32>} : memref<25600xi32, #tpu.memory_space<vmem>>, vector<16xi32>,
        %get3A_598 = vector.shape_cast %get3A_597 : vector<16xi32> to vector<16xi32>
        %dma_start3A_599 = arith.constant 208 : i32
        %dma_start3A_600 = arith.constant 0 : i32
        %dma_start3A_601 = tpu.memref_slice %arg6[%dma_start3A_599, %dma_start3A_600] : memref<256x64xf32, #tpu.memory_space<vmem>> -> memref<16x64xf32, #tpu.memory_space<vmem>>
        %dma_start3A_602 = arith.constant 0 : i32
        %dma_start3A_603 = arith.constant 0 : i32
        %dma_start3A_604 = tpu.memref_slice %arg3[%dma_start3A_602, %dma_start3A_603] : memref<1000000x64xf32, #tpu.memory_space<hbm>> -> memref<1000000x64xf32, #tpu.memory_space<hbm>>
        tpu.enqueue_indirect_dma source(%dma_start3A_604 : memref<1000000x64xf32, #tpu.memory_space<hbm>>) target(%dma_start3A_601 : memref<16x64xf32, #tpu.memory_space<vmem>>) offsets(%get3A_598 : vector<16xi32>) semaphore(%arg10 : memref<!tpu.dma_semaphore, #tpu.memory_space<semaphore_mem>>)
        %mul3A_605 = arith.constant 256 : i32
        %mul3A_606 = arith.muli %add3A_388, %mul3A_605 : i32
        %add3A_607 = arith.constant 224 : i32
        %add3A_608 = arith.addi %mul3A_606, %add3A_607 : i32
        %get3A_609 = arith.index_cast %add3A_608 : i32 to index
        %get3A_610 = tpu.vector_load %arg5[%get3A_609] {strides = array<i32>} : memref<25600xi32, #tpu.memory_space<vmem>>, vector<16xi32>,
        %get3A_611 = vector.shape_cast %get3A_610 : vector<16xi32> to vector<16xi32>
        %dma_start3A_612 = arith.constant 224 : i32
        %dma_start3A_613 = arith.constant 0 : i32
        %dma_start3A_614 = tpu.memref_slice %arg6[%dma_start3A_612, %dma_start3A_613] : memref<256x64xf32, #tpu.memory_space<vmem>> -> memref<16x64xf32, #tpu.memory_space<vmem>>
        %dma_start3A_615 = arith.constant 0 : i32
        %dma_start3A_616 = arith.constant 0 : i32
        %dma_start3A_617 = tpu.memref_slice %arg3[%dma_start3A_615, %dma_start3A_616] : memref<1000000x64xf32, #tpu.memory_space<hbm>> -> memref<1000000x64xf32, #tpu.memory_space<hbm>>
        tpu.enqueue_indirect_dma source(%dma_start3A_617 : memref<1000000x64xf32, #tpu.memory_space<hbm>>) target(%dma_start3A_614 : memref<16x64xf32, #tpu.memory_space<vmem>>) offsets(%get3A_611 : vector<16xi32>) semaphore(%arg10 : memref<!tpu.dma_semaphore, #tpu.memory_space<semaphore_mem>>)
        %mul3A_618 = arith.constant 256 : i32
        %mul3A_619 = arith.muli %add3A_388, %mul3A_618 : i32
        %add3A_620 = arith.constant 240 : i32
        %add3A_621 = arith.addi %mul3A_619, %add3A_620 : i32
        %get3A_622 = arith.index_cast %add3A_621 : i32 to index
        %get3A_623 = tpu.vector_load %arg5[%get3A_622] {strides = array<i32>} : memref<25600xi32, #tpu.memory_space<vmem>>, vector<16xi32>,
        %get3A_624 = vector.shape_cast %get3A_623 : vector<16xi32> to vector<16xi32>
        %dma_start3A_625 = arith.constant 240 : i32
        %dma_start3A_626 = arith.constant 0 : i32
        %dma_start3A_627 = tpu.memref_slice %arg6[%dma_start3A_625, %dma_start3A_626] : memref<256x64xf32, #tpu.memory_space<vmem>> -> memref<16x64xf32, #tpu.memory_space<vmem>>
        %dma_start3A_628 = arith.constant 0 : i32
        %dma_start3A_629 = arith.constant 0 : i32
        %dma_start3A_630 = tpu.memref_slice %arg3[%dma_start3A_628, %dma_start3A_629] : memref<1000000x64xf32, #tpu.memory_space<hbm>> -> memref<1000000x64xf32, #tpu.memory_space<hbm>>
        tpu.enqueue_indirect_dma source(%dma_start3A_630 : memref<1000000x64xf32, #tpu.memory_space<hbm>>) target(%dma_start3A_627 : memref<16x64xf32, #tpu.memory_space<vmem>>) offsets(%get3A_624 : vector<16xi32>) semaphore(%arg10 : memref<!tpu.dma_semaphore, #tpu.memory_space<semaphore_mem>>)
      } else {
      }
      %add3A_394 = arith.constant 3 : i32
      %add3A_395 = arith.addi %add3A_322, %add3A_394 : i32
      %dma_wait3A_396 = arith.constant 0 : i32
      %dma_wait3A_397 = arith.constant 0 : i32
      %dma_wait3A_398 = tpu.memref_slice %arg3[%dma_wait3A_396, %dma_wait3A_397] : memref<1000000x64xf32, #tpu.memory_space<hbm>> -> memref<256x64xf32, #tpu.memory_space<hbm>>
      %dma_wait3A_399 = arith.constant 0 : i32
      %dma_wait3A_400 = arith.constant 0 : i32
      %dma_wait3A_401 = tpu.memref_slice %arg3[%dma_wait3A_399, %dma_wait3A_400] : memref<1000000x64xf32, #tpu.memory_space<hbm>> -> memref<256x64xf32, #tpu.memory_space<hbm>>
      tpu.wait_dma2 semaphore(%arg13 : memref<!tpu.dma_semaphore, #tpu.memory_space<semaphore_mem>>) src(%dma_wait3A_401 : memref<256x64xf32, #tpu.memory_space<hbm>>) dst(%arg9 : memref<256x64xf32, #tpu.memory_space<vmem>>)
      %parallel_loop3A_402 = arith.constant 0 : i32
      %parallel_loop3A_403 = arith.constant 256 : i32
      %parallel_loop3A_404 = arith.constant 1 : i32
      scf.for %parallel_loop3A_419 = %parallel_loop3A_402 to %parallel_loop3A_403 step %parallel_loop3A_404  : i32 {
        %parallel_loop3A_420 = arith.index_cast %parallel_loop3A_419 : i32 to index
        %parallel_loop3A_421 = arith.constant 0 : index
        %parallel_loop3A_422 = tpu.vector_load %arg9[%parallel_loop3A_420, %parallel_loop3A_421] {strides = array<i32>} : memref<256x64xf32, #tpu.memory_space<vmem>>, vector<1x16xf32>,
        %parallel_loop3A_423 = vector.shape_cast %parallel_loop3A_422 : vector<1x16xf32> to vector<16xf32>
        %parallel_loop3A_424 = arith.constant 8.000000e+00 : f32
        %parallel_loop3A_425 = vector.broadcast %parallel_loop3A_424 : f32 to vector<16xf32>
        %parallel_loop3A_426 = arith.mulf %parallel_loop3A_423, %parallel_loop3A_425 : vector<16xf32>
        %parallel_loop3A_427 = arith.index_cast %parallel_loop3A_419 : i32 to index
        %parallel_loop3A_428 = arith.constant 0 : index
        %parallel_loop3A_429 = tpu.vector_load %arg9[%parallel_loop3A_427, %parallel_loop3A_428] {strides = array<i32>} : memref<256x64xf32, #tpu.memory_space<vmem>>, vector<1x16xf32>,
        %parallel_loop3A_430 = vector.shape_cast %parallel_loop3A_429 : vector<1x16xf32> to vector<16xf32>
        %parallel_loop3A_431 = vector.shape_cast %parallel_loop3A_426 : vector<16xf32> to vector<1x16xf32>
        tpu.vector_store %arg9[%parallel_loop3A_427, %parallel_loop3A_428], %parallel_loop3A_431 {strides = array<i32>} : memref<256x64xf32, #tpu.memory_space<vmem>>, vector<1x16xf32>,
        %parallel_loop3A_432 = arith.index_cast %parallel_loop3A_419 : i32 to index
        %parallel_loop3A_433 = arith.constant 16 : index
        %parallel_loop3A_434 = tpu.vector_load %arg9[%parallel_loop3A_432, %parallel_loop3A_433] {strides = array<i32>} : memref<256x64xf32, #tpu.memory_space<vmem>>, vector<1x16xf32>,
        %parallel_loop3A_435 = vector.shape_cast %parallel_loop3A_434 : vector<1x16xf32> to vector<16xf32>
        %parallel_loop3A_436 = arith.constant 8.000000e+00 : f32
        %parallel_loop3A_437 = vector.broadcast %parallel_loop3A_436 : f32 to vector<16xf32>
        %parallel_loop3A_438 = arith.mulf %parallel_loop3A_435, %parallel_loop3A_437 : vector<16xf32>
        %parallel_loop3A_439 = arith.index_cast %parallel_loop3A_419 : i32 to index
        %parallel_loop3A_440 = arith.constant 16 : index
        %parallel_loop3A_441 = tpu.vector_load %arg9[%parallel_loop3A_439, %parallel_loop3A_440] {strides = array<i32>} : memref<256x64xf32, #tpu.memory_space<vmem>>, vector<1x16xf32>,
        %parallel_loop3A_442 = vector.shape_cast %parallel_loop3A_441 : vector<1x16xf32> to vector<16xf32>
        %parallel_loop3A_443 = vector.shape_cast %parallel_loop3A_438 : vector<16xf32> to vector<1x16xf32>
        tpu.vector_store %arg9[%parallel_loop3A_439, %parallel_loop3A_440], %parallel_loop3A_443 {strides = array<i32>} : memref<256x64xf32, #tpu.memory_space<vmem>>, vector<1x16xf32>,
        %parallel_loop3A_444 = arith.index_cast %parallel_loop3A_419 : i32 to index
        %parallel_loop3A_445 = arith.constant 32 : index
        %parallel_loop3A_446 = tpu.vector_load %arg9[%parallel_loop3A_444, %parallel_loop3A_445] {strides = array<i32>} : memref<256x64xf32, #tpu.memory_space<vmem>>, vector<1x16xf32>,
        %parallel_loop3A_447 = vector.shape_cast %parallel_loop3A_446 : vector<1x16xf32> to vector<16xf32>
        %parallel_loop3A_448 = arith.constant 8.000000e+00 : f32
        %parallel_loop3A_449 = vector.broadcast %parallel_loop3A_448 : f32 to vector<16xf32>
        %parallel_loop3A_450 = arith.mulf %parallel_loop3A_447, %parallel_loop3A_449 : vector<16xf32>
        %parallel_loop3A_451 = arith.index_cast %parallel_loop3A_419 : i32 to index
        %parallel_loop3A_452 = arith.constant 32 : index
        %parallel_loop3A_453 = tpu.vector_load %arg9[%parallel_loop3A_451, %parallel_loop3A_452] {strides = array<i32>} : memref<256x64xf32, #tpu.memory_space<vmem>>, vector<1x16xf32>,
        %parallel_loop3A_454 = vector.shape_cast %parallel_loop3A_453 : vector<1x16xf32> to vector<16xf32>
        %parallel_loop3A_455 = vector.shape_cast %parallel_loop3A_450 : vector<16xf32> to vector<1x16xf32>
        tpu.vector_store %arg9[%parallel_loop3A_451, %parallel_loop3A_452], %parallel_loop3A_455 {strides = array<i32>} : memref<256x64xf32, #tpu.memory_space<vmem>>, vector<1x16xf32>,
        %parallel_loop3A_456 = arith.index_cast %parallel_loop3A_419 : i32 to index
        %parallel_loop3A_457 = arith.constant 48 : index
        %parallel_loop3A_458 = tpu.vector_load %arg9[%parallel_loop3A_456, %parallel_loop3A_457] {strides = array<i32>} : memref<256x64xf32, #tpu.memory_space<vmem>>, vector<1x16xf32>,
        %parallel_loop3A_459 = vector.shape_cast %parallel_loop3A_458 : vector<1x16xf32> to vector<16xf32>
        %parallel_loop3A_460 = arith.constant 8.000000e+00 : f32
        %parallel_loop3A_461 = vector.broadcast %parallel_loop3A_460 : f32 to vector<16xf32>
        %parallel_loop3A_462 = arith.mulf %parallel_loop3A_459, %parallel_loop3A_461 : vector<16xf32>
        %parallel_loop3A_463 = arith.index_cast %parallel_loop3A_419 : i32 to index
        %parallel_loop3A_464 = arith.constant 48 : index
        %parallel_loop3A_465 = tpu.vector_load %arg9[%parallel_loop3A_463, %parallel_loop3A_464] {strides = array<i32>} : memref<256x64xf32, #tpu.memory_space<vmem>>, vector<1x16xf32>,
        %parallel_loop3A_466 = vector.shape_cast %parallel_loop3A_465 : vector<1x16xf32> to vector<16xf32>
        %parallel_loop3A_467 = vector.shape_cast %parallel_loop3A_462 : vector<16xf32> to vector<1x16xf32>
        tpu.vector_store %arg9[%parallel_loop3A_463, %parallel_loop3A_464], %parallel_loop3A_467 {strides = array<i32>} : memref<256x64xf32, #tpu.memory_space<vmem>>, vector<1x16xf32>,
      } {sc.loop_unroll_factor = 4 : i64, sc.parallel_access}
      %mul3A_405 = arith.constant 256 : i32
      %mul3A_406 = arith.muli %add3A_395, %mul3A_405 : i32
      %add3A_407 = arith.addi %mul3A_4, %mul3A_406 : i32
      %dma_start3A_408 = arith.constant 0 : i32
      %dma_start3A_409 = tpu.memref_slice %arg4[%add3A_407, %dma_start3A_408] : memref<819200x128xf32, #tpu.memory_space<hbm>> -> memref<256x64xf32, #tpu.memory_space<hbm>>
      %dma_start3A_410 = arith.constant 0 : i32
      %dma_start3A_411 = tpu.memref_slice %arg4[%add3A_407, %dma_start3A_410] : memref<819200x128xf32, #tpu.memory_space<hbm>> -> memref<256x64xf32, #tpu.memory_space<hbm>>
      tpu.enqueue_dma source(%arg9 : memref<256x64xf32, #tpu.memory_space<vmem>>) target(%dma_start3A_411 : memref<256x64xf32, #tpu.memory_space<hbm>>) target_semaphore(%arg17 : memref<!tpu.dma_semaphore, #tpu.memory_space<semaphore_mem>>)
      %add3A_412 = arith.constant 2 : i32
      %add3A_413 = arith.addi %add3A_395, %add3A_412 : i32
      %lt3A_414 = arith.constant 100 : i32
      %lt3A_415 = arith.cmpi slt, %add3A_413, %lt3A_414 : i32
      %convert_element_type3A_416 = arith.extui %lt3A_415 : i1 to i32
      %cond3A_417 = arith.constant 0 : i32
      %cond3A_418 = arith.cmpi ne, %convert_element_type3A_416, %cond3A_417 : i32
      scf.if %cond3A_418 {
        %ge3A = arith.constant 4 : i32
        %ge3A_419 = arith.cmpi sge, %add3A_413, %ge3A : i32
        %convert_element_type3A_420 = arith.extui %ge3A_419 : i1 to i32
        %cond3A_421 = arith.constant 0 : i32
        %cond3A_422 = arith.cmpi ne, %convert_element_type3A_420, %cond3A_421 : i32
        scf.if %cond3A_422 {
          %sub3A = arith.constant 4 : i32
          %sub3A_631 = arith.subi %add3A_413, %sub3A : i32
          %mul3A_632 = arith.constant 256 : i32
          %mul3A_633 = arith.muli %sub3A_631, %mul3A_632 : i32
          %add3A_634 = arith.addi %mul3A_4, %mul3A_633 : i32
          %dma_wait3A_635 = arith.constant 0 : i32
          %dma_wait3A_636 = tpu.memref_slice %arg4[%add3A_634, %dma_wait3A_635] : memref<819200x128xf32, #tpu.memory_space<hbm>> -> memref<256x64xf32, #tpu.memory_space<hbm>>
          %dma_wait3A_637 = arith.constant 0 : i32
          %dma_wait3A_638 = tpu.memref_slice %arg4[%add3A_634, %dma_wait3A_637] : memref<819200x128xf32, #tpu.memory_space<hbm>> -> memref<256x64xf32, #tpu.memory_space<hbm>>
          tpu.wait_dma2 semaphore(%arg15 : memref<!tpu.dma_semaphore, #tpu.memory_space<semaphore_mem>>) src(%arg7 : memref<256x64xf32, #tpu.memory_space<vmem>>) dst(%dma_wait3A_638 : memref<256x64xf32, #tpu.memory_space<hbm>>)
        } else {
        }
        %mul3A_423 = arith.constant 256 : i32
        %mul3A_424 = arith.muli %add3A_413, %mul3A_423 : i32
        %add3A_425 = arith.constant 0 : i32
        %add3A_426 = arith.addi %mul3A_424, %add3A_425 : i32
        %get3A_427 = arith.index_cast %add3A_426 : i32 to index
        %get3A_428 = tpu.vector_load %arg5[%get3A_427] {strides = array<i32>} : memref<25600xi32, #tpu.memory_space<vmem>>, vector<16xi32>,
        %get3A_429 = vector.shape_cast %get3A_428 : vector<16xi32> to vector<16xi32>
        %dma_start3A_430 = arith.constant 0 : i32
        %dma_start3A_431 = arith.constant 0 : i32
        %dma_start3A_432 = tpu.memref_slice %arg7[%dma_start3A_430, %dma_start3A_431] : memref<256x64xf32, #tpu.memory_space<vmem>> -> memref<16x64xf32, #tpu.memory_space<vmem>>
        %dma_start3A_433 = arith.constant 0 : i32
        %dma_start3A_434 = arith.constant 0 : i32
        %dma_start3A_435 = tpu.memref_slice %arg3[%dma_start3A_433, %dma_start3A_434] : memref<1000000x64xf32, #tpu.memory_space<hbm>> -> memref<1000000x64xf32, #tpu.memory_space<hbm>>
        tpu.enqueue_indirect_dma source(%dma_start3A_435 : memref<1000000x64xf32, #tpu.memory_space<hbm>>) target(%dma_start3A_432 : memref<16x64xf32, #tpu.memory_space<vmem>>) offsets(%get3A_429 : vector<16xi32>) semaphore(%arg11 : memref<!tpu.dma_semaphore, #tpu.memory_space<semaphore_mem>>)
        %mul3A_436 = arith.constant 256 : i32
        %mul3A_437 = arith.muli %add3A_413, %mul3A_436 : i32
        %add3A_438 = arith.constant 16 : i32
        %add3A_439 = arith.addi %mul3A_437, %add3A_438 : i32
        %get3A_440 = arith.index_cast %add3A_439 : i32 to index
        %get3A_441 = tpu.vector_load %arg5[%get3A_440] {strides = array<i32>} : memref<25600xi32, #tpu.memory_space<vmem>>, vector<16xi32>,
        %get3A_442 = vector.shape_cast %get3A_441 : vector<16xi32> to vector<16xi32>
        %dma_start3A_443 = arith.constant 16 : i32
        %dma_start3A_444 = arith.constant 0 : i32
        %dma_start3A_445 = tpu.memref_slice %arg7[%dma_start3A_443, %dma_start3A_444] : memref<256x64xf32, #tpu.memory_space<vmem>> -> memref<16x64xf32, #tpu.memory_space<vmem>>
        %dma_start3A_446 = arith.constant 0 : i32
        %dma_start3A_447 = arith.constant 0 : i32
        %dma_start3A_448 = tpu.memref_slice %arg3[%dma_start3A_446, %dma_start3A_447] : memref<1000000x64xf32, #tpu.memory_space<hbm>> -> memref<1000000x64xf32, #tpu.memory_space<hbm>>
        tpu.enqueue_indirect_dma source(%dma_start3A_448 : memref<1000000x64xf32, #tpu.memory_space<hbm>>) target(%dma_start3A_445 : memref<16x64xf32, #tpu.memory_space<vmem>>) offsets(%get3A_442 : vector<16xi32>) semaphore(%arg11 : memref<!tpu.dma_semaphore, #tpu.memory_space<semaphore_mem>>)
        %mul3A_449 = arith.constant 256 : i32
        %mul3A_450 = arith.muli %add3A_413, %mul3A_449 : i32
        %add3A_451 = arith.constant 32 : i32
        %add3A_452 = arith.addi %mul3A_450, %add3A_451 : i32
        %get3A_453 = arith.index_cast %add3A_452 : i32 to index
        %get3A_454 = tpu.vector_load %arg5[%get3A_453] {strides = array<i32>} : memref<25600xi32, #tpu.memory_space<vmem>>, vector<16xi32>,
        %get3A_455 = vector.shape_cast %get3A_454 : vector<16xi32> to vector<16xi32>
        %dma_start3A_456 = arith.constant 32 : i32
        %dma_start3A_457 = arith.constant 0 : i32
        %dma_start3A_458 = tpu.memref_slice %arg7[%dma_start3A_456, %dma_start3A_457] : memref<256x64xf32, #tpu.memory_space<vmem>> -> memref<16x64xf32, #tpu.memory_space<vmem>>
        %dma_start3A_459 = arith.constant 0 : i32
        %dma_start3A_460 = arith.constant 0 : i32
        %dma_start3A_461 = tpu.memref_slice %arg3[%dma_start3A_459, %dma_start3A_460] : memref<1000000x64xf32, #tpu.memory_space<hbm>> -> memref<1000000x64xf32, #tpu.memory_space<hbm>>
        tpu.enqueue_indirect_dma source(%dma_start3A_461 : memref<1000000x64xf32, #tpu.memory_space<hbm>>) target(%dma_start3A_458 : memref<16x64xf32, #tpu.memory_space<vmem>>) offsets(%get3A_455 : vector<16xi32>) semaphore(%arg11 : memref<!tpu.dma_semaphore, #tpu.memory_space<semaphore_mem>>)
        %mul3A_462 = arith.constant 256 : i32
        %mul3A_463 = arith.muli %add3A_413, %mul3A_462 : i32
        %add3A_464 = arith.constant 48 : i32
        %add3A_465 = arith.addi %mul3A_463, %add3A_464 : i32
        %get3A_466 = arith.index_cast %add3A_465 : i32 to index
        %get3A_467 = tpu.vector_load %arg5[%get3A_466] {strides = array<i32>} : memref<25600xi32, #tpu.memory_space<vmem>>, vector<16xi32>,
        %get3A_468 = vector.shape_cast %get3A_467 : vector<16xi32> to vector<16xi32>
        %dma_start3A_469 = arith.constant 48 : i32
        %dma_start3A_470 = arith.constant 0 : i32
        %dma_start3A_471 = tpu.memref_slice %arg7[%dma_start3A_469, %dma_start3A_470] : memref<256x64xf32, #tpu.memory_space<vmem>> -> memref<16x64xf32, #tpu.memory_space<vmem>>
        %dma_start3A_472 = arith.constant 0 : i32
        %dma_start3A_473 = arith.constant 0 : i32
        %dma_start3A_474 = tpu.memref_slice %arg3[%dma_start3A_472, %dma_start3A_473] : memref<1000000x64xf32, #tpu.memory_space<hbm>> -> memref<1000000x64xf32, #tpu.memory_space<hbm>>
        tpu.enqueue_indirect_dma source(%dma_start3A_474 : memref<1000000x64xf32, #tpu.memory_space<hbm>>) target(%dma_start3A_471 : memref<16x64xf32, #tpu.memory_space<vmem>>) offsets(%get3A_468 : vector<16xi32>) semaphore(%arg11 : memref<!tpu.dma_semaphore, #tpu.memory_space<semaphore_mem>>)
        %mul3A_475 = arith.constant 256 : i32
        %mul3A_476 = arith.muli %add3A_413, %mul3A_475 : i32
        %add3A_477 = arith.constant 64 : i32
        %add3A_478 = arith.addi %mul3A_476, %add3A_477 : i32
        %get3A_479 = arith.index_cast %add3A_478 : i32 to index
        %get3A_480 = tpu.vector_load %arg5[%get3A_479] {strides = array<i32>} : memref<25600xi32, #tpu.memory_space<vmem>>, vector<16xi32>,
        %get3A_481 = vector.shape_cast %get3A_480 : vector<16xi32> to vector<16xi32>
        %dma_start3A_482 = arith.constant 64 : i32
        %dma_start3A_483 = arith.constant 0 : i32
        %dma_start3A_484 = tpu.memref_slice %arg7[%dma_start3A_482, %dma_start3A_483] : memref<256x64xf32, #tpu.memory_space<vmem>> -> memref<16x64xf32, #tpu.memory_space<vmem>>
        %dma_start3A_485 = arith.constant 0 : i32
        %dma_start3A_486 = arith.constant 0 : i32
        %dma_start3A_487 = tpu.memref_slice %arg3[%dma_start3A_485, %dma_start3A_486] : memref<1000000x64xf32, #tpu.memory_space<hbm>> -> memref<1000000x64xf32, #tpu.memory_space<hbm>>
        tpu.enqueue_indirect_dma source(%dma_start3A_487 : memref<1000000x64xf32, #tpu.memory_space<hbm>>) target(%dma_start3A_484 : memref<16x64xf32, #tpu.memory_space<vmem>>) offsets(%get3A_481 : vector<16xi32>) semaphore(%arg11 : memref<!tpu.dma_semaphore, #tpu.memory_space<semaphore_mem>>)
        %mul3A_488 = arith.constant 256 : i32
        %mul3A_489 = arith.muli %add3A_413, %mul3A_488 : i32
        %add3A_490 = arith.constant 80 : i32
        %add3A_491 = arith.addi %mul3A_489, %add3A_490 : i32
        %get3A_492 = arith.index_cast %add3A_491 : i32 to index
        %get3A_493 = tpu.vector_load %arg5[%get3A_492] {strides = array<i32>} : memref<25600xi32, #tpu.memory_space<vmem>>, vector<16xi32>,
        %get3A_494 = vector.shape_cast %get3A_493 : vector<16xi32> to vector<16xi32>
        %dma_start3A_495 = arith.constant 80 : i32
        %dma_start3A_496 = arith.constant 0 : i32
        %dma_start3A_497 = tpu.memref_slice %arg7[%dma_start3A_495, %dma_start3A_496] : memref<256x64xf32, #tpu.memory_space<vmem>> -> memref<16x64xf32, #tpu.memory_space<vmem>>
        %dma_start3A_498 = arith.constant 0 : i32
        %dma_start3A_499 = arith.constant 0 : i32
        %dma_start3A_500 = tpu.memref_slice %arg3[%dma_start3A_498, %dma_start3A_499] : memref<1000000x64xf32, #tpu.memory_space<hbm>> -> memref<1000000x64xf32, #tpu.memory_space<hbm>>
        tpu.enqueue_indirect_dma source(%dma_start3A_500 : memref<1000000x64xf32, #tpu.memory_space<hbm>>) target(%dma_start3A_497 : memref<16x64xf32, #tpu.memory_space<vmem>>) offsets(%get3A_494 : vector<16xi32>) semaphore(%arg11 : memref<!tpu.dma_semaphore, #tpu.memory_space<semaphore_mem>>)
        %mul3A_501 = arith.constant 256 : i32
        %mul3A_502 = arith.muli %add3A_413, %mul3A_501 : i32
        %add3A_503 = arith.constant 96 : i32
        %add3A_504 = arith.addi %mul3A_502, %add3A_503 : i32
        %get3A_505 = arith.index_cast %add3A_504 : i32 to index
        %get3A_506 = tpu.vector_load %arg5[%get3A_505] {strides = array<i32>} : memref<25600xi32, #tpu.memory_space<vmem>>, vector<16xi32>,
        %get3A_507 = vector.shape_cast %get3A_506 : vector<16xi32> to vector<16xi32>
        %dma_start3A_508 = arith.constant 96 : i32
        %dma_start3A_509 = arith.constant 0 : i32
        %dma_start3A_510 = tpu.memref_slice %arg7[%dma_start3A_508, %dma_start3A_509] : memref<256x64xf32, #tpu.memory_space<vmem>> -> memref<16x64xf32, #tpu.memory_space<vmem>>
        %dma_start3A_511 = arith.constant 0 : i32
        %dma_start3A_512 = arith.constant 0 : i32
        %dma_start3A_513 = tpu.memref_slice %arg3[%dma_start3A_511, %dma_start3A_512] : memref<1000000x64xf32, #tpu.memory_space<hbm>> -> memref<1000000x64xf32, #tpu.memory_space<hbm>>
        tpu.enqueue_indirect_dma source(%dma_start3A_513 : memref<1000000x64xf32, #tpu.memory_space<hbm>>) target(%dma_start3A_510 : memref<16x64xf32, #tpu.memory_space<vmem>>) offsets(%get3A_507 : vector<16xi32>) semaphore(%arg11 : memref<!tpu.dma_semaphore, #tpu.memory_space<semaphore_mem>>)
        %mul3A_514 = arith.constant 256 : i32
        %mul3A_515 = arith.muli %add3A_413, %mul3A_514 : i32
        %add3A_516 = arith.constant 112 : i32
        %add3A_517 = arith.addi %mul3A_515, %add3A_516 : i32
        %get3A_518 = arith.index_cast %add3A_517 : i32 to index
        %get3A_519 = tpu.vector_load %arg5[%get3A_518] {strides = array<i32>} : memref<25600xi32, #tpu.memory_space<vmem>>, vector<16xi32>,
        %get3A_520 = vector.shape_cast %get3A_519 : vector<16xi32> to vector<16xi32>
        %dma_start3A_521 = arith.constant 112 : i32
        %dma_start3A_522 = arith.constant 0 : i32
        %dma_start3A_523 = tpu.memref_slice %arg7[%dma_start3A_521, %dma_start3A_522] : memref<256x64xf32, #tpu.memory_space<vmem>> -> memref<16x64xf32, #tpu.memory_space<vmem>>
        %dma_start3A_524 = arith.constant 0 : i32
        %dma_start3A_525 = arith.constant 0 : i32
        %dma_start3A_526 = tpu.memref_slice %arg3[%dma_start3A_524, %dma_start3A_525] : memref<1000000x64xf32, #tpu.memory_space<hbm>> -> memref<1000000x64xf32, #tpu.memory_space<hbm>>
        tpu.enqueue_indirect_dma source(%dma_start3A_526 : memref<1000000x64xf32, #tpu.memory_space<hbm>>) target(%dma_start3A_523 : memref<16x64xf32, #tpu.memory_space<vmem>>) offsets(%get3A_520 : vector<16xi32>) semaphore(%arg11 : memref<!tpu.dma_semaphore, #tpu.memory_space<semaphore_mem>>)
        %mul3A_527 = arith.constant 256 : i32
        %mul3A_528 = arith.muli %add3A_413, %mul3A_527 : i32
        %add3A_529 = arith.constant 128 : i32
        %add3A_530 = arith.addi %mul3A_528, %add3A_529 : i32
        %get3A_531 = arith.index_cast %add3A_530 : i32 to index
        %get3A_532 = tpu.vector_load %arg5[%get3A_531] {strides = array<i32>} : memref<25600xi32, #tpu.memory_space<vmem>>, vector<16xi32>,
        %get3A_533 = vector.shape_cast %get3A_532 : vector<16xi32> to vector<16xi32>
        %dma_start3A_534 = arith.constant 128 : i32
        %dma_start3A_535 = arith.constant 0 : i32
        %dma_start3A_536 = tpu.memref_slice %arg7[%dma_start3A_534, %dma_start3A_535] : memref<256x64xf32, #tpu.memory_space<vmem>> -> memref<16x64xf32, #tpu.memory_space<vmem>>
        %dma_start3A_537 = arith.constant 0 : i32
        %dma_start3A_538 = arith.constant 0 : i32
        %dma_start3A_539 = tpu.memref_slice %arg3[%dma_start3A_537, %dma_start3A_538] : memref<1000000x64xf32, #tpu.memory_space<hbm>> -> memref<1000000x64xf32, #tpu.memory_space<hbm>>
        tpu.enqueue_indirect_dma source(%dma_start3A_539 : memref<1000000x64xf32, #tpu.memory_space<hbm>>) target(%dma_start3A_536 : memref<16x64xf32, #tpu.memory_space<vmem>>) offsets(%get3A_533 : vector<16xi32>) semaphore(%arg11 : memref<!tpu.dma_semaphore, #tpu.memory_space<semaphore_mem>>)
        %mul3A_540 = arith.constant 256 : i32
        %mul3A_541 = arith.muli %add3A_413, %mul3A_540 : i32
        %add3A_542 = arith.constant 144 : i32
        %add3A_543 = arith.addi %mul3A_541, %add3A_542 : i32
        %get3A_544 = arith.index_cast %add3A_543 : i32 to index
        %get3A_545 = tpu.vector_load %arg5[%get3A_544] {strides = array<i32>} : memref<25600xi32, #tpu.memory_space<vmem>>, vector<16xi32>,
        %get3A_546 = vector.shape_cast %get3A_545 : vector<16xi32> to vector<16xi32>
        %dma_start3A_547 = arith.constant 144 : i32
        %dma_start3A_548 = arith.constant 0 : i32
        %dma_start3A_549 = tpu.memref_slice %arg7[%dma_start3A_547, %dma_start3A_548] : memref<256x64xf32, #tpu.memory_space<vmem>> -> memref<16x64xf32, #tpu.memory_space<vmem>>
        %dma_start3A_550 = arith.constant 0 : i32
        %dma_start3A_551 = arith.constant 0 : i32
        %dma_start3A_552 = tpu.memref_slice %arg3[%dma_start3A_550, %dma_start3A_551] : memref<1000000x64xf32, #tpu.memory_space<hbm>> -> memref<1000000x64xf32, #tpu.memory_space<hbm>>
        tpu.enqueue_indirect_dma source(%dma_start3A_552 : memref<1000000x64xf32, #tpu.memory_space<hbm>>) target(%dma_start3A_549 : memref<16x64xf32, #tpu.memory_space<vmem>>) offsets(%get3A_546 : vector<16xi32>) semaphore(%arg11 : memref<!tpu.dma_semaphore, #tpu.memory_space<semaphore_mem>>)
        %mul3A_553 = arith.constant 256 : i32
        %mul3A_554 = arith.muli %add3A_413, %mul3A_553 : i32
        %add3A_555 = arith.constant 160 : i32
        %add3A_556 = arith.addi %mul3A_554, %add3A_555 : i32
        %get3A_557 = arith.index_cast %add3A_556 : i32 to index
        %get3A_558 = tpu.vector_load %arg5[%get3A_557] {strides = array<i32>} : memref<25600xi32, #tpu.memory_space<vmem>>, vector<16xi32>,
        %get3A_559 = vector.shape_cast %get3A_558 : vector<16xi32> to vector<16xi32>
        %dma_start3A_560 = arith.constant 160 : i32
        %dma_start3A_561 = arith.constant 0 : i32
        %dma_start3A_562 = tpu.memref_slice %arg7[%dma_start3A_560, %dma_start3A_561] : memref<256x64xf32, #tpu.memory_space<vmem>> -> memref<16x64xf32, #tpu.memory_space<vmem>>
        %dma_start3A_563 = arith.constant 0 : i32
        %dma_start3A_564 = arith.constant 0 : i32
        %dma_start3A_565 = tpu.memref_slice %arg3[%dma_start3A_563, %dma_start3A_564] : memref<1000000x64xf32, #tpu.memory_space<hbm>> -> memref<1000000x64xf32, #tpu.memory_space<hbm>>
        tpu.enqueue_indirect_dma source(%dma_start3A_565 : memref<1000000x64xf32, #tpu.memory_space<hbm>>) target(%dma_start3A_562 : memref<16x64xf32, #tpu.memory_space<vmem>>) offsets(%get3A_559 : vector<16xi32>) semaphore(%arg11 : memref<!tpu.dma_semaphore, #tpu.memory_space<semaphore_mem>>)
        %mul3A_566 = arith.constant 256 : i32
        %mul3A_567 = arith.muli %add3A_413, %mul3A_566 : i32
        %add3A_568 = arith.constant 176 : i32
        %add3A_569 = arith.addi %mul3A_567, %add3A_568 : i32
        %get3A_570 = arith.index_cast %add3A_569 : i32 to index
        %get3A_571 = tpu.vector_load %arg5[%get3A_570] {strides = array<i32>} : memref<25600xi32, #tpu.memory_space<vmem>>, vector<16xi32>,
        %get3A_572 = vector.shape_cast %get3A_571 : vector<16xi32> to vector<16xi32>
        %dma_start3A_573 = arith.constant 176 : i32
        %dma_start3A_574 = arith.constant 0 : i32
        %dma_start3A_575 = tpu.memref_slice %arg7[%dma_start3A_573, %dma_start3A_574] : memref<256x64xf32, #tpu.memory_space<vmem>> -> memref<16x64xf32, #tpu.memory_space<vmem>>
        %dma_start3A_576 = arith.constant 0 : i32
        %dma_start3A_577 = arith.constant 0 : i32
        %dma_start3A_578 = tpu.memref_slice %arg3[%dma_start3A_576, %dma_start3A_577] : memref<1000000x64xf32, #tpu.memory_space<hbm>> -> memref<1000000x64xf32, #tpu.memory_space<hbm>>
        tpu.enqueue_indirect_dma source(%dma_start3A_578 : memref<1000000x64xf32, #tpu.memory_space<hbm>>) target(%dma_start3A_575 : memref<16x64xf32, #tpu.memory_space<vmem>>) offsets(%get3A_572 : vector<16xi32>) semaphore(%arg11 : memref<!tpu.dma_semaphore, #tpu.memory_space<semaphore_mem>>)
        %mul3A_579 = arith.constant 256 : i32
        %mul3A_580 = arith.muli %add3A_413, %mul3A_579 : i32
        %add3A_581 = arith.constant 192 : i32
        %add3A_582 = arith.addi %mul3A_580, %add3A_581 : i32
        %get3A_583 = arith.index_cast %add3A_582 : i32 to index
        %get3A_584 = tpu.vector_load %arg5[%get3A_583] {strides = array<i32>} : memref<25600xi32, #tpu.memory_space<vmem>>, vector<16xi32>,
        %get3A_585 = vector.shape_cast %get3A_584 : vector<16xi32> to vector<16xi32>
        %dma_start3A_586 = arith.constant 192 : i32
        %dma_start3A_587 = arith.constant 0 : i32
        %dma_start3A_588 = tpu.memref_slice %arg7[%dma_start3A_586, %dma_start3A_587] : memref<256x64xf32, #tpu.memory_space<vmem>> -> memref<16x64xf32, #tpu.memory_space<vmem>>
        %dma_start3A_589 = arith.constant 0 : i32
        %dma_start3A_590 = arith.constant 0 : i32
        %dma_start3A_591 = tpu.memref_slice %arg3[%dma_start3A_589, %dma_start3A_590] : memref<1000000x64xf32, #tpu.memory_space<hbm>> -> memref<1000000x64xf32, #tpu.memory_space<hbm>>
        tpu.enqueue_indirect_dma source(%dma_start3A_591 : memref<1000000x64xf32, #tpu.memory_space<hbm>>) target(%dma_start3A_588 : memref<16x64xf32, #tpu.memory_space<vmem>>) offsets(%get3A_585 : vector<16xi32>) semaphore(%arg11 : memref<!tpu.dma_semaphore, #tpu.memory_space<semaphore_mem>>)
        %mul3A_592 = arith.constant 256 : i32
        %mul3A_593 = arith.muli %add3A_413, %mul3A_592 : i32
        %add3A_594 = arith.constant 208 : i32
        %add3A_595 = arith.addi %mul3A_593, %add3A_594 : i32
        %get3A_596 = arith.index_cast %add3A_595 : i32 to index
        %get3A_597 = tpu.vector_load %arg5[%get3A_596] {strides = array<i32>} : memref<25600xi32, #tpu.memory_space<vmem>>, vector<16xi32>,
        %get3A_598 = vector.shape_cast %get3A_597 : vector<16xi32> to vector<16xi32>
        %dma_start3A_599 = arith.constant 208 : i32
        %dma_start3A_600 = arith.constant 0 : i32
        %dma_start3A_601 = tpu.memref_slice %arg7[%dma_start3A_599, %dma_start3A_600] : memref<256x64xf32, #tpu.memory_space<vmem>> -> memref<16x64xf32, #tpu.memory_space<vmem>>
        %dma_start3A_602 = arith.constant 0 : i32
        %dma_start3A_603 = arith.constant 0 : i32
        %dma_start3A_604 = tpu.memref_slice %arg3[%dma_start3A_602, %dma_start3A_603] : memref<1000000x64xf32, #tpu.memory_space<hbm>> -> memref<1000000x64xf32, #tpu.memory_space<hbm>>
        tpu.enqueue_indirect_dma source(%dma_start3A_604 : memref<1000000x64xf32, #tpu.memory_space<hbm>>) target(%dma_start3A_601 : memref<16x64xf32, #tpu.memory_space<vmem>>) offsets(%get3A_598 : vector<16xi32>) semaphore(%arg11 : memref<!tpu.dma_semaphore, #tpu.memory_space<semaphore_mem>>)
        %mul3A_605 = arith.constant 256 : i32
        %mul3A_606 = arith.muli %add3A_413, %mul3A_605 : i32
        %add3A_607 = arith.constant 224 : i32
        %add3A_608 = arith.addi %mul3A_606, %add3A_607 : i32
        %get3A_609 = arith.index_cast %add3A_608 : i32 to index
        %get3A_610 = tpu.vector_load %arg5[%get3A_609] {strides = array<i32>} : memref<25600xi32, #tpu.memory_space<vmem>>, vector<16xi32>,
        %get3A_611 = vector.shape_cast %get3A_610 : vector<16xi32> to vector<16xi32>
        %dma_start3A_612 = arith.constant 224 : i32
        %dma_start3A_613 = arith.constant 0 : i32
        %dma_start3A_614 = tpu.memref_slice %arg7[%dma_start3A_612, %dma_start3A_613] : memref<256x64xf32, #tpu.memory_space<vmem>> -> memref<16x64xf32, #tpu.memory_space<vmem>>
        %dma_start3A_615 = arith.constant 0 : i32
        %dma_start3A_616 = arith.constant 0 : i32
        %dma_start3A_617 = tpu.memref_slice %arg3[%dma_start3A_615, %dma_start3A_616] : memref<1000000x64xf32, #tpu.memory_space<hbm>> -> memref<1000000x64xf32, #tpu.memory_space<hbm>>
        tpu.enqueue_indirect_dma source(%dma_start3A_617 : memref<1000000x64xf32, #tpu.memory_space<hbm>>) target(%dma_start3A_614 : memref<16x64xf32, #tpu.memory_space<vmem>>) offsets(%get3A_611 : vector<16xi32>) semaphore(%arg11 : memref<!tpu.dma_semaphore, #tpu.memory_space<semaphore_mem>>)
        %mul3A_618 = arith.constant 256 : i32
        %mul3A_619 = arith.muli %add3A_413, %mul3A_618 : i32
        %add3A_620 = arith.constant 240 : i32
        %add3A_621 = arith.addi %mul3A_619, %add3A_620 : i32
        %get3A_622 = arith.index_cast %add3A_621 : i32 to index
        %get3A_623 = tpu.vector_load %arg5[%get3A_622] {strides = array<i32>} : memref<25600xi32, #tpu.memory_space<vmem>>, vector<16xi32>,
        %get3A_624 = vector.shape_cast %get3A_623 : vector<16xi32> to vector<16xi32>
        %dma_start3A_625 = arith.constant 240 : i32
        %dma_start3A_626 = arith.constant 0 : i32
        %dma_start3A_627 = tpu.memref_slice %arg7[%dma_start3A_625, %dma_start3A_626] : memref<256x64xf32, #tpu.memory_space<vmem>> -> memref<16x64xf32, #tpu.memory_space<vmem>>
        %dma_start3A_628 = arith.constant 0 : i32
        %dma_start3A_629 = arith.constant 0 : i32
        %dma_start3A_630 = tpu.memref_slice %arg3[%dma_start3A_628, %dma_start3A_629] : memref<1000000x64xf32, #tpu.memory_space<hbm>> -> memref<1000000x64xf32, #tpu.memory_space<hbm>>
        tpu.enqueue_indirect_dma source(%dma_start3A_630 : memref<1000000x64xf32, #tpu.memory_space<hbm>>) target(%dma_start3A_627 : memref<16x64xf32, #tpu.memory_space<vmem>>) offsets(%get3A_624 : vector<16xi32>) semaphore(%arg11 : memref<!tpu.dma_semaphore, #tpu.memory_space<semaphore_mem>>)
      } else {
      }
    }
    %scan3A_294 = arith.constant 25 : i32
    %add3A_295 = arith.constant 24576 : i32
    %add3A_296 = arith.addi %mul3A_4, %add3A_295 : i32
    %dma_wait3A = arith.constant 0 : i32
    %dma_wait3A_297 = tpu.memref_slice %arg4[%add3A_296, %dma_wait3A] : memref<819200x128xf32, #tpu.memory_space<hbm>> -> memref<256x64xf32, #tpu.memory_space<hbm>>
    %dma_wait3A_298 = arith.constant 0 : i32
    %dma_wait3A_299 = tpu.memref_slice %arg4[%add3A_296, %dma_wait3A_298] : memref<819200x128xf32, #tpu.memory_space<hbm>> -> memref<256x64xf32, #tpu.memory_space<hbm>>
    tpu.wait_dma2 semaphore(%arg14 : memref<!tpu.dma_semaphore, #tpu.memory_space<semaphore_mem>>) src(%arg6 : memref<256x64xf32, #tpu.memory_space<vmem>>) dst(%dma_wait3A_299 : memref<256x64xf32, #tpu.memory_space<hbm>>)
    %add3A_300 = arith.constant 24832 : i32
    %add3A_301 = arith.addi %mul3A_4, %add3A_300 : i32
    %dma_wait3A_302 = arith.constant 0 : i32
    %dma_wait3A_303 = tpu.memref_slice %arg4[%add3A_301, %dma_wait3A_302] : memref<819200x128xf32, #tpu.memory_space<hbm>> -> memref<256x64xf32, #tpu.memory_space<hbm>>
    %dma_wait3A_304 = arith.constant 0 : i32
    %dma_wait3A_305 = tpu.memref_slice %arg4[%add3A_301, %dma_wait3A_304] : memref<819200x128xf32, #tpu.memory_space<hbm>> -> memref<256x64xf32, #tpu.memory_space<hbm>>
    tpu.wait_dma2 semaphore(%arg15 : memref<!tpu.dma_semaphore, #tpu.memory_space<semaphore_mem>>) src(%arg7 : memref<256x64xf32, #tpu.memory_space<vmem>>) dst(%dma_wait3A_305 : memref<256x64xf32, #tpu.memory_space<hbm>>)
    %add3A_306 = arith.constant 25088 : i32
    %add3A_307 = arith.addi %mul3A_4, %add3A_306 : i32
    %dma_wait3A_308 = arith.constant 0 : i32
    %dma_wait3A_309 = tpu.memref_slice %arg4[%add3A_307, %dma_wait3A_308] : memref<819200x128xf32, #tpu.memory_space<hbm>> -> memref<256x64xf32, #tpu.memory_space<hbm>>
    %dma_wait3A_310 = arith.constant 0 : i32
    %dma_wait3A_311 = tpu.memref_slice %arg4[%add3A_307, %dma_wait3A_310] : memref<819200x128xf32, #tpu.memory_space<hbm>> -> memref<256x64xf32, #tpu.memory_space<hbm>>
    tpu.wait_dma2 semaphore(%arg16 : memref<!tpu.dma_semaphore, #tpu.memory_space<semaphore_mem>>) src(%arg8 : memref<256x64xf32, #tpu.memory_space<vmem>>) dst(%dma_wait3A_311 : memref<256x64xf32, #tpu.memory_space<hbm>>)
    %add3A_312 = arith.constant 25344 : i32
    %add3A_313 = arith.addi %mul3A_4, %add3A_312 : i32
    %dma_wait3A_314 = arith.constant 0 : i32
    %dma_wait3A_315 = tpu.memref_slice %arg4[%add3A_313, %dma_wait3A_314] : memref<819200x128xf32, #tpu.memory_space<hbm>> -> memref<256x64xf32, #tpu.memory_space<hbm>>
    %dma_wait3A_316 = arith.constant 0 : i32
    %dma_wait3A_317 = tpu.memref_slice %arg4[%add3A_313, %dma_wait3A_316] : memref<819200x128xf32, #tpu.memory_space<hbm>> -> memref<256x64xf32, #tpu.memory_space<hbm>>
    tpu.wait_dma2 semaphore(%arg17 : memref<!tpu.dma_semaphore, #tpu.memory_space<semaphore_mem>>) src(%arg9 : memref<256x64xf32, #tpu.memory_space<vmem>>) dst(%dma_wait3A_317 : memref<256x64xf32, #tpu.memory_space<hbm>>)
    return
  }
}

</mosaic_0001>

<sc_bundles>
// kernel: kernel.3.cloned.1.call-start
scs
__scs_entry_jumppad:
0x0: {  	(pc) =	sbr.rel $0x88, $3  }
0x1: {  	(tag) =	ssettag $0x0;
	lr =	simm.s32 $0x1  }
0x2: {  	[smem:$0x3F9F] =	sst lr;
	_ =	strace $0xD0000000  }
0x3: {  	_ = 	snop  }
0x4: {  	_ = 	snop  }
0x5: {  	_ = 	snop  }
0x6: {  	_ = 	snop  }
0x7: {  	_ = 	snop  }
__scs_overlays_trampoline_lowered:
0x8: {  	[smem:$0x3FAE] =	sst s0  }
0x9: {  	[smem:$0x3FAF] =	sst s1  }
0xa: {  	[smem:$0x3FB0] =	sst s2  }
0xb: {  	[smem:$0x3FB1] =	sst s3  }
0xc: {  	[smem:$0x3FB2] =	sst s4  }
0xd: {  	[smem:$0x3FB3] =	sst s5  }
0xe: {  	[smem:$0x3FB4] =	sst s6  }
0xf: {  	[smem:$0x3FB5] =	sst s7  }
0x10: {  	[smem:$0x3FB6] =	sst s8  }
0x11: {  	[smem:$0x3FB7] =	sst s9;
	s0 =	simm.s32 @!p0 $0x0  }
0x12: {  	s1 =	sld [smem:$0x3F9D];
	s0 =	simm.s32 @p0 $0x1  }
0x13: {  	[smem:$0x3FB8] =	sst s0;
	s0 =	simm.s32 @!p1 $0x0  }
0x14: {  	s2 =	sld [smem:$0x3F9C];
	s0 =	simm.s32 @p1 $0x1  }
0x15: {  	[smem:$0x3FB9] =	sst s0;
	s0 =	simm.s32 @!p2 $0x0  }
0x16: {  	s3 =	sld [smem:$0x3FDB];
	s0 =	simm.s32 @p2 $0x1  }
0x17: {  	s4 =	simm.s32 $0x1BF5;
	[smem:$0x3FBB] =	sst s0  }
0x18: {  	s0 =	sld [smem:$0x3F9E];
	_ =	swait.ge [sflag:s4], $0x0  }
0x19: {  	s7 =	sld [smem:$0x3F9F]  }
0x1a: {  	s8 =	sadd.s32 $0xFFFFE003, lr  }
0x1b: {  	s9 =	sadd.s32 $0xFFFFFEF7, lr;
	s5 =	simm.s32 $0xFFFFFFFF;
	p2 =	slt.u32 s8, $0xFFFFF086  }
0x1c: {  	p1 =	slt.u32 s9, $0xF7A;
	s5 =	simm.s32 @!p2 $0x0  }
0x1d: {  	s5 =	simm.s32 @p1 $0x1;
	p0 =	seq.s32 s7, s2  }
0x1e: {  	s7 =	smul.u32 @!p0 $0xF7A, s2;
	p2 =	seq.s32 @!p0 s5, $0x0  }
0x1f: {  	s9 =	smul.u32 $0xF7A, s1;
	s8 =	simm.s32 @!p0 $0x1BF5;
	p2 =	por !p2, p0  }
0x20: {  	[sflag:s8] =	ssyncset.s32 @!p0 $0xFFFFF086;
	s6 =	sadd.s32 @!p0 s3, s7;
	s7 =	simm.s32 @!p0 $0x108  }
0x21: {  	s3 =	sadd.s32 s3, s9;
	s6 =	sadd.s32 @!p0 $0x88, s6;
	s7 =	simm.s32 @p2 $0x1082  }
0x22: {  	[simem:s7], [sflag:s8] =	dma.local @!p0 [hbm:s6], $0xF7A  }
0x23: {  	s9 =	sor.u32 $0xD0000000, s2;
	s6 =	simm.s32 $0x108;
	_ =	swait.ge @!p0 [sflag:s8], $0x0  }
0x24: {  	s3 =	sadd.s32 $0x88, s3;
	s6 =	simm.s32 @!p1 $0x1082;
	[sflag:s4] =	ssyncset.s32 $0xFFFFF086  }
0x25: {  	[simem:s6], [sflag:s4] =	dma.local [hbm:s3], $0xF7A  }
0x26: {  	[smem:$0x3F9F] =	sst s1;
	(tag) =	ssettag s2;
	_ =	strace s9  }
0x27: {  	s1 =	sld [smem:$0x3FAF]  }
0x28: {  	s2 =	sld [smem:$0x3FB0]  }
0x29: {  	s4 =	sld [smem:$0x3FB2]  }
0x2a: {  	p0 =	seq.s32 s5, $0x0;
	s5 =	sld [smem:$0x3FB3]  }
0x2b: {  	s6 =	sld [smem:$0x3FB4]  }
0x2c: {  	s7 =	sld [smem:$0x3FB5]  }
0x2d: {  	s3 =	simm.s32 $0x108;
	s8 =	sld [smem:$0x3FB6]  }
0x2e: {  	s3 =	simm.s32 @!p0 $0x1082;
	s9 =	sld [smem:$0x3FB7]  }
0x2f: {  	lr =	sadd.s32 s0, s3;
	s0 =	sld [smem:$0x3FAE]  }
0x30: {  	s3 =	sld [smem:$0x3FB1]  }
0x31: {  	[smem:$0x3FBA] =	sst s10  }
0x32: {  	s10 =	sld [smem:$0x3FB8];
	_ =	sdelay $0x3  }
0x33: {  	p0 =	seq.s32 s10, $0x1;
	s10 =	sld [smem:$0x3FBA];
	_ =	sdelay $0x3  }
0x34: {  	[smem:$0x3FBA] =	sst s10  }
0x35: {  	s10 =	sld [smem:$0x3FB9];
	_ =	sdelay $0x3  }
0x36: {  	p1 =	seq.s32 s10, $0x1;
	s10 =	sld [smem:$0x3FBA];
	_ =	sdelay $0x3  }
0x37: {  	[smem:$0x3FBA] =	sst s10  }
0x38: {  	s10 =	sld [smem:$0x3FBB]  }
0x39: {  	_ = 	snop;
	(pc) =	sbr.ind lr, $3  }
0x3a: {  	_ = 	snop  }
0x3b: {  	_ = 	snop  }
0x3c: {  	p2 =	seq.s32 s10, $0x1;
	s10 =	sld [smem:$0x3FBA]  }
0x3d: {  	_ =	shalt  }
0x3e: {  	_ =	shalt  }
0x3f: {  	_ =	shalt  }
0x40: {  	_ =	shalt  }
0x41: {  	_ =	shalt  }
0x42: {  	_ =	shalt  }
0x43: {  	_ =	shalt  }
0x44: {  	_ =	shalt  }
0x45: {  	_ =	shalt  }
0x46: {  	_ =	shalt  }
0x47: {  	_ =	shalt  }
0x48: {  	_ =	shalt  }
0x49: {  	_ =	shalt  }
0x4a: {  	_ =	shalt  }
0x4b: {  	_ =	shalt  }
0x4c: {  	_ =	shalt  }
0x4d: {  	_ =	shalt  }
0x4e: {  	_ =	shalt  }
0x4f: {  	_ =	shalt  }
0x50: {  	_ =	shalt  }
0x51: {  	_ =	shalt  }
0x52: {  	_ =	shalt  }
0x53: {  	_ =	shalt  }
0x54: {  	_ =	shalt  }
0x55: {  	_ =	shalt  }
0x56: {  	_ =	shalt  }
0x57: {  	_ =	shalt  }
0x58: {  	_ =	shalt  }
0x59: {  	_ =	shalt  }
0x5a: {  	_ =	shalt  }
0x5b: {  	_ =	shalt  }
0x5c: {  	_ =	shalt  }
0x5d: {  	_ =	shalt  }
0x5e: {  	_ =	shalt  }
0x5f: {  	_ =	shalt  }
0x60: {  	_ =	shalt  }
0x61: {  	_ =	shalt  }
0x62: {  	_ =	shalt  }
0x63: {  	_ =	shalt  }
0x64: {  	_ =	shalt  }
0x65: {  	_ =	shalt  }
0x66: {  	_ =	shalt  }
0x67: {  	_ =	shalt  }
0x68: {  	_ =	shalt  }
0x69: {  	_ =	shalt  }
0x6a: {  	_ =	shalt  }
0x6b: {  	_ =	shalt  }
0x6c: {  	_ =	shalt  }
0x6d: {  	_ =	shalt  }
0x6e: {  	_ =	shalt  }
0x6f: {  	_ =	shalt  }
0x70: {  	_ =	shalt  }
0x71: {  	_ =	shalt  }
0x72: {  	_ =	shalt  }
0x73: {  	_ =	shalt  }
0x74: {  	_ =	shalt  }
0x75: {  	_ =	shalt  }
0x76: {  	_ =	shalt  }
0x77: {  	_ =	shalt  }
0x78: {  	_ =	shalt  }
0x79: {  	_ =	shalt  }
0x7a: {  	_ =	shalt  }
0x7b: {  	_ =	shalt  }
0x7c: {  	_ =	shalt  }
0x7d: {  	_ =	shalt  }
0x7e: {  	_ =	shalt  }
0x7f: {  	_ =	shalt  }
0x80: {  	_ =	shalt  }
0x81: {  	_ =	shalt  }
0x82: {  	_ =	shalt  }
0x83: {  	_ =	shalt  }
0x84: {  	_ =	shalt  }
0x85: {  	_ =	shalt  }
0x86: {  	_ =	shalt  }
0x87: {  	_ =	shalt  }
.Lfunc_end0:
.L_simem_size_0:
called_computation.1_lowered:
.L_overlay_start_0:
0x88: {  	s2 =	sld [smem:$0x3FD9]  }
0x89: {  	s3 =	sld [smem:$0x3FFE];
	_ =	sdelay $0x1  }
0x8a: {  	s1 =	srdreg.scid  }
0x8b: {  	s0 =	sand.u32 $0x1, s1  }
0x8c: {  	s17 =	sshll.u32 s0, $0xA;
	s2 =	sadd.s32 s3, s2  }
0x8d: {  	s2 =	sadd.s32 s2, s17  }
0x8e: {  	[smem:$0x3FC6] =	sst s2  }
0x8f: {  	_ = 	snop  }
0x90: {  	s2 =	sld [smem:$0x3FD0];
	(tm) =	ssettm $0x1  }
0x91: {  	s18 =	sld [smem:$0x3FFB];
	_ =	sdelay $0x3  }
0x92: {  	_ =	strace s18  }
0x93: {  	s3 =	sld [smem:$0x3FFC];
	_ =	sdelay $0x3  }
0x94: {  	_ =	strace s3  }
0x95: {  	s3 =	sld [smem:$0x3FFD];
	_ =	sdelay $0x3  }
0x96: {  	_ =	strace s3  }
0x97: {  	_ =	strace $0x8FFFFFFF  }
0x98: {  	s19 =	sld [smem:$0x3FDB];
	_ =	sdelay $0x1  }
0x99: {  	s4 =	simm.s32 $_scs_section_size  }
0x9a: {  	s5 =	simm.s32 $_size__tile_overlayer_lowered;
	s6 =	simm.s32 $_tile_overlayer_lowered  }
0x9b: {  	s22 =	simm.s32 $0x1BFF;
	s21 =	sshll.u32 s6, $0x1;
	s3 =	sadd.s32 s4, s19  }
0x9c: {  	s7 =	simm.s32 $0x0;
	s20 =	sshll.u32 s5, $0x1;
	s5 =	sadd.s32 s21, s3  }
0x9d: {  	[timem:s7], [sflag:s22] =	dma.local [hbm:s5], s20  }
0x9e: {  	_ =	swait.ge [sflag:s22], s20  }
0x9f: {  	s4 =	ssub.s32 $0x0, s20;
	[sflag:s22] =	ssyncset.done $0x0  }
0xa0: {  	[sflag:s22] =	ssyncadd.s32 s4;
	_ =	sdelay $0x1  }
0xa1: {  	s23 =	simm.s32 $0x1B8B  }
0xa2: {  	_ =	swait.ge [sflag:s23], $0x1  }
0xa3: {  	[sflag:s23] =	ssyncset.done $0x0  }
0xa4: {  	s25 =	simm.s32 $0x1B8E;
	s24 =	sld [smem:$0x3FFE];
	[sflag:s23] =	ssyncadd.s32 $0xFFFFFFFF  }
0xa5: {  	s26 =	simm.s32 $execute0_lowered;
	[smem:$0x3FD2] =	sst s25  }
0xa6: {  	s5 =	sshll.u32 s26, $0x1;
	_ =	strace $0x80000046;
	[dreg:$0x1] =	wrdreg $0xFFFFFFFF  }
0xa7: {  	s28 =	simm.s32 $_size_execute0_lowered;
	s3 =	sadd.s32 s3, s5;
	[dreg:$0x0] =	wrdreg $0x0  }
0xa8: {  	s5 =	sshll.u32 s28, $0x1;
	[dreg:$0x2] =	wrdreg s3  }
0xa9: {  	[dreg:$0x3] =	wrdreg s5  }
0xaa: {  	[dreg:$0x4] =	wrdreg $0xC0  }
0xab: {  	_ =	task [dreg:s7], $0x5FFFF  }
0xac: {  	[dreg:$0x1] =	wrdreg $0xFFFFFFFF  }
0xad: {  	[dreg:$0x0] =	wrdreg $0x60  }
0xae: {  	[dreg:$0x2] =	wrdreg s2  }
0xaf: {  	[dreg:$0x3] =	wrdreg s24  }
0xb0: {  	[dreg:$0x4] =	wrdreg $0x9  }
0xb1: {  	_ =	task.clear_ibuf [dreg:s7], $0x5FFFF;
	_ =	strace $0x90000046  }
0xb2: {  	s29 =	simm.s32 $0x9;
	_ =	strace $0x80000048  }
0xb3: {  	_ =	swait.ge [sflag:s29], $0x1  }
0xb4: {  	[sflag:s29] =	ssyncadd.s32 $0xFFFFFFFF  }
0xb5: {  	_ =	strace $0x90000048  }
0xb6: {  	_ =	sfence  }
0xb7: {  	s30 =	sld [smem:$0x0];
	_ =	sdelay $0x2  }
0xb8: {  	s31 =	sshll.u32 s1, $0xD;
	s1 =	sshrl.u32 s1, $0x2  }
0xb9: {  	s3 =	sand.u32 $0x4000, s31;
	s1 =	sadd.s32 s1, s30  }
0xba: {  	s0 =	sor.u32 s3, s0;
	s1 =	sshll.u32 s1, $0x11  }
0xbb: {  	s0 =	sor.u32 s1, s0  }
0xbc: {  	s0 =	sadd.s32 $0x8F2B, s0  }
0xbd: {  	[sflag:s0] =	ssyncadd.remote.s32 $0x1  }
0xbe: {  	_ =	sfence.sel $0xFFFF  }
0xbf: {  	[dreg:$0x0] =	wrdreg $0xFFFFFFFF;
	(pc) =	sbr.abs _section_cstart, $3  }
0xc0: {  	[dreg:$0x1] =	wrdreg $0xFFFFFFFF  }
0xc1: {  	_ =	task.clear_ibuf [dreg:s7], $0x2FFFF;
	_ =	strace $0x9FFFFFFF  }
0xc2: {  	(tm) =	ssettm $0x7FFFFFFF  }
0xc3: {  	_ =	shalt  }
tec
execute0_lowered:
.L_overlay_start_1:
0x0: {  	(tag) =	ssettag $0x1  }
0x1: {  	s0 =	rddreg [dreg:$0x0];
	s1 =	srdreg.scid  }
0x2: {  	s2 =	stileid.u32;
	s4 =	rddreg [dreg:$0x1];
	s20 =	simm.s32 $0x1  }
0x3: {  	s21 =	simm.s32 $0x40;
	s22 =	simm.s32 $0x80;
	s23 =	simm.s32 $0xE400  }
0x4: {  	s10 =	simm.s32 $0x2;
	s15 =	simm.s32 $0x12400;
	s9 =	simm.s32 $0x14800  }
0x5: {  	s28 =	simm.s32 $0x14C00;
	s29 =	simm.s32 $0x15000;
	s30 =	simm.s32 $0x15400  }
0x6: {  	s31 =	simm.s32 $0x15800;
	s11 =	simm.s32 $0x3;
	s12 =	simm.s32 $0x4  }
0x7: {  	s13 =	simm.s32 $0x6;
	s1 =	sand.u32 $0x1, s1;
	s3 =	sshll.u32 s2, $0x1  }
0x8: {  	s17 =	simm.s32 $0x0;
	s2 =	simm.s32 $0x0;
	s5 =	sor.u32 s1, s3  }
0x9: {  	[smem:$0x7FF] =	sst s2;
	s3 =	sadd.s32 $0xF42E00, s4;
	s1 =	ssub.s32 $0x2, s1  }
0xa: {  	s4 =	sadd.s32 $0xA00, s4;
	s7 =	smul.u32 $0x6400, s5;
	s6 =	sshrl.u32 s1, $0x1  }
.Ltmp0:
0xb: {  	_ =	strace $0x80000047;
	s1 =	ssub.s32 s1, s6;
	(pc) =	sbr.rel .LBB2_1-.Ltmp0, $4  }
0xc: {  	s6 =	smul.u32 $0x320000, s5;
	s5 =	simm.s32 $0x14000;
	s8 =	sshrl.u32 s7, $0x3  }
0xd: {  	s7 =	sor.u32 $0x100, s7;
	s26 =	smax.u32 s1, $0x1;
	s1 =	simm.s32 $0x15C00  }
0xe: {  	s0 =	sadd.s32 s0, s8;
	[dreg:$0x4] =	wrdreg s26;
	s26 =	simm.s32 $0xA400  }
0xf: {  	vm0 =	vmmov $0xffff;
	s8 =	simm.s32 $0x14400;
	[dreg:$0x3] =	wrdreg s0;
	s0 =	simm.s32 $0x16000  }
.LBB2_12:
0x10: {  	s14 =	simm.s32 $0x5  }
0x11: {  	_ =	swait.ge [sflag:s14], $0x4000  }
0x12: {  	[sflag:s14] =	ssyncset.done $0x0  }
0x13: {  	[sflag:s14] =	ssyncadd.s32 $0xFFFFC000  }
0x14: {  	_ =	swait.ge [sflag:s13], $0x4000  }
0x15: {  	[sflag:s13] =	ssyncset.done $0x0  }
0x16: {  	s24 =	simm.s32 $0x7;
	[sflag:s13] =	ssyncadd.s32 $0xFFFFC000  }
0x17: {  	_ =	swait.ge [sflag:s24], $0x4000  }
0x18: {  	[sflag:s24] =	ssyncset.done $0x0  }
0x19: {  	s16 =	simm.s32 $0x8;
	[sflag:s24] =	ssyncadd.s32 $0xFFFFC000  }
0x1a: {  	_ =	swait.ge [sflag:s16], $0x4000  }
0x1b: {  	s17 =	rddreg [dreg:$0x5]  }
0x1c: {  	s25 =	rddreg [dreg:$0x4];
	s17 =	sadd.s32 $0x1, s17  }
0x1d: {  	p0 =	sne.s32 s17, s25  }
.Ltmp1:
0x1e: {  	_ = 	snop;
	(pc) =	sbr.rel @!p0 .LBB2_13-.Ltmp1, $3  }
0x1f: {  	_ =	sdelay $0x1  }
0x20: {  	[sflag:s16] =	ssyncset.done $0x0  }
0x21: {  	[sflag:s16] =	ssyncadd.s32 $0xFFFFC000  }
.LBB2_1:
0x22: {  	[dreg:$0x5] =	wrdreg s17  }
0x23: {  	s14 =	rddreg [dreg:$0x3];
	s24 =	simm.s32 $0x9  }
0x24: {  	[tilespmem:s2], [sflag:$0x9] =	stream.linear.gather [hbm4b:s14+s2], $0x6400, $0x38;
	[tilespmem:$0x16400] =	vst v63  }
0x25: {  	_ =	swait.ge [sflag:s24], $0x6400  }
0x26: {  	[sflag:s24] =	ssyncset.done $0x0  }
0x27: {  	[sflag:s24] =	ssyncadd.s32 $0xFFFF9C00  }
0x28: {  	v0 =	vld [tilespmem:$0x0];
	_ =	sdelay $0x6  }
0x29: {  	s25 =	simm.s32 $0x6400  }
0x2a: {  	[tilespmem:s25], [sflag:$0x1] =	stream.indirect_vreg.gather [hbm4b:s3+s2], $0x40, v0, vm0, $0xb8;
	[tilespmem:$0x16400] =	vst v63  }
0x2b: {  	v0 =	vld [tilespmem:$0x10];
	_ =	sdelay $0x6  }
0x2c: {  	s16 =	simm.s32 $0x6800  }
0x2d: {  	[tilespmem:s16], [sflag:$0x1] =	stream.indirect_vreg.gather [hbm4b:s3+s2], $0x40, v0, vm0, $0xb8;
	[tilespmem:$0x16400] =	vst v63  }
0x2e: {  	v0 =	vld [tilespmem:$0x20];
	_ =	sdelay $0x6  }
0x2f: {  	s17 =	simm.s32 $0x6C00  }
0x30: {  	[tilespmem:s17], [sflag:$0x1] =	stream.indirect_vreg.gather [hbm4b:s3+s2], $0x40, v0, vm0, $0xb8;
	[tilespmem:$0x16400] =	vst v63  }
0x31: {  	v0 =	vld [tilespmem:$0x30];
	_ =	sdelay $0x6  }
0x32: {  	s18 =	simm.s32 $0x7000  }
0x33: {  	[tilespmem:s18], [sflag:$0x1] =	stream.indirect_vreg.gather [hbm4b:s3+s2], $0x40, v0, vm0, $0xb8;
	[tilespmem:$0x16400] =	vst v63  }
0x34: {  	v0 =	vld [tilespmem:$0x40];
	_ =	sdelay $0x6  }
0x35: {  	s19 =	simm.s32 $0x7400  }
0x36: {  	[tilespmem:s19], [sflag:$0x1] =	stream.indirect_vreg.gather [hbm4b:s3+s2], $0x40, v0, vm0, $0xb8;
	[tilespmem:$0x16400] =	vst v63  }
0x37: {  	v0 =	vld [tilespmem:$0x50];
	_ =	sdelay $0x6  }
0x38: {  	s24 =	simm.s32 $0x7800  }
0x39: {  	[tilespmem:s24], [sflag:$0x1] =	stream.indirect_vreg.gather [hbm4b:s3+s2], $0x40, v0, vm0, $0xb8;
	[tilespmem:$0x16400] =	vst v63  }
0x3a: {  	v0 =	vld [tilespmem:$0x60];
	_ =	sdelay $0x6  }
0x3b: {  	s25 =	simm.s32 $0x7C00  }
0x3c: {  	[tilespmem:s25], [sflag:$0x1] =	stream.indirect_vreg.gather [hbm4b:s3+s2], $0x40, v0, vm0, $0xb8;
	[tilespmem:$0x16400] =	vst v63  }
0x3d: {  	v0 =	vld [tilespmem:$0x70];
	_ =	sdelay $0x6  }
0x3e: {  	s16 =	simm.s32 $0x8000  }
0x3f: {  	[tilespmem:s16], [sflag:$0x1] =	stream.indirect_vreg.gather [hbm4b:s3+s2], $0x40, v0, vm0, $0xb8;
	[tilespmem:$0x16400] =	vst v63  }
0x40: {  	v0 =	vld [tilespmem:$0x80];
	_ =	sdelay $0x6  }
0x41: {  	s17 =	simm.s32 $0x8400  }
0x42: {  	[tilespmem:s17], [sflag:$0x1] =	stream.indirect_vreg.gather [hbm4b:s3+s2], $0x40, v0, vm0, $0xb8;
	[tilespmem:$0x16400] =	vst v63  }
0x43: {  	v0 =	vld [tilespmem:$0x90];
	_ =	sdelay $0x6  }
0x44: {  	s18 =	simm.s32 $0x8800  }
0x45: {  	[tilespmem:s18], [sflag:$0x1] =	stream.indirect_vreg.gather [hbm4b:s3+s2], $0x40, v0, vm0, $0xb8;
	[tilespmem:$0x16400] =	vst v63  }
0x46: {  	v0 =	vld [tilespmem:$0xA0];
	_ =	sdelay $0x6  }
0x47: {  	s19 =	simm.s32 $0x8C00  }
0x48: {  	[tilespmem:s19], [sflag:$0x1] =	stream.indirect_vreg.gather [hbm4b:s3+s2], $0x40, v0, vm0, $0xb8;
	[tilespmem:$0x16400] =	vst v63  }
0x49: {  	v0 =	vld [tilespmem:$0xB0];
	_ =	sdelay $0x6  }
0x4a: {  	s24 =	simm.s32 $0x9000  }
0x4b: {  	[tilespmem:s24], [sflag:$0x1] =	stream.indirect_vreg.gather [hbm4b:s3+s2], $0x40, v0, vm0, $0xb8;
	[tilespmem:$0x16400] =	vst v63  }
0x4c: {  	v0 =	vld [tilespmem:$0xC0];
	_ =	sdelay $0x6  }
0x4d: {  	s25 =	simm.s32 $0x9400  }
0x4e: {  	[tilespmem:s25], [sflag:$0x1] =	stream.indirect_vreg.gather [hbm4b:s3+s2], $0x40, v0, vm0, $0xb8;
	[tilespmem:$0x16400] =	vst v63  }
0x4f: {  	v0 =	vld [tilespmem:$0xD0];
	_ =	sdelay $0x6  }
0x50: {  	s16 =	simm.s32 $0x9800  }
0x51: {  	[tilespmem:s16], [sflag:$0x1] =	stream.indirect_vreg.gather [hbm4b:s3+s2], $0x40, v0, vm0, $0xb8;
	[tilespmem:$0x16400] =	vst v63  }
0x52: {  	v0 =	vld [tilespmem:$0xE0];
	_ =	sdelay $0x6  }
0x53: {  	s17 =	simm.s32 $0x9C00  }
0x54: {  	[tilespmem:s17], [sflag:$0x1] =	stream.indirect_vreg.gather [hbm4b:s3+s2], $0x40, v0, vm0, $0xb8;
	[tilespmem:$0x16400] =	vst v63  }
0x55: {  	v0 =	vld [tilespmem:$0xF0];
	_ =	sdelay $0x6  }
0x56: {  	s18 =	simm.s32 $0xA000  }
0x57: {  	[tilespmem:s18], [sflag:$0x1] =	stream.indirect_vreg.gather [hbm4b:s3+s2], $0x40, v0, vm0, $0xb8;
	[tilespmem:$0x16400] =	vst v63  }
0x58: {  	v0 =	vld [tilespmem:$0x100];
	_ =	sdelay $0x7  }
0x59: {  	[tilespmem:s26], [sflag:$0x2] =	stream.indirect_vreg.gather [hbm4b:s3+s2], $0x40, v0, vm0, $0xb8;
	[tilespmem:$0x16400] =	vst v63  }
0x5a: {  	v0 =	vld [tilespmem:$0x110];
	_ =	sdelay $0x6  }
0x5b: {  	s19 =	simm.s32 $0xA800  }
0x5c: {  	[tilespmem:s19], [sflag:$0x2] =	stream.indirect_vreg.gather [hbm4b:s3+s2], $0x40, v0, vm0, $0xb8;
	[tilespmem:$0x16400] =	vst v63  }
0x5d: {  	v0 =	vld [tilespmem:$0x120];
	_ =	sdelay $0x6  }
0x5e: {  	s24 =	simm.s32 $0xAC00  }
0x5f: {  	[tilespmem:s24], [sflag:$0x2] =	stream.indirect_vreg.gather [hbm4b:s3+s2], $0x40, v0, vm0, $0xb8;
	[tilespmem:$0x16400] =	vst v63  }
0x60: {  	v0 =	vld [tilespmem:$0x130];
	_ =	sdelay $0x6  }
0x61: {  	s25 =	simm.s32 $0xB000  }
0x62: {  	[tilespmem:s25], [sflag:$0x2] =	stream.indirect_vreg.gather [hbm4b:s3+s2], $0x40, v0, vm0, $0xb8;
	[tilespmem:$0x16400] =	vst v63  }
0x63: {  	v0 =	vld [tilespmem:$0x140];
	_ =	sdelay $0x6  }
0x64: {  	s16 =	simm.s32 $0xB400  }
0x65: {  	[tilespmem:s16], [sflag:$0x2] =	stream.indirect_vreg.gather [hbm4b:s3+s2], $0x40, v0, vm0, $0xb8;
	[tilespmem:$0x16400] =	vst v63  }
0x66: {  	v0 =	vld [tilespmem:$0x150];
	_ =	sdelay $0x6  }
0x67: {  	s17 =	simm.s32 $0xB800  }
0x68: {  	[tilespmem:s17], [sflag:$0x2] =	stream.indirect_vreg.gather [hbm4b:s3+s2], $0x40, v0, vm0, $0xb8;
	[tilespmem:$0x16400] =	vst v63  }
0x69: {  	v0 =	vld [tilespmem:$0x160];
	_ =	sdelay $0x6  }
0x6a: {  	s18 =	simm.s32 $0xBC00  }
0x6b: {  	[tilespmem:s18], [sflag:$0x2] =	stream.indirect_vreg.gather [hbm4b:s3+s2], $0x40, v0, vm0, $0xb8;
	[tilespmem:$0x16400] =	vst v63  }
0x6c: {  	v0 =	vld [tilespmem:$0x170];
	_ =	sdelay $0x6  }
0x6d: {  	s19 =	simm.s32 $0xC000  }
0x6e: {  	[tilespmem:s19], [sflag:$0x2] =	stream.indirect_vreg.gather [hbm4b:s3+s2], $0x40, v0, vm0, $0xb8;
	[tilespmem:$0x16400] =	vst v63  }
0x6f: {  	v0 =	vld [tilespmem:$0x180];
	_ =	sdelay $0x6  }
0x70: {  	s24 =	simm.s32 $0xC400  }
0x71: {  	[tilespmem:s24], [sflag:$0x2] =	stream.indirect_vreg.gather [hbm4b:s3+s2], $0x40, v0, vm0, $0xb8;
	[tilespmem:$0x16400] =	vst v63  }
0x72: {  	v0 =	vld [tilespmem:$0x190];
	_ =	sdelay $0x6  }
0x73: {  	s25 =	simm.s32 $0xC800  }
0x74: {  	[tilespmem:s25], [sflag:$0x2] =	stream.indirect_vreg.gather [hbm4b:s3+s2], $0x40, v0, vm0, $0xb8;
	[tilespmem:$0x16400] =	vst v63  }
0x75: {  	v0 =	vld [tilespmem:$0x1A0];
	_ =	sdelay $0x6  }
0x76: {  	s16 =	simm.s32 $0xCC00  }
0x77: {  	[tilespmem:s16], [sflag:$0x2] =	stream.indirect_vreg.gather [hbm4b:s3+s2], $0x40, v0, vm0, $0xb8;
	[tilespmem:$0x16400] =	vst v63  }
0x78: {  	v0 =	vld [tilespmem:$0x1B0];
	_ =	sdelay $0x6  }
0x79: {  	s17 =	simm.s32 $0xD000  }
0x7a: {  	[tilespmem:s17], [sflag:$0x2] =	stream.indirect_vreg.gather [hbm4b:s3+s2], $0x40, v0, vm0, $0xb8;
	[tilespmem:$0x16400] =	vst v63  }
0x7b: {  	v0 =	vld [tilespmem:$0x1C0];
	_ =	sdelay $0x6  }
0x7c: {  	s18 =	simm.s32 $0xD400  }
0x7d: {  	[tilespmem:s18], [sflag:$0x2] =	stream.indirect_vreg.gather [hbm4b:s3+s2], $0x40, v0, vm0, $0xb8;
	[tilespmem:$0x16400] =	vst v63  }
0x7e: {  	v0 =	vld [tilespmem:$0x1D0];
	_ =	sdelay $0x6  }
0x7f: {  	s19 =	simm.s32 $0xD800  }
0x80: {  	[tilespmem:s19], [sflag:$0x2] =	stream.indirect_vreg.gather [hbm4b:s3+s2], $0x40, v0, vm0, $0xb8;
	[tilespmem:$0x16400] =	vst v63  }
0x81: {  	v0 =	vld [tilespmem:$0x1E0];
	_ =	sdelay $0x6  }
0x82: {  	s24 =	simm.s32 $0xDC00  }
0x83: {  	[tilespmem:s24], [sflag:$0x2] =	stream.indirect_vreg.gather [hbm4b:s3+s2], $0x40, v0, vm0, $0xb8;
	[tilespmem:$0x16400] =	vst v63  }
0x84: {  	v0 =	vld [tilespmem:$0x1F0];
	_ =	sdelay $0x6  }
0x85: {  	s14 =	simm.s32 $0x0;
	s25 =	simm.s32 $0xE000  }
0x86: {  	[tilespmem:s25], [sflag:$0x2] =	stream.indirect_vreg.gather [hbm4b:s3+s2], $0x40, v0, vm0, $0xb8;
	[tilespmem:$0x16400] =	vst v63  }
.LBB2_2:
0x87: {  	_ =	swait.ge [sflag:s20], $0x4000  }
0x88: {  	[sflag:s20] =	ssyncset.done $0x0  }
0x89: {  	s16 =	simm.s32 $0x6480;
	[sflag:s20] =	ssyncadd.s32 $0xFFFFC000  }
0x8a: {  	v0 =	vld [tilespmem:s16+$0x70]  }
0x8b: {  	v1 =	vld [tilespmem:s16+$0xFFFFFF90]  }
0x8c: {  	v2 =	vld [tilespmem:s16+$0xFFFFFFA0]  }
0x8d: {  	v3 =	vld [tilespmem:s16+$0xFFFFFFB0]  }
0x8e: {  	v4 =	vld [tilespmem:s16+$0xFFFFFFC0]  }
0x8f: {  	v5 =	vld [tilespmem:s16+$0xFFFFFFD0];
	v0 =	vmul.f32 $8.000000000e+00, v0  }
0x90: {  	v6 =	vld [tilespmem:s16+$0xFFFFFFE0];
	v1 =	vmul.f32 $8.000000000e+00, v1  }
0x91: {  	v7 =	vld [tilespmem:s16+$0xFFFFFFF0];
	v2 =	vmul.f32 $8.000000000e+00, v2;
	[tilespmem:s16+$0x70] =	vst v0  }
0x92: {  	[tilespmem:s16+$0xFFFFFF90] =	vst v1;
	v0 =	vmul.f32 $8.000000000e+00, v3;
	v3 =	vld [tilespmem:s16+$0x0]  }
0x93: {  	[tilespmem:s16+$0xFFFFFFA0] =	vst v2;
	v1 =	vmul.f32 $8.000000000e+00, v4;
	v4 =	vld [tilespmem:s16+$0x10]  }
0x94: {  	v8 =	vld [tilespmem:s16+$0x20];
	v2 =	vmul.f32 $8.000000000e+00, v5;
	[tilespmem:s16+$0xFFFFFFB0] =	vst v0  }
0x95: {  	v5 =	vmul.f32 $8.000000000e+00, v6;
	[tilespmem:s16+$0xFFFFFFC0] =	vst v1;
	v0 =	vld [tilespmem:s16+$0x30]  }
0x96: {  	v6 =	vmul.f32 $8.000000000e+00, v7;
	[tilespmem:s16+$0xFFFFFFD0] =	vst v2;
	v1 =	vld [tilespmem:s16+$0x40]  }
0x97: {  	[tilespmem:s16+$0xFFFFFFE0] =	vst v5;
	v2 =	vld [tilespmem:s16+$0x50];
	v7 =	vmul.f32 $8.000000000e+00, v3  }
0x98: {  	[tilespmem:s16+$0xFFFFFFF0] =	vst v6;
	v3 =	vld [tilespmem:s16+$0x60];
	v5 =	vmul.f32 $8.000000000e+00, v4  }
0x99: {  	s17 =	simm.s32 $0x0;
	s18 =	simm.s32 $0x6580;
	v6 =	vmul.f32 $8.000000000e+00, v8;
	v4 =	vld [tilespmem:s16+$0xFFFFFF80];
	[tilespmem:s16+$0x0] =	vst v7  }
.LBB2_3:
0x9a: {  	v7 =	vld [tilespmem:s18+$0x70];
	s17 =	sadd.s32 $0x4, s17;
	[tilespmem:s16+$0x10] =	vst v5;
	v0 =	vmul.f32 $8.000000000e+00, v0  }
0x9b: {  	v5 =	vld [tilespmem:s18+$0xFFFFFF90];
	p0 =	slt.u32 s17, $0xFC;
	[tilespmem:s16+$0x20] =	vst v6;
	v1 =	vmul.f32 $8.000000000e+00, v1  }
0x9c: {  	v6 =	vld [tilespmem:s18+$0xFFFFFFA0];
	[tilespmem:s16+$0x30] =	vst v0;
	v0 =	vmul.f32 $8.000000000e+00, v2  }
0x9d: {  	v2 =	vld [tilespmem:s18+$0xFFFFFFB0];
	[tilespmem:s16+$0x40] =	vst v1;
	v1 =	vmul.f32 $8.000000000e+00, v3  }
0x9e: {  	v3 =	vld [tilespmem:s18+$0xFFFFFFC0];
	v4 =	vmul.f32 $8.000000000e+00, v4;
	[tilespmem:s16+$0x50] =	vst v0  }
0x9f: {  	v0 =	vld [tilespmem:s18+$0xFFFFFFD0];
	v7 =	vmul.f32 $8.000000000e+00, v7;
	[tilespmem:s16+$0x60] =	vst v1  }
0xa0: {  	v1 =	vmul.f32 $8.000000000e+00, v5;
	v5 =	vld [tilespmem:s18+$0xFFFFFFE0];
	[tilespmem:s16+$0xFFFFFF80] =	vst v4;
	s16 =	smov.u32 s18  }
0xa1: {  	v4 =	vmul.f32 $8.000000000e+00, v6;
	v6 =	vld [tilespmem:s18+$0xFFFFFFF0];
	[tilespmem:s18+$0x70] =	vst v7  }
0xa2: {  	[tilespmem:s18+$0xFFFFFF90] =	vst v1;
	v1 =	vmul.f32 $8.000000000e+00, v2;
	v2 =	vld [tilespmem:s18+$0x0]  }
0xa3: {  	[tilespmem:s18+$0xFFFFFFA0] =	vst v4;
	v3 =	vmul.f32 $8.000000000e+00, v3;
	v4 =	vld [tilespmem:s18+$0x10]  }
0xa4: {  	[tilespmem:s18+$0xFFFFFFB0] =	vst v1;
	v1 =	vmul.f32 $8.000000000e+00, v0;
	v7 =	vld [tilespmem:s18+$0x20]  }
.Ltmp2:
0xa5: {  	[tilespmem:s18+$0xFFFFFFC0] =	vst v3;
	v3 =	vmul.f32 $8.000000000e+00, v5;
	v0 =	vld [tilespmem:s18+$0x30];
	(pc) =	sbr.rel @p0 .LBB2_3-.Ltmp2, $4  }
0xa6: {  	[tilespmem:s18+$0xFFFFFFD0] =	vst v1;
	v5 =	vmul.f32 $8.000000000e+00, v6;
	v1 =	vld [tilespmem:s18+$0x40]  }
0xa7: {  	[tilespmem:s18+$0xFFFFFFE0] =	vst v3;
	v6 =	vmul.f32 $8.000000000e+00, v2;
	v2 =	vld [tilespmem:s18+$0x50]  }
0xa8: {  	[tilespmem:s18+$0xFFFFFFF0] =	vst v5;
	v5 =	vmul.f32 $8.000000000e+00, v4;
	v3 =	vld [tilespmem:s18+$0x60]  }
0xa9: {  	s18 =	sadd.s32 $0x100, s18;
	v4 =	vld [tilespmem:s16+$0xFFFFFF80];
	[tilespmem:s16+$0x0] =	vst v6;
	v6 =	vmul.f32 $8.000000000e+00, v7  }
0xaa: {  	[tilespmem:s16+$0x10] =	vst v5;
	v0 =	vmul.f32 $8.000000000e+00, v0  }
0xab: {  	[tilespmem:s16+$0x20] =	vst v6;
	v1 =	vmul.f32 $8.000000000e+00, v1  }
0xac: {  	[tilespmem:s16+$0x30] =	vst v0;
	v0 =	vmul.f32 $8.000000000e+00, v2  }
0xad: {  	s17 =	sshll.u32 s14, $0x11;
	[tilespmem:s16+$0x40] =	vst v1;
	v1 =	vmul.f32 $8.000000000e+00, v3  }
0xae: {  	s17 =	sadd.s32 s6, s17;
	v2 =	vmul.f32 $8.000000000e+00, v4;
	[tilespmem:s16+$0x50] =	vst v0  }
0xaf: {  	s24 =	simm.s32 $0x6400;
	p0 =	seq.s32 s14, $0x0;
	s17 =	sshrl.u32 s17, $0x3;
	[tilespmem:s16+$0x60] =	vst v1  }
0xb0: {  	s19 =	sadd.s32 s4, s17;
	s17 =	sshll.u32 s14, $0x2;
	[tilespmem:s16+$0xFFFFFF80] =	vst v2;
	s16 =	simm.s32 @!p0 $0x7  }
0xb1: {  	[hbm4b:s19+s21] =	stream.strided.scatter [tilespmem:s24], [sflag:$0x5], $0x4000, s22, s21, $0x38;
	[tilespmem:$0x16400] =	vst v63  }
0xb2: {  	s18 =	sor.u32 $0x2, s17;
	_ =	swait.ge @!p0 [sflag:s16], $0x4000  }
0xb3: {  	s19 =	sshll.u32 s18, $0x8;
	[sflag:s16] =	ssyncset.done @!p0 $0x0  }
0xb4: {  	[sflag:s16] =	ssyncadd.s32 @!p0 $0xFFFFC000;
	s16 =	sand.u32 $0x3FFFFF00, s19  }
0xb5: {  	v0 =	vld [tilespmem:s16+$0x0];
	_ =	sdelay $0x7  }
0xb6: {  	[tilespmem:s23], [sflag:$0x3] =	stream.indirect_vreg.gather [hbm4b:s3+s2], $0x40, v0, vm0, $0xb8;
	[tilespmem:$0x16400] =	vst v63  }
0xb7: {  	v0 =	vld [tilespmem:s16+$0x10];
	_ =	sdelay $0x6  }
0xb8: {  	s25 =	simm.s32 $0xE800  }
0xb9: {  	[tilespmem:s25], [sflag:$0x3] =	stream.indirect_vreg.gather [hbm4b:s3+s2], $0x40, v0, vm0, $0xb8;
	[tilespmem:$0x16400] =	vst v63  }
0xba: {  	v0 =	vld [tilespmem:s16+$0x20];
	_ =	sdelay $0x6  }
0xbb: {  	s24 =	simm.s32 $0xEC00  }
0xbc: {  	[tilespmem:s24], [sflag:$0x3] =	stream.indirect_vreg.gather [hbm4b:s3+s2], $0x40, v0, vm0, $0xb8;
	[tilespmem:$0x16400] =	vst v63  }
0xbd: {  	v0 =	vld [tilespmem:s16+$0x30];
	_ =	sdelay $0x6  }
0xbe: {  	s25 =	simm.s32 $0xF000  }
0xbf: {  	[tilespmem:s25], [sflag:$0x3] =	stream.indirect_vreg.gather [hbm4b:s3+s2], $0x40, v0, vm0, $0xb8;
	[tilespmem:$0x16400] =	vst v63  }
0xc0: {  	v0 =	vld [tilespmem:s16+$0x40];
	_ =	sdelay $0x6  }
0xc1: {  	s24 =	simm.s32 $0xF400  }
0xc2: {  	[tilespmem:s24], [sflag:$0x3] =	stream.indirect_vreg.gather [hbm4b:s3+s2], $0x40, v0, vm0, $0xb8;
	[tilespmem:$0x16400] =	vst v63  }
0xc3: {  	v0 =	vld [tilespmem:s16+$0x50];
	_ =	sdelay $0x6  }
0xc4: {  	s25 =	simm.s32 $0xF800  }
0xc5: {  	[tilespmem:s25], [sflag:$0x3] =	stream.indirect_vreg.gather [hbm4b:s3+s2], $0x40, v0, vm0, $0xb8;
	[tilespmem:$0x16400] =	vst v63  }
0xc6: {  	v0 =	vld [tilespmem:s16+$0x60];
	_ =	sdelay $0x6  }
0xc7: {  	s24 =	simm.s32 $0xFC00  }
0xc8: {  	[tilespmem:s24], [sflag:$0x3] =	stream.indirect_vreg.gather [hbm4b:s3+s2], $0x40, v0, vm0, $0xb8;
	[tilespmem:$0x16400] =	vst v63  }
0xc9: {  	v0 =	vld [tilespmem:s16+$0x70];
	_ =	sdelay $0x6  }
0xca: {  	s25 =	simm.s32 $0x10000  }
0xcb: {  	[tilespmem:s25], [sflag:$0x3] =	stream.indirect_vreg.gather [hbm4b:s3+s2], $0x40, v0, vm0, $0xb8;
	[tilespmem:$0x16400] =	vst v63  }
0xcc: {  	v0 =	vld [tilespmem:s16+$0x80];
	_ =	sdelay $0x6  }
0xcd: {  	s24 =	simm.s32 $0x10400  }
0xce: {  	[tilespmem:s24], [sflag:$0x3] =	stream.indirect_vreg.gather [hbm4b:s3+s2], $0x40, v0, vm0, $0xb8;
	[tilespmem:$0x16400] =	vst v63  }
0xcf: {  	v0 =	vld [tilespmem:s16+$0x90];
	_ =	sdelay $0x6  }
0xd0: {  	s25 =	simm.s32 $0x10800  }
0xd1: {  	[tilespmem:s25], [sflag:$0x3] =	stream.indirect_vreg.gather [hbm4b:s3+s2], $0x40, v0, vm0, $0xb8;
	[tilespmem:$0x16400] =	vst v63  }
0xd2: {  	v0 =	vld [tilespmem:s16+$0xA0];
	_ =	sdelay $0x6  }
0xd3: {  	s24 =	simm.s32 $0x10C00  }
0xd4: {  	[tilespmem:s24], [sflag:$0x3] =	stream.indirect_vreg.gather [hbm4b:s3+s2], $0x40, v0, vm0, $0xb8;
	[tilespmem:$0x16400] =	vst v63  }
0xd5: {  	v0 =	vld [tilespmem:s16+$0xB0];
	_ =	sdelay $0x6  }
0xd6: {  	s25 =	simm.s32 $0x11000  }
0xd7: {  	[tilespmem:s25], [sflag:$0x3] =	stream.indirect_vreg.gather [hbm4b:s3+s2], $0x40, v0, vm0, $0xb8;
	[tilespmem:$0x16400] =	vst v63  }
0xd8: {  	v0 =	vld [tilespmem:s16+$0xC0];
	_ =	sdelay $0x6  }
0xd9: {  	s24 =	simm.s32 $0x11400  }
0xda: {  	[tilespmem:s24], [sflag:$0x3] =	stream.indirect_vreg.gather [hbm4b:s3+s2], $0x40, v0, vm0, $0xb8;
	[tilespmem:$0x16400] =	vst v63  }
0xdb: {  	v0 =	vld [tilespmem:s16+$0xD0];
	_ =	sdelay $0x6  }
0xdc: {  	s25 =	simm.s32 $0x11800  }
0xdd: {  	[tilespmem:s25], [sflag:$0x3] =	stream.indirect_vreg.gather [hbm4b:s3+s2], $0x40, v0, vm0, $0xb8;
	[tilespmem:$0x16400] =	vst v63  }
0xde: {  	v0 =	vld [tilespmem:s16+$0xE0];
	_ =	sdelay $0x6  }
0xdf: {  	s24 =	simm.s32 $0x11C00  }
0xe0: {  	[tilespmem:s24], [sflag:$0x3] =	stream.indirect_vreg.gather [hbm4b:s3+s2], $0x40, v0, vm0, $0xb8;
	[tilespmem:$0x16400] =	vst v63  }
0xe1: {  	v0 =	vld [tilespmem:s16+$0xF0];
	_ =	sdelay $0x6  }
0xe2: {  	s25 =	simm.s32 $0x12000  }
0xe3: {  	[tilespmem:s25], [sflag:$0x3] =	stream.indirect_vreg.gather [hbm4b:s3+s2], $0x40, v0, vm0, $0xb8;
	[tilespmem:$0x16400] =	vst v63  }
0xe4: {  	_ =	swait.ge [sflag:s10], $0x4000  }
0xe5: {  	[sflag:s10] =	ssyncset.done $0x0  }
0xe6: {  	s19 =	simm.s32 $0xA480;
	[sflag:s10] =	ssyncadd.s32 $0xFFFFC000  }
0xe7: {  	v0 =	vld [tilespmem:s19+$0x70]  }
0xe8: {  	v1 =	vld [tilespmem:s19+$0xFFFFFF90]  }
0xe9: {  	v2 =	vld [tilespmem:s19+$0xFFFFFFA0]  }
0xea: {  	v3 =	vld [tilespmem:s19+$0xFFFFFFB0]  }
0xeb: {  	v4 =	vld [tilespmem:s19+$0xFFFFFFC0]  }
0xec: {  	v5 =	vld [tilespmem:s19+$0xFFFFFFD0];
	v0 =	vmul.f32 $8.000000000e+00, v0  }
0xed: {  	v6 =	vld [tilespmem:s19+$0xFFFFFFE0];
	v1 =	vmul.f32 $8.000000000e+00, v1  }
0xee: {  	v7 =	vld [tilespmem:s19+$0xFFFFFFF0];
	v2 =	vmul.f32 $8.000000000e+00, v2;
	[tilespmem:s19+$0x70] =	vst v0  }
0xef: {  	[tilespmem:s19+$0xFFFFFF90] =	vst v1;
	v0 =	vmul.f32 $8.000000000e+00, v3;
	v3 =	vld [tilespmem:s19+$0x0]  }
0xf0: {  	v8 =	vld [tilespmem:s19+$0x10];
	[tilespmem:s19+$0xFFFFFFA0] =	vst v2;
	v1 =	vmul.f32 $8.000000000e+00, v4  }
0xf1: {  	v9 =	vld [tilespmem:s19+$0x20];
	v2 =	vmul.f32 $8.000000000e+00, v5;
	[tilespmem:s19+$0xFFFFFFB0] =	vst v0  }
0xf2: {  	v4 =	vmul.f32 $8.000000000e+00, v6;
	[tilespmem:s19+$0xFFFFFFC0] =	vst v1;
	v0 =	vld [tilespmem:s19+$0x30]  }
0xf3: {  	[tilespmem:s19+$0xFFFFFFD0] =	vst v2;
	v2 =	vmul.f32 $8.000000000e+00, v7;
	v1 =	vld [tilespmem:s19+$0x40]  }
0xf4: {  	[tilespmem:s19+$0xFFFFFFE0] =	vst v4;
	v4 =	vld [tilespmem:s19+$0x50];
	v6 =	vmul.f32 $8.000000000e+00, v3  }
0xf5: {  	v5 =	vmul.f32 $8.000000000e+00, v8;
	[tilespmem:s19+$0xFFFFFFF0] =	vst v2;
	v2 =	vld [tilespmem:s19+$0x60]  }
0xf6: {  	s24 =	simm.s32 $0xA580;
	s16 =	simm.s32 $0x0;
	v3 =	vld [tilespmem:s19+$0xFFFFFF80];
	[tilespmem:s19+$0x0] =	vst v6;
	v6 =	vmul.f32 $8.000000000e+00, v9  }
.LBB2_5:
0xf7: {  	v7 =	vld [tilespmem:s24+$0x70];
	s16 =	sadd.s32 $0x4, s16;
	[tilespmem:s19+$0x10] =	vst v5;
	v0 =	vmul.f32 $8.000000000e+00, v0  }
0xf8: {  	v5 =	vld [tilespmem:s24+$0xFFFFFF90];
	p1 =	slt.u32 s16, $0xFC;
	[tilespmem:s19+$0x20] =	vst v6;
	v1 =	vmul.f32 $8.000000000e+00, v1  }
0xf9: {  	v6 =	vld [tilespmem:s24+$0xFFFFFFA0];
	[tilespmem:s19+$0x30] =	vst v0;
	v0 =	vmul.f32 $8.000000000e+00, v4  }
0xfa: {  	v4 =	vld [tilespmem:s24+$0xFFFFFFB0];
	[tilespmem:s19+$0x40] =	vst v1;
	v1 =	vmul.f32 $8.000000000e+00, v2  }
0xfb: {  	v2 =	vld [tilespmem:s24+$0xFFFFFFC0];
	v3 =	vmul.f32 $8.000000000e+00, v3;
	[tilespmem:s19+$0x50] =	vst v0  }
0xfc: {  	v0 =	vld [tilespmem:s24+$0xFFFFFFD0];
	v7 =	vmul.f32 $8.000000000e+00, v7;
	[tilespmem:s19+$0x60] =	vst v1  }
0xfd: {  	v1 =	vmul.f32 $8.000000000e+00, v5;
	v5 =	vld [tilespmem:s24+$0xFFFFFFE0];
	[tilespmem:s19+$0xFFFFFF80] =	vst v3;
	s19 =	smov.u32 s24  }
0xfe: {  	v3 =	vmul.f32 $8.000000000e+00, v6;
	v6 =	vld [tilespmem:s24+$0xFFFFFFF0];
	[tilespmem:s24+$0x70] =	vst v7  }
0xff: {  	[tilespmem:s24+$0xFFFFFF90] =	vst v1;
	v1 =	vmul.f32 $8.000000000e+00, v4;
	v4 =	vld [tilespmem:s24+$0x0]  }
0x100: {  	[tilespmem:s24+$0xFFFFFFA0] =	vst v3;
	v2 =	vmul.f32 $8.000000000e+00, v2;
	v3 =	vld [tilespmem:s24+$0x10]  }
0x101: {  	[tilespmem:s24+$0xFFFFFFB0] =	vst v1;
	v1 =	vmul.f32 $8.000000000e+00, v0;
	v7 =	vld [tilespmem:s24+$0x20]  }
.Ltmp3:
0x102: {  	[tilespmem:s24+$0xFFFFFFC0] =	vst v2;
	v2 =	vmul.f32 $8.000000000e+00, v5;
	v0 =	vld [tilespmem:s24+$0x30];
	(pc) =	sbr.rel @p1 .LBB2_5-.Ltmp3, $4  }
0x103: {  	[tilespmem:s24+$0xFFFFFFD0] =	vst v1;
	v5 =	vmul.f32 $8.000000000e+00, v6;
	v1 =	vld [tilespmem:s24+$0x40]  }
0x104: {  	[tilespmem:s24+$0xFFFFFFE0] =	vst v2;
	v6 =	vmul.f32 $8.000000000e+00, v4;
	v4 =	vld [tilespmem:s24+$0x50]  }
0x105: {  	[tilespmem:s24+$0xFFFFFFF0] =	vst v5;
	v5 =	vmul.f32 $8.000000000e+00, v3;
	v2 =	vld [tilespmem:s24+$0x60]  }
0x106: {  	s24 =	sadd.s32 $0x100, s24;
	v3 =	vld [tilespmem:s19+$0xFFFFFF80];
	[tilespmem:s19+$0x0] =	vst v6;
	v6 =	vmul.f32 $8.000000000e+00, v7  }
0x107: {  	[tilespmem:s19+$0x10] =	vst v5;
	v0 =	vmul.f32 $8.000000000e+00, v0  }
0x108: {  	[tilespmem:s19+$0x20] =	vst v6;
	v1 =	vmul.f32 $8.000000000e+00, v1  }
0x109: {  	s16 =	sshll.u32 s14, $0xA;
	[tilespmem:s19+$0x30] =	vst v0;
	v0 =	vmul.f32 $8.000000000e+00, v4  }
0x10a: {  	s24 =	sadd.s32 s16, s7;
	[tilespmem:s19+$0x40] =	vst v1;
	v1 =	vmul.f32 $8.000000000e+00, v2  }
0x10b: {  	s24 =	sshll.u32 s24, $0x4;
	v2 =	vmul.f32 $8.000000000e+00, v3;
	[tilespmem:s19+$0x50] =	vst v0  }
0x10c: {  	s24 =	sand.u32 $0x1FFFD000, s24;
	[tilespmem:s19+$0x60] =	vst v1  }
0x10d: {  	s24 =	sadd.s32 s4, s24;
	[tilespmem:s19+$0xFFFFFF80] =	vst v2;
	s19 =	simm.s32 @!p0 $0x8  }
0x10e: {  	[hbm4b:s24+s21] =	stream.strided.scatter [tilespmem:s26], [sflag:$0x6], $0x4000, s22, s21, $0x38;
	[tilespmem:$0x16400] =	vst v63  }
0x10f: {  	s17 =	sor.u32 $0x3, s17;
	_ =	swait.ge @!p0 [sflag:s19], $0x4000  }
0x110: {  	s25 =	sshll.u32 s17, $0x8;
	[sflag:s19] =	ssyncset.done @!p0 $0x0  }
0x111: {  	[sflag:s19] =	ssyncadd.s32 @!p0 $0xFFFFC000;
	s19 =	sand.u32 $0x3FFFFF00, s25  }
0x112: {  	v0 =	vld [tilespmem:s19+$0x0];
	_ =	sdelay $0x7  }
0x113: {  	[tilespmem:s15], [sflag:$0x4] =	stream.indirect_vreg.gather [hbm4b:s3+s2], $0x40, v0, vm0, $0xb8;
	[tilespmem:$0x16400] =	vst v63  }
0x114: {  	v0 =	vld [tilespmem:s19+$0x10];
	_ =	sdelay $0x6  }
0x115: {  	s25 =	simm.s32 $0x12800  }
0x116: {  	[tilespmem:s25], [sflag:$0x4] =	stream.indirect_vreg.gather [hbm4b:s3+s2], $0x40, v0, vm0, $0xb8;
	[tilespmem:$0x16400] =	vst v63  }
0x117: {  	v0 =	vld [tilespmem:s19+$0x20];
	_ =	sdelay $0x6  }
0x118: {  	s25 =	simm.s32 $0x12C00  }
0x119: {  	[tilespmem:s25], [sflag:$0x4] =	stream.indirect_vreg.gather [hbm4b:s3+s2], $0x40, v0, vm0, $0xb8;
	[tilespmem:$0x16400] =	vst v63  }
0x11a: {  	v0 =	vld [tilespmem:s19+$0x30];
	_ =	sdelay $0x6  }
0x11b: {  	s25 =	simm.s32 $0x13000  }
0x11c: {  	[tilespmem:s25], [sflag:$0x4] =	stream.indirect_vreg.gather [hbm4b:s3+s2], $0x40, v0, vm0, $0xb8;
	[tilespmem:$0x16400] =	vst v63  }
0x11d: {  	v0 =	vld [tilespmem:s19+$0x40];
	_ =	sdelay $0x6  }
0x11e: {  	s25 =	simm.s32 $0x13400  }
0x11f: {  	[tilespmem:s25], [sflag:$0x4] =	stream.indirect_vreg.gather [hbm4b:s3+s2], $0x40, v0, vm0, $0xb8;
	[tilespmem:$0x16400] =	vst v63  }
0x120: {  	v0 =	vld [tilespmem:s19+$0x50];
	_ =	sdelay $0x6  }
0x121: {  	s25 =	simm.s32 $0x13800  }
0x122: {  	[tilespmem:s25], [sflag:$0x4] =	stream.indirect_vreg.gather [hbm4b:s3+s2], $0x40, v0, vm0, $0xb8;
	[tilespmem:$0x16400] =	vst v63  }
0x123: {  	v0 =	vld [tilespmem:s19+$0x60];
	_ =	sdelay $0x6  }
0x124: {  	s25 =	simm.s32 $0x13C00  }
0x125: {  	[tilespmem:s25], [sflag:$0x4] =	stream.indirect_vreg.gather [hbm4b:s3+s2], $0x40, v0, vm0, $0xb8;
	[tilespmem:$0x16400] =	vst v63  }
0x126: {  	v0 =	vld [tilespmem:s19+$0x70];
	_ =	sdelay $0x7  }
0x127: {  	[tilespmem:s5], [sflag:$0x4] =	stream.indirect_vreg.gather [hbm4b:s3+s2], $0x40, v0, vm0, $0xb8;
	[tilespmem:$0x16400] =	vst v63  }
0x128: {  	v0 =	vld [tilespmem:s19+$0x80];
	_ =	sdelay $0x7  }
0x129: {  	[tilespmem:s8], [sflag:$0x4] =	stream.indirect_vreg.gather [hbm4b:s3+s2], $0x40, v0, vm0, $0xb8;
	[tilespmem:$0x16400] =	vst v63  }
0x12a: {  	v0 =	vld [tilespmem:s19+$0x90];
	_ =	sdelay $0x7  }
0x12b: {  	[tilespmem:s9], [sflag:$0x4] =	stream.indirect_vreg.gather [hbm4b:s3+s2], $0x40, v0, vm0, $0xb8;
	[tilespmem:$0x16400] =	vst v63  }
0x12c: {  	v0 =	vld [tilespmem:s19+$0xA0];
	_ =	sdelay $0x7  }
0x12d: {  	[tilespmem:s28], [sflag:$0x4] =	stream.indirect_vreg.gather [hbm4b:s3+s2], $0x40, v0, vm0, $0xb8;
	[tilespmem:$0x16400] =	vst v63  }
0x12e: {  	v0 =	vld [tilespmem:s19+$0xB0];
	_ =	sdelay $0x7  }
0x12f: {  	[tilespmem:s29], [sflag:$0x4] =	stream.indirect_vreg.gather [hbm4b:s3+s2], $0x40, v0, vm0, $0xb8;
	[tilespmem:$0x16400] =	vst v63  }
0x130: {  	v0 =	vld [tilespmem:s19+$0xC0];
	_ =	sdelay $0x7  }
0x131: {  	[tilespmem:s30], [sflag:$0x4] =	stream.indirect_vreg.gather [hbm4b:s3+s2], $0x40, v0, vm0, $0xb8;
	[tilespmem:$0x16400] =	vst v63  }
0x132: {  	v0 =	vld [tilespmem:s19+$0xD0];
	_ =	sdelay $0x7  }
0x133: {  	[tilespmem:s31], [sflag:$0x4] =	stream.indirect_vreg.gather [hbm4b:s3+s2], $0x40, v0, vm0, $0xb8;
	[tilespmem:$0x16400] =	vst v63  }
0x134: {  	v0 =	vld [tilespmem:s19+$0xE0];
	_ =	sdelay $0x7  }
0x135: {  	[tilespmem:s1], [sflag:$0x4] =	stream.indirect_vreg.gather [hbm4b:s3+s2], $0x40, v0, vm0, $0xb8;
	[tilespmem:$0x16400] =	vst v63  }
0x136: {  	v0 =	vld [tilespmem:s19+$0xF0];
	_ =	sdelay $0x7  }
0x137: {  	[tilespmem:s0], [sflag:$0x4] =	stream.indirect_vreg.gather [hbm4b:s3+s2], $0x40, v0, vm0, $0xb8;
	[tilespmem:$0x16400] =	vst v63  }
0x138: {  	_ =	swait.ge [sflag:s11], $0x4000  }
0x139: {  	[sflag:s11] =	ssyncset.done $0x0  }
0x13a: {  	s19 =	simm.s32 $0xE480;
	[sflag:s11] =	ssyncadd.s32 $0xFFFFC000  }
0x13b: {  	v0 =	vld [tilespmem:s19+$0x70]  }
0x13c: {  	v1 =	vld [tilespmem:s19+$0xFFFFFF90]  }
0x13d: {  	v2 =	vld [tilespmem:s19+$0xFFFFFFA0]  }
0x13e: {  	v3 =	vld [tilespmem:s19+$0xFFFFFFB0]  }
0x13f: {  	v4 =	vld [tilespmem:s19+$0xFFFFFFC0]  }
0x140: {  	v5 =	vld [tilespmem:s19+$0xFFFFFFD0];
	v0 =	vmul.f32 $8.000000000e+00, v0  }
0x141: {  	v6 =	vld [tilespmem:s19+$0xFFFFFFE0];
	v1 =	vmul.f32 $8.000000000e+00, v1  }
0x142: {  	v7 =	vld [tilespmem:s19+$0xFFFFFFF0];
	v2 =	vmul.f32 $8.000000000e+00, v2;
	[tilespmem:s19+$0x70] =	vst v0  }
0x143: {  	[tilespmem:s19+$0xFFFFFF90] =	vst v1;
	v0 =	vmul.f32 $8.000000000e+00, v3;
	v3 =	vld [tilespmem:s19+$0x0]  }
0x144: {  	[tilespmem:s19+$0xFFFFFFA0] =	vst v2;
	v1 =	vmul.f32 $8.000000000e+00, v4;
	v4 =	vld [tilespmem:s19+$0x10]  }
0x145: {  	v8 =	vld [tilespmem:s19+$0x20];
	v2 =	vmul.f32 $8.000000000e+00, v5;
	[tilespmem:s19+$0xFFFFFFB0] =	vst v0  }
0x146: {  	v5 =	vmul.f32 $8.000000000e+00, v6;
	[tilespmem:s19+$0xFFFFFFC0] =	vst v1;
	v0 =	vld [tilespmem:s19+$0x30]  }
0x147: {  	v6 =	vmul.f32 $8.000000000e+00, v7;
	[tilespmem:s19+$0xFFFFFFD0] =	vst v2;
	v1 =	vld [tilespmem:s19+$0x40]  }
0x148: {  	[tilespmem:s19+$0xFFFFFFE0] =	vst v5;
	v2 =	vld [tilespmem:s19+$0x50];
	v7 =	vmul.f32 $8.000000000e+00, v3  }
0x149: {  	[tilespmem:s19+$0xFFFFFFF0] =	vst v6;
	v3 =	vld [tilespmem:s19+$0x60];
	v5 =	vmul.f32 $8.000000000e+00, v4  }
0x14a: {  	s24 =	simm.s32 $0x0;
	s25 =	simm.s32 $0xE580;
	v6 =	vmul.f32 $8.000000000e+00, v8;
	v4 =	vld [tilespmem:s19+$0xFFFFFF80];
	[tilespmem:s19+$0x0] =	vst v7  }
.LBB2_7:
0x14b: {  	v7 =	vld [tilespmem:s25+$0x70];
	s24 =	sadd.s32 $0x4, s24;
	[tilespmem:s19+$0x10] =	vst v5;
	v0 =	vmul.f32 $8.000000000e+00, v0  }
0x14c: {  	v5 =	vld [tilespmem:s25+$0xFFFFFF90];
	p0 =	slt.u32 s24, $0xFC;
	[tilespmem:s19+$0x20] =	vst v6;
	v1 =	vmul.f32 $8.000000000e+00, v1  }
0x14d: {  	v6 =	vld [tilespmem:s25+$0xFFFFFFA0];
	[tilespmem:s19+$0x30] =	vst v0;
	v0 =	vmul.f32 $8.000000000e+00, v2  }
0x14e: {  	v2 =	vld [tilespmem:s25+$0xFFFFFFB0];
	[tilespmem:s19+$0x40] =	vst v1;
	v1 =	vmul.f32 $8.000000000e+00, v3  }
0x14f: {  	v3 =	vld [tilespmem:s25+$0xFFFFFFC0];
	v4 =	vmul.f32 $8.000000000e+00, v4;
	[tilespmem:s19+$0x50] =	vst v0  }
0x150: {  	v0 =	vld [tilespmem:s25+$0xFFFFFFD0];
	v7 =	vmul.f32 $8.000000000e+00, v7;
	[tilespmem:s19+$0x60] =	vst v1  }
0x151: {  	v1 =	vmul.f32 $8.000000000e+00, v5;
	v5 =	vld [tilespmem:s25+$0xFFFFFFE0];
	[tilespmem:s19+$0xFFFFFF80] =	vst v4;
	s19 =	smov.u32 s25  }
0x152: {  	v4 =	vmul.f32 $8.000000000e+00, v6;
	v6 =	vld [tilespmem:s25+$0xFFFFFFF0];
	[tilespmem:s25+$0x70] =	vst v7  }
0x153: {  	[tilespmem:s25+$0xFFFFFF90] =	vst v1;
	v1 =	vmul.f32 $8.000000000e+00, v2;
	v2 =	vld [tilespmem:s25+$0x0]  }
0x154: {  	[tilespmem:s25+$0xFFFFFFA0] =	vst v4;
	v3 =	vmul.f32 $8.000000000e+00, v3;
	v4 =	vld [tilespmem:s25+$0x10]  }
0x155: {  	[tilespmem:s25+$0xFFFFFFB0] =	vst v1;
	v1 =	vmul.f32 $8.000000000e+00, v0;
	v7 =	vld [tilespmem:s25+$0x20]  }
.Ltmp4:
0x156: {  	[tilespmem:s25+$0xFFFFFFC0] =	vst v3;
	v3 =	vmul.f32 $8.000000000e+00, v5;
	v0 =	vld [tilespmem:s25+$0x30];
	(pc) =	sbr.rel @p0 .LBB2_7-.Ltmp4, $4  }
0x157: {  	[tilespmem:s25+$0xFFFFFFD0] =	vst v1;
	v5 =	vmul.f32 $8.000000000e+00, v6;
	v1 =	vld [tilespmem:s25+$0x40]  }
0x158: {  	[tilespmem:s25+$0xFFFFFFE0] =	vst v3;
	v6 =	vmul.f32 $8.000000000e+00, v2;
	v2 =	vld [tilespmem:s25+$0x50]  }
0x159: {  	[tilespmem:s25+$0xFFFFFFF0] =	vst v5;
	v5 =	vmul.f32 $8.000000000e+00, v4;
	v3 =	vld [tilespmem:s25+$0x60]  }
0x15a: {  	s25 =	sadd.s32 $0x100, s25;
	v4 =	vld [tilespmem:s19+$0xFFFFFF80];
	[tilespmem:s19+$0x0] =	vst v6;
	v6 =	vmul.f32 $8.000000000e+00, v7  }
0x15b: {  	[tilespmem:s19+$0x10] =	vst v5;
	v0 =	vmul.f32 $8.000000000e+00, v0  }
0x15c: {  	[tilespmem:s19+$0x20] =	vst v6;
	v1 =	vmul.f32 $8.000000000e+00, v1  }
0x15d: {  	[tilespmem:s19+$0x30] =	vst v0;
	v0 =	vmul.f32 $8.000000000e+00, v2  }
0x15e: {  	s18 =	sshll.u32 s18, $0xF;
	[tilespmem:s19+$0x40] =	vst v1;
	v1 =	vmul.f32 $8.000000000e+00, v3  }
0x15f: {  	s18 =	sadd.s32 s6, s18;
	v2 =	vmul.f32 $8.000000000e+00, v4;
	[tilespmem:s19+$0x50] =	vst v0  }
0x160: {  	s18 =	sshrl.u32 s18, $0x3;
	[tilespmem:s19+$0x60] =	vst v1  }
0x161: {  	p0 =	seq.s32 s14, $0x18;
	s18 =	sadd.s32 s4, s18;
	[tilespmem:s19+$0xFFFFFF80] =	vst v2  }
0x162: {  	[hbm4b:s18+s21] =	stream.strided.scatter [tilespmem:s23], [sflag:$0x7], $0x4000, s22, s21, $0x38;
	[tilespmem:$0x16400] =	vst v63  }
0x163: {  	s18 =	simm.s32 @!p0 $0x5  }
0x164: {  	_ =	swait.ge @!p0 [sflag:s18], $0x4000  }
0x165: {  	[sflag:s18] =	ssyncset.done @!p0 $0x0  }
0x166: {  	[sflag:s18] =	ssyncadd.s32 @!p0 $0xFFFFC000  }
0x167: {  	v0 =	vld @!p0 [tilespmem:s16+$0x400];
	_ =	sdelay $0x6  }
0x168: {  	vm1 =	vmmov @!p0 $0xffff;
	s19 =	simm.s32 @!p0 $0x6400;
	s18 =	simm.s32 @!p0 $0x0  }
0x169: {  	[tilespmem:s19], [sflag:$0x1] =	stream.indirect_vreg.gather @!p0 [hbm4b:s3+s18], $0x40, v0, vm1, $0xb8;
	[tilespmem:$0x16400] =	vst v63  }
0x16a: {  	v0 =	vld @!p0 [tilespmem:s16+$0x410];
	_ =	sdelay $0x6  }
0x16b: {  	s19 =	simm.s32 @!p0 $0x6800  }
0x16c: {  	[tilespmem:s19], [sflag:$0x1] =	stream.indirect_vreg.gather @!p0 [hbm4b:s3+s18], $0x40, v0, vm1, $0xb8;
	[tilespmem:$0x16400] =	vst v63  }
0x16d: {  	v0 =	vld @!p0 [tilespmem:s16+$0x420];
	_ =	sdelay $0x6  }
0x16e: {  	s19 =	simm.s32 @!p0 $0x6C00  }
0x16f: {  	[tilespmem:s19], [sflag:$0x1] =	stream.indirect_vreg.gather @!p0 [hbm4b:s3+s18], $0x40, v0, vm1, $0xb8;
	[tilespmem:$0x16400] =	vst v63  }
0x170: {  	v0 =	vld @!p0 [tilespmem:s16+$0x430];
	_ =	sdelay $0x6  }
0x171: {  	s19 =	simm.s32 @!p0 $0x7000  }
0x172: {  	[tilespmem:s19], [sflag:$0x1] =	stream.indirect_vreg.gather @!p0 [hbm4b:s3+s18], $0x40, v0, vm1, $0xb8;
	[tilespmem:$0x16400] =	vst v63  }
0x173: {  	v0 =	vld @!p0 [tilespmem:s16+$0x440];
	_ =	sdelay $0x6  }
0x174: {  	s19 =	simm.s32 @!p0 $0x7400  }
0x175: {  	[tilespmem:s19], [sflag:$0x1] =	stream.indirect_vreg.gather @!p0 [hbm4b:s3+s18], $0x40, v0, vm1, $0xb8;
	[tilespmem:$0x16400] =	vst v63  }
0x176: {  	v0 =	vld @!p0 [tilespmem:s16+$0x450];
	_ =	sdelay $0x6  }
0x177: {  	s19 =	simm.s32 @!p0 $0x7800  }
0x178: {  	[tilespmem:s19], [sflag:$0x1] =	stream.indirect_vreg.gather @!p0 [hbm4b:s3+s18], $0x40, v0, vm1, $0xb8;
	[tilespmem:$0x16400] =	vst v63  }
0x179: {  	v0 =	vld @!p0 [tilespmem:s16+$0x460];
	_ =	sdelay $0x6  }
0x17a: {  	s19 =	simm.s32 @!p0 $0x7C00  }
0x17b: {  	[tilespmem:s19], [sflag:$0x1] =	stream.indirect_vreg.gather @!p0 [hbm4b:s3+s18], $0x40, v0, vm1, $0xb8;
	[tilespmem:$0x16400] =	vst v63  }
0x17c: {  	v0 =	vld @!p0 [tilespmem:s16+$0x470];
	_ =	sdelay $0x6  }
0x17d: {  	s19 =	simm.s32 @!p0 $0x8000  }
0x17e: {  	[tilespmem:s19], [sflag:$0x1] =	stream.indirect_vreg.gather @!p0 [hbm4b:s3+s18], $0x40, v0, vm1, $0xb8;
	[tilespmem:$0x16400] =	vst v63  }
0x17f: {  	v0 =	vld @!p0 [tilespmem:s16+$0x480];
	_ =	sdelay $0x6  }
0x180: {  	s19 =	simm.s32 @!p0 $0x8400  }
0x181: {  	[tilespmem:s19], [sflag:$0x1] =	stream.indirect_vreg.gather @!p0 [hbm4b:s3+s18], $0x40, v0, vm1, $0xb8;
	[tilespmem:$0x16400] =	vst v63  }
0x182: {  	v0 =	vld @!p0 [tilespmem:s16+$0x490];
	_ =	sdelay $0x6  }
0x183: {  	s19 =	simm.s32 @!p0 $0x8800  }
0x184: {  	[tilespmem:s19], [sflag:$0x1] =	stream.indirect_vreg.gather @!p0 [hbm4b:s3+s18], $0x40, v0, vm1, $0xb8;
	[tilespmem:$0x16400] =	vst v63  }
0x185: {  	v0 =	vld @!p0 [tilespmem:s16+$0x4A0];
	_ =	sdelay $0x6  }
0x186: {  	s19 =	simm.s32 @!p0 $0x8C00  }
0x187: {  	[tilespmem:s19], [sflag:$0x1] =	stream.indirect_vreg.gather @!p0 [hbm4b:s3+s18], $0x40, v0, vm1, $0xb8;
	[tilespmem:$0x16400] =	vst v63  }
0x188: {  	v0 =	vld @!p0 [tilespmem:s16+$0x4B0];
	_ =	sdelay $0x6  }
0x189: {  	s19 =	simm.s32 @!p0 $0x9000  }
0x18a: {  	[tilespmem:s19], [sflag:$0x1] =	stream.indirect_vreg.gather @!p0 [hbm4b:s3+s18], $0x40, v0, vm1, $0xb8;
	[tilespmem:$0x16400] =	vst v63  }
0x18b: {  	v0 =	vld @!p0 [tilespmem:s16+$0x4C0];
	_ =	sdelay $0x6  }
0x18c: {  	s19 =	simm.s32 @!p0 $0x9400  }
0x18d: {  	[tilespmem:s19], [sflag:$0x1] =	stream.indirect_vreg.gather @!p0 [hbm4b:s3+s18], $0x40, v0, vm1, $0xb8;
	[tilespmem:$0x16400] =	vst v63  }
0x18e: {  	v0 =	vld @!p0 [tilespmem:s16+$0x4D0];
	_ =	sdelay $0x6  }
0x18f: {  	s19 =	simm.s32 @!p0 $0x9800  }
0x190: {  	[tilespmem:s19], [sflag:$0x1] =	stream.indirect_vreg.gather @!p0 [hbm4b:s3+s18], $0x40, v0, vm1, $0xb8;
	[tilespmem:$0x16400] =	vst v63  }
0x191: {  	v0 =	vld @!p0 [tilespmem:s16+$0x4E0];
	_ =	sdelay $0x6  }
0x192: {  	s19 =	simm.s32 @!p0 $0x9C00  }
0x193: {  	[tilespmem:s19], [sflag:$0x1] =	stream.indirect_vreg.gather @!p0 [hbm4b:s3+s18], $0x40, v0, vm1, $0xb8;
	[tilespmem:$0x16400] =	vst v63  }
0x194: {  	v0 =	vld @!p0 [tilespmem:s16+$0x4F0];
	_ =	sdelay $0x6  }
0x195: {  	s19 =	simm.s32 @!p0 $0xA000  }
0x196: {  	[tilespmem:s19], [sflag:$0x1] =	stream.indirect_vreg.gather @!p0 [hbm4b:s3+s18], $0x40, v0, vm1, $0xb8;
	[tilespmem:$0x16400] =	vst v63  }
0x197: {  	_ =	swait.ge [sflag:s12], $0x4000  }
0x198: {  	[sflag:s12] =	ssyncset.done $0x0  }
0x199: {  	s18 =	simm.s32 $0x12480;
	[sflag:s12] =	ssyncadd.s32 $0xFFFFC000  }
0x19a: {  	v0 =	vld [tilespmem:s18+$0x70]  }
0x19b: {  	v1 =	vld [tilespmem:s18+$0xFFFFFF90]  }
0x19c: {  	v2 =	vld [tilespmem:s18+$0xFFFFFFA0]  }
0x19d: {  	v3 =	vld [tilespmem:s18+$0xFFFFFFB0]  }
0x19e: {  	v4 =	vld [tilespmem:s18+$0xFFFFFFC0]  }
0x19f: {  	v5 =	vld [tilespmem:s18+$0xFFFFFFD0];
	v0 =	vmul.f32 $8.000000000e+00, v0  }
0x1a0: {  	v6 =	vld [tilespmem:s18+$0xFFFFFFE0];
	v1 =	vmul.f32 $8.000000000e+00, v1  }
0x1a1: {  	v7 =	vld [tilespmem:s18+$0xFFFFFFF0];
	v2 =	vmul.f32 $8.000000000e+00, v2;
	[tilespmem:s18+$0x70] =	vst v0  }
0x1a2: {  	[tilespmem:s18+$0xFFFFFF90] =	vst v1;
	v0 =	vmul.f32 $8.000000000e+00, v3;
	v3 =	vld [tilespmem:s18+$0x0]  }
0x1a3: {  	[tilespmem:s18+$0xFFFFFFA0] =	vst v2;
	v1 =	vmul.f32 $8.000000000e+00, v4;
	v4 =	vld [tilespmem:s18+$0x10]  }
0x1a4: {  	v8 =	vld [tilespmem:s18+$0x20];
	v2 =	vmul.f32 $8.000000000e+00, v5;
	[tilespmem:s18+$0xFFFFFFB0] =	vst v0  }
0x1a5: {  	v5 =	vmul.f32 $8.000000000e+00, v6;
	[tilespmem:s18+$0xFFFFFFC0] =	vst v1;
	v0 =	vld [tilespmem:s18+$0x30]  }
0x1a6: {  	v6 =	vmul.f32 $8.000000000e+00, v7;
	[tilespmem:s18+$0xFFFFFFD0] =	vst v2;
	v1 =	vld [tilespmem:s18+$0x40]  }
0x1a7: {  	[tilespmem:s18+$0xFFFFFFE0] =	vst v5;
	v2 =	vld [tilespmem:s18+$0x50];
	v7 =	vmul.f32 $8.000000000e+00, v3  }
0x1a8: {  	[tilespmem:s18+$0xFFFFFFF0] =	vst v6;
	v3 =	vld [tilespmem:s18+$0x60];
	v5 =	vmul.f32 $8.000000000e+00, v4  }
0x1a9: {  	s24 =	simm.s32 $0x12580;
	s19 =	simm.s32 $0x0;
	v6 =	vmul.f32 $8.000000000e+00, v8;
	v4 =	vld [tilespmem:s18+$0xFFFFFF80];
	[tilespmem:s18+$0x0] =	vst v7  }
.LBB2_9:
0x1aa: {  	v7 =	vld [tilespmem:s24+$0x70];
	s19 =	sadd.s32 $0x4, s19;
	[tilespmem:s18+$0x10] =	vst v5;
	v0 =	vmul.f32 $8.000000000e+00, v0  }
0x1ab: {  	v5 =	vld [tilespmem:s24+$0xFFFFFF90];
	p1 =	slt.u32 s19, $0xFC;
	[tilespmem:s18+$0x20] =	vst v6;
	v1 =	vmul.f32 $8.000000000e+00, v1  }
0x1ac: {  	v6 =	vld [tilespmem:s24+$0xFFFFFFA0];
	[tilespmem:s18+$0x30] =	vst v0;
	v0 =	vmul.f32 $8.000000000e+00, v2  }
0x1ad: {  	v2 =	vld [tilespmem:s24+$0xFFFFFFB0];
	[tilespmem:s18+$0x40] =	vst v1;
	v1 =	vmul.f32 $8.000000000e+00, v3  }
0x1ae: {  	v3 =	vld [tilespmem:s24+$0xFFFFFFC0];
	v4 =	vmul.f32 $8.000000000e+00, v4;
	[tilespmem:s18+$0x50] =	vst v0  }
0x1af: {  	v0 =	vld [tilespmem:s24+$0xFFFFFFD0];
	v7 =	vmul.f32 $8.000000000e+00, v7;
	[tilespmem:s18+$0x60] =	vst v1  }
0x1b0: {  	v1 =	vmul.f32 $8.000000000e+00, v5;
	v5 =	vld [tilespmem:s24+$0xFFFFFFE0];
	[tilespmem:s18+$0xFFFFFF80] =	vst v4;
	s18 =	smov.u32 s24  }
0x1b1: {  	v4 =	vmul.f32 $8.000000000e+00, v6;
	v6 =	vld [tilespmem:s24+$0xFFFFFFF0];
	[tilespmem:s24+$0x70] =	vst v7  }
0x1b2: {  	[tilespmem:s24+$0xFFFFFF90] =	vst v1;
	v1 =	vmul.f32 $8.000000000e+00, v2;
	v2 =	vld [tilespmem:s24+$0x0]  }
0x1b3: {  	[tilespmem:s24+$0xFFFFFFA0] =	vst v4;
	v3 =	vmul.f32 $8.000000000e+00, v3;
	v4 =	vld [tilespmem:s24+$0x10]  }
0x1b4: {  	[tilespmem:s24+$0xFFFFFFB0] =	vst v1;
	v1 =	vmul.f32 $8.000000000e+00, v0;
	v7 =	vld [tilespmem:s24+$0x20]  }
.Ltmp5:
0x1b5: {  	[tilespmem:s24+$0xFFFFFFC0] =	vst v3;
	v3 =	vmul.f32 $8.000000000e+00, v5;
	v0 =	vld [tilespmem:s24+$0x30];
	(pc) =	sbr.rel @p1 .LBB2_9-.Ltmp5, $4  }
0x1b6: {  	[tilespmem:s24+$0xFFFFFFD0] =	vst v1;
	v5 =	vmul.f32 $8.000000000e+00, v6;
	v1 =	vld [tilespmem:s24+$0x40]  }
0x1b7: {  	[tilespmem:s24+$0xFFFFFFE0] =	vst v3;
	v6 =	vmul.f32 $8.000000000e+00, v2;
	v2 =	vld [tilespmem:s24+$0x50]  }
0x1b8: {  	[tilespmem:s24+$0xFFFFFFF0] =	vst v5;
	v5 =	vmul.f32 $8.000000000e+00, v4;
	v3 =	vld [tilespmem:s24+$0x60]  }
0x1b9: {  	s24 =	sadd.s32 $0x100, s24;
	v4 =	vld [tilespmem:s18+$0xFFFFFF80];
	[tilespmem:s18+$0x0] =	vst v6;
	v6 =	vmul.f32 $8.000000000e+00, v7  }
0x1ba: {  	[tilespmem:s18+$0x10] =	vst v5;
	v0 =	vmul.f32 $8.000000000e+00, v0  }
0x1bb: {  	[tilespmem:s18+$0x20] =	vst v6;
	v1 =	vmul.f32 $8.000000000e+00, v1  }
0x1bc: {  	[tilespmem:s18+$0x30] =	vst v0;
	v61 =	vmul.f32 $8.000000000e+00, v2  }
.Ltmp6:
0x1bd: {  	s17 =	sshll.u32 s17, $0xF;
	[tilespmem:s18+$0x40] =	vst v1;
	v62 =	vmul.f32 $8.000000000e+00, v3;
	(pc) =	sbr.rel @p0 .LBB2_12-.Ltmp6, $4  }
0x1be: {  	s17 =	sadd.s32 s6, s17;
	v63 =	vmul.f32 $8.000000000e+00, v4;
	[tilespmem:s18+$0x50] =	vst v61  }
0x1bf: {  	s17 =	sshrl.u32 s17, $0x3;
	[tilespmem:s18+$0x60] =	vst v62  }
0x1c0: {  	s17 =	sadd.s32 s4, s17;
	[tilespmem:s18+$0xFFFFFF80] =	vst v63  }
0x1c1: {  	[hbm4b:s17+s21] =	stream.strided.scatter [tilespmem:s15], [sflag:$0x8], $0x4000, s22, s21, $0x38;
	[tilespmem:$0x16400] =	vst v63  }
0x1c2: {  	_ =	swait.ge [sflag:s13], $0x4000  }
0x1c3: {  	[sflag:s13] =	ssyncset.done $0x0  }
0x1c4: {  	[sflag:s13] =	ssyncadd.s32 $0xFFFFC000  }
0x1c5: {  	v0 =	vld [tilespmem:s16+$0x500];
	_ =	sdelay $0x7  }
0x1c6: {  	[tilespmem:s26], [sflag:$0x2] =	stream.indirect_vreg.gather [hbm4b:s3+s2], $0x40, v0, vm0, $0xb8;
	[tilespmem:$0x16400] =	vst v63  }
0x1c7: {  	v0 =	vld [tilespmem:s16+$0x510];
	_ =	sdelay $0x6  }
0x1c8: {  	s17 =	simm.s32 $0xA800  }
0x1c9: {  	[tilespmem:s17], [sflag:$0x2] =	stream.indirect_vreg.gather [hbm4b:s3+s2], $0x40, v0, vm0, $0xb8;
	[tilespmem:$0x16400] =	vst v63  }
0x1ca: {  	v0 =	vld [tilespmem:s16+$0x520];
	_ =	sdelay $0x6  }
0x1cb: {  	s24 =	simm.s32 $0xAC00  }
0x1cc: {  	[tilespmem:s24], [sflag:$0x2] =	stream.indirect_vreg.gather [hbm4b:s3+s2], $0x40, v0, vm0, $0xb8;
	[tilespmem:$0x16400] =	vst v63  }
0x1cd: {  	v0 =	vld [tilespmem:s16+$0x530];
	_ =	sdelay $0x6  }
0x1ce: {  	s25 =	simm.s32 $0xB000  }
0x1cf: {  	[tilespmem:s25], [sflag:$0x2] =	stream.indirect_vreg.gather [hbm4b:s3+s2], $0x40, v0, vm0, $0xb8;
	[tilespmem:$0x16400] =	vst v63  }
0x1d0: {  	v0 =	vld [tilespmem:s16+$0x540];
	_ =	sdelay $0x6  }
0x1d1: {  	s18 =	simm.s32 $0xB400  }
0x1d2: {  	[tilespmem:s18], [sflag:$0x2] =	stream.indirect_vreg.gather [hbm4b:s3+s2], $0x40, v0, vm0, $0xb8;
	[tilespmem:$0x16400] =	vst v63  }
0x1d3: {  	v0 =	vld [tilespmem:s16+$0x550];
	_ =	sdelay $0x6  }
0x1d4: {  	s19 =	simm.s32 $0xB800  }
0x1d5: {  	[tilespmem:s19], [sflag:$0x2] =	stream.indirect_vreg.gather [hbm4b:s3+s2], $0x40, v0, vm0, $0xb8;
	[tilespmem:$0x16400] =	vst v63  }
0x1d6: {  	v0 =	vld [tilespmem:s16+$0x560];
	_ =	sdelay $0x6  }
0x1d7: {  	s24 =	simm.s32 $0xBC00  }
0x1d8: {  	[tilespmem:s24], [sflag:$0x2] =	stream.indirect_vreg.gather [hbm4b:s3+s2], $0x40, v0, vm0, $0xb8;
	[tilespmem:$0x16400] =	vst v63  }
0x1d9: {  	v0 =	vld [tilespmem:s16+$0x570];
	_ =	sdelay $0x6  }
0x1da: {  	s25 =	simm.s32 $0xC000  }
0x1db: {  	[tilespmem:s25], [sflag:$0x2] =	stream.indirect_vreg.gather [hbm4b:s3+s2], $0x40, v0, vm0, $0xb8;
	[tilespmem:$0x16400] =	vst v63  }
0x1dc: {  	v0 =	vld [tilespmem:s16+$0x580];
	_ =	sdelay $0x6  }
0x1dd: {  	s18 =	simm.s32 $0xC400  }
0x1de: {  	[tilespmem:s18], [sflag:$0x2] =	stream.indirect_vreg.gather [hbm4b:s3+s2], $0x40, v0, vm0, $0xb8;
	[tilespmem:$0x16400] =	vst v63  }
0x1df: {  	v0 =	vld [tilespmem:s16+$0x590];
	_ =	sdelay $0x6  }
0x1e0: {  	s19 =	simm.s32 $0xC800  }
0x1e1: {  	[tilespmem:s19], [sflag:$0x2] =	stream.indirect_vreg.gather [hbm4b:s3+s2], $0x40, v0, vm0, $0xb8;
	[tilespmem:$0x16400] =	vst v63  }
0x1e2: {  	v0 =	vld [tilespmem:s16+$0x5A0];
	_ =	sdelay $0x6  }
0x1e3: {  	s24 =	simm.s32 $0xCC00  }
0x1e4: {  	[tilespmem:s24], [sflag:$0x2] =	stream.indirect_vreg.gather [hbm4b:s3+s2], $0x40, v0, vm0, $0xb8;
	[tilespmem:$0x16400] =	vst v63  }
0x1e5: {  	v0 =	vld [tilespmem:s16+$0x5B0];
	_ =	sdelay $0x6  }
0x1e6: {  	s25 =	simm.s32 $0xD000  }
0x1e7: {  	[tilespmem:s25], [sflag:$0x2] =	stream.indirect_vreg.gather [hbm4b:s3+s2], $0x40, v0, vm0, $0xb8;
	[tilespmem:$0x16400] =	vst v63  }
0x1e8: {  	v0 =	vld [tilespmem:s16+$0x5C0];
	_ =	sdelay $0x6  }
0x1e9: {  	s18 =	simm.s32 $0xD400  }
0x1ea: {  	[tilespmem:s18], [sflag:$0x2] =	stream.indirect_vreg.gather [hbm4b:s3+s2], $0x40, v0, vm0, $0xb8;
	[tilespmem:$0x16400] =	vst v63  }
0x1eb: {  	v0 =	vld [tilespmem:s16+$0x5D0];
	_ =	sdelay $0x6  }
0x1ec: {  	s19 =	simm.s32 $0xD800  }
0x1ed: {  	[tilespmem:s19], [sflag:$0x2] =	stream.indirect_vreg.gather [hbm4b:s3+s2], $0x40, v0, vm0, $0xb8;
	[tilespmem:$0x16400] =	vst v63  }
0x1ee: {  	v0 =	vld [tilespmem:s16+$0x5E0];
	_ =	sdelay $0x6  }
0x1ef: {  	s24 =	simm.s32 $0xDC00  }
0x1f0: {  	[tilespmem:s24], [sflag:$0x2] =	stream.indirect_vreg.gather [hbm4b:s3+s2], $0x40, v0, vm0, $0xb8;
	[tilespmem:$0x16400] =	vst v63  }
0x1f1: {  	v0 =	vld [tilespmem:s16+$0x5F0];
	_ =	sdelay $0x3  }
.Ltmp7:
0x1f2: {  	_ = 	snop;
	(pc) =	sbr.rel .LBB2_2-.Ltmp7, $3  }
0x1f3: {  	_ =	sdelay $0x1  }
0x1f4: {  	s14 =	sadd.s32 $0x1, s14;
	s25 =	simm.s32 $0xE000  }
0x1f5: {  	[tilespmem:s25], [sflag:$0x2] =	stream.indirect_vreg.gather [hbm4b:s3+s2], $0x40, v0, vm0, $0xb8;
	[tilespmem:$0x16400] =	vst v63  }
.LBB2_13:
0x1f6: {  	_ =	sfence.sel $0x180000  }
0x1f7: {  	[bflag:$0x0] =	sbarrier.arrive $0xFFFF  }
0x1f8: {  	_ =	strace $0x90000047  }
0x1f9: {  	s0 =	stileid.u32;
	[bflag:$0x2] =	sbarrier.arrive $0xFFFF  }
0x1fa: {  	p0 =	sne.s32 s0, $0x0;
	s0 =	rddreg [dreg:$0x2]  }
0x1fb: {  	s0 =	sadd.s32 @!p0 $0x100000, s0  }
0x1fc: {  	[sflag:s0] =	ssyncadd.tile.s32 @!p0 $0x1;
	_ =	shalt  }
.Lfunc_end2:
_tile_overlayer_lowered:
.L_overlay_start_2:
0x1fd: {  	(tag) =	ssettag $0x2  }
0x1fe: {  	s0 =	rddreg [dreg:$0x0];
	s2 =	stileid.u32  }
0x1ff: {  	s1 =	rddreg [dreg:$0x1];
	p0 =	sne.s32 s2, $0x0  }
0x200: {  	s3 =	rddreg [dreg:$0x2];
	[bflag:$0x3] =	sbarrier.arrive $0xFFFF;
	s2 =	simm.s32 @!p0 $0x1C09  }
0x201: {  	[timem:s3], [sflag:s2] =	dma.local @!p0 [hbm:s0], s1  }
0x202: {  	s0 =	simm.s32 @!p0 $0x9  }
0x203: {  	_ =	swait.ge @!p0 [sflag:s0], s1  }
0x204: {  	s1 =	ssub.s32 @!p0 $0x0, s1;
	[sflag:s0] =	ssyncset.done @!p0 $0x0  }
0x205: {  	[sflag:s0] =	ssyncadd.s32 @!p0 s1  }
0x206: {  	[bflag:$0x3] =	sbarrier.arrive $0xFFFF  }
0x207: {  	_ =	shalt  }

// kernel: sparse-core-data-format-call.cloned.1.call-start
scs
called_computation_lowered:
.L_overlay_start_0:
0x0: {  	s2 =	sld [smem:$0x3FD9]  }
0x1: {  	s3 =	sld [smem:$0x3FFE];
	_ =	sdelay $0x1  }
0x2: {  	s1 =	srdreg.scid  }
0x3: {  	s0 =	sand.u32 $0x1, s1  }
0x4: {  	s18 =	sshll.u32 s0, $0xA;
	s2 =	sadd.s32 s3, s2  }
0x5: {  	s2 =	sadd.s32 s2, s18  }
0x6: {  	[smem:$0x3FC6] =	sst s2  }
0x7: {  	_ = 	snop  }
0x8: {  	s2 =	sld [smem:$0x3FD0];
	(tm) =	ssettm $0x1  }
0x9: {  	s19 =	sld [smem:$0x3FFB];
	_ =	sdelay $0x3  }
0xa: {  	_ =	strace s19  }
0xb: {  	s3 =	sld [smem:$0x3FFC];
	_ =	sdelay $0x3  }
0xc: {  	_ =	strace s3  }
0xd: {  	s3 =	sld [smem:$0x3FFD];
	_ =	sdelay $0x3  }
0xe: {  	_ =	strace s3  }
0xf: {  	_ =	strace $0x8FFFFFFF  }
0x10: {  	s20 =	sld [smem:$0x3FDB];
	_ =	sdelay $0x1  }
0x11: {  	s4 =	simm.s32 $_scs_section_size  }
0x12: {  	s5 =	simm.s32 $_size__tile_overlayer_lowered;
	s6 =	simm.s32 $_tile_overlayer_lowered  }
0x13: {  	s23 =	simm.s32 $0x1BFF;
	s22 =	sshll.u32 s6, $0x1;
	s3 =	sadd.s32 s4, s20  }
0x14: {  	s7 =	simm.s32 $0x0;
	s21 =	sshll.u32 s5, $0x1;
	s5 =	sadd.s32 s22, s3  }
0x15: {  	[timem:s7], [sflag:s23] =	dma.local [hbm:s5], s21  }
0x16: {  	_ =	swait.ge [sflag:s23], s21  }
0x17: {  	s4 =	ssub.s32 $0x0, s21;
	[sflag:s23] =	ssyncset.done $0x0  }
0x18: {  	[sflag:s23] =	ssyncadd.s32 s4;
	_ =	sdelay $0x1  }
0x19: {  	s24 =	simm.s32 $0x1B8B  }
0x1a: {  	_ =	swait.ge [sflag:s24], $0x1  }
0x1b: {  	[sflag:s24] =	ssyncset.done $0x0  }
0x1c: {  	s26 =	simm.s32 $0x1B8E;
	s25 =	sld [smem:$0x3FFE];
	[sflag:s24] =	ssyncadd.s32 $0xFFFFFFFF  }
0x1d: {  	s27 =	simm.s32 $execute0_lowered;
	[smem:$0x3FD2] =	sst s26  }
0x1e: {  	s5 =	sshll.u32 s27, $0x1;
	_ =	strace $0x80000049;
	[dreg:$0x1] =	wrdreg $0xFFFFFFFF  }
0x1f: {  	s28 =	simm.s32 $_size_execute0_lowered;
	s3 =	sadd.s32 s3, s5;
	[dreg:$0x0] =	wrdreg $0x0  }
0x20: {  	s5 =	sshll.u32 s28, $0x1;
	[dreg:$0x2] =	wrdreg s3  }
0x21: {  	[dreg:$0x3] =	wrdreg s5  }
0x22: {  	[dreg:$0x4] =	wrdreg $0xC0  }
0x23: {  	_ =	task [dreg:s7], $0x5FFFF  }
0x24: {  	[dreg:$0x1] =	wrdreg $0xFFFFFFFF  }
0x25: {  	[dreg:$0x0] =	wrdreg $0x60  }
0x26: {  	[dreg:$0x2] =	wrdreg s25  }
0x27: {  	[dreg:$0x3] =	wrdreg s2  }
0x28: {  	[dreg:$0x4] =	wrdreg $0x9  }
0x29: {  	_ =	task.clear_ibuf [dreg:s7], $0x5FFFF;
	_ =	strace $0x90000049  }
0x2a: {  	s29 =	simm.s32 $0x9;
	_ =	strace $0x8000004B  }
0x2b: {  	_ =	swait.ge [sflag:s29], $0x1  }
0x2c: {  	[sflag:s29] =	ssyncadd.s32 $0xFFFFFFFF  }
0x2d: {  	_ =	strace $0x9000004B  }
0x2e: {  	_ =	sfence  }
0x2f: {  	s30 =	sld [smem:$0x0];
	_ =	sdelay $0x2  }
0x30: {  	s31 =	sshll.u32 s1, $0xD;
	s1 =	sshrl.u32 s1, $0x2  }
0x31: {  	s3 =	sand.u32 $0x4000, s31;
	s1 =	sadd.s32 s1, s30  }
0x32: {  	s0 =	sor.u32 s3, s0;
	s1 =	sshll.u32 s1, $0x11  }
0x33: {  	s0 =	sor.u32 s1, s0  }
0x34: {  	s0 =	sadd.s32 $0x8F2B, s0  }
0x35: {  	[sflag:s0] =	ssyncadd.remote.s32 $0x1  }
0x36: {  	_ =	sfence.sel $0xFFFF  }
0x37: {  	[dreg:$0x0] =	wrdreg $0xFFFFFFFF;
	(pc) =	sbr.abs _section_cstart, $3  }
0x38: {  	[dreg:$0x1] =	wrdreg $0xFFFFFFFF  }
0x39: {  	_ =	task.clear_ibuf [dreg:s7], $0x2FFFF;
	_ =	strace $0x9FFFFFFF  }
0x3a: {  	(tm) =	ssettm $0x7FFFFFFF  }
0x3b: {  	_ =	shalt  }
tec
execute0_lowered:
.L_overlay_start_1:
0x0: {  	(tag) =	ssettag $0x1  }
0x1: {  	s0 =	srdreg.scid  }
0x2: {  	s1 =	sshll.u32 s0, $0x4  }
0x3: {  	s0 =	stileid.u32;
	s1 =	sand.u32 $0x10, s1  }
0x4: {  	s1 =	sor.u32 s0, s1  }
0x5: {  	s6 =	rddreg [dreg:$0x0];
	s4 =	simm.s32 $0x1;
	s2 =	sshll.u32 s1, $0x7  }
0x6: {  	s7 =	simm.s32 $0x2;
	s12 =	simm.s32 $0x0;
	s1 =	ssub.s32 $0x1000, s2  }
0x7: {  	s8 =	simm.s32 $0x8000;
	s13 =	simm.s32 $0x0;
	s3 =	sand.u32 $0xF80, s1  }
0x8: {  	s9 =	simm.s32 $0x0;
	s5 =	sshrl.u32 s1, $0xC;
	p0 =	sne.s32 s3, $0x0  }
.Ltmp0:
0x9: {  	s1 =	rddreg [dreg:$0x2];
	s4 =	simm.s32 @!p0 $0x0;
	(pc) =	sbr.rel .LBB1_1-.Ltmp0, $4  }
0xa: {  	s11 =	simm.s32 $0x0;
	s3 =	rddreg [dreg:$0x1];
	s5 =	sadd.s32 s4, s5  }
0xb: {  	_ =	strace $0x8000004A;
	s4 =	simm.s32 $0x1;
	s5 =	smul.u32 $0xC8, s5  }
0xc: {  	s6 =	sadd.s32 $0xA00, s6;
	s10 =	smov.u32 s2;
	[sflag:s4] =	ssyncpa.u1 $0x0  }
0xd: {  	p0 =	por $0x0, $0x0;
	[sflag:s7] =	ssyncpa.u1 $0x0;
	s7 =	sor.u32 $0x1, s5  }
.LBB1_4:
0xe: {  	s16 =	sshll.u32 s13, $0x3;
	s17 =	sand.u32 $0x78, s13  }
0xf: {  	s30 =	sand.u32 $0x7E00, s13;
	s12 =	sshll.u32 s12, $0xF;
	s16 =	sand.u32 $0xC00, s16  }
0x10: {  	[tilespmem:s15+$0x810 ss:$0x81] =	vst.msk $0xffff, v2;
	s31 =	sand.u32 $0x7, s13;
	s16 =	sor.u32 s17, s16;
	s17 =	sadd.s32 s3, s30  }
0x11: {  	[tilespmem:s15+$0x1020 ss:$0x81] =	vst.msk $0xffff, v0;
	s13 =	sshll.u32 s31, $0x12;
	s12 =	sadd.s32 s12, s17;
	s16 =	sshrl.u32 s16, $0x3  }
0x12: {  	[tilespmem:s15+$0x0 ss:$0x81] =	vst.msk $0xffff, v1;
	s13 =	sor.u32 $0x400, s13;
	s12 =	sadd.s32 s16, s12  }
0x13: {  	[hbm4b:s12+s13] =	stream.strided.scatter [tilespmem:s14], [sflag:$0x2], $0x2000, s8, s13, $0x20;
	[tilespmem:$0x8080] =	vst v63  }
.LBB1_5:
0x14: {  	s14 =	sadd.s32 $0x1, s9  }
0x15: {  	s12 =	sadd.s32 $0x1000, s10;
	s16 =	smov.u32 s10;
	p2 =	sgt.s32 s14, $0xC7  }
0x16: {  	s16 =	smov.u32 @p2 s12  }
0x17: {  	s14 =	simm.s32 @p2 $0x0;
	p2 =	sgt.s32 s16, $0xFFF  }
0x18: {  	s16 =	smov.u32 @p2 s2;
	p2 =	sne.s32 s11, s7  }
.Ltmp1:
0x19: {  	p1 =	slt.u32 s11, $0x2;
	(pc) =	sbr.rel @!p2 .LBB1_6-.Ltmp1, $4  }
0x1a: {  	s15 =	simm.s32 @!p1 $0x2  }
0x1b: {  	s13 =	smov.u32 s10;
	p0 =	por !p0, !p0;
	_ =	swait.ge @!p1 [sflag:s15], $0x2000  }
0x1c: {  	s12 =	smov.u32 s9;
	[sflag:s15] =	ssyncset.done @!p1 $0x0;
	s9 =	smov.u32 s14  }
0x1d: {  	s11 =	sadd.s32 $0x1, s11;
	[sflag:s15] =	ssyncadd.s32 @!p1 $0xFFFFE000;
	s10 =	smov.u32 s16  }
.LBB1_1:
0x1e: {  	p1 =	sge.u32 s11, s5  }
0x1f: {  	s14 =	sand.u32 @!p1 $0x1FFFFFF, s9  }
0x20: {  	s15 =	smulhi.u32 @!p1 $0x147AE15, s14;
	_ =	sdelay $0x1  }
0x21: {  	s15 =	smul.u32 @!p1 $0xC8, s15  }
0x22: {  	s16 =	sxor.u32 @!p1 $0xFFFFFFFF, s11;
	s17 =	smul.u32 @!p1 $0xC80, s10  }
0x23: {  	s31 =	sadd.s32 $0xFFFFFFFF, s11;
	s16 =	sshll.u32 @!p1 s16, $0xD;
	s14 =	ssub.s32 @!p1 s14, s15  }
0x24: {  	s15 =	sand.u32 @!p1 $0x2000, s16;
	s16 =	sadd.s32 @!p1 s6, s17;
	s14 =	sshll.u32 @!p1 s14, $0x4  }
0x25: {  	s17 =	simm.s32 @!p1 $0x6400;
	s14 =	sadd.s32 @!p1 s14, s16;
	s16 =	simm.s32 @!p1 $0x40  }
0x26: {  	[tilespmem:s15], [sflag:$0x1] =	stream.strided.gather @!p1 [hbm4b:s14+s16], $0x2000, s17, s16, $0x38;
	[tilespmem:$0x8080] =	vst v63  }
0x27: {  	p1 =	sge.u32 s31, s5  }
.Ltmp2:
0x28: {  	_ = 	snop;
	(pc) =	sbr.rel @p1 .LBB1_5-.Ltmp2, $1  }
0x29: {  	_ =	sdelay $0x3  }
0x2a: {  	s14 =	simm.s32 $0x1  }
0x2b: {  	_ =	swait.ge [sflag:s4], $0x2000;
	s14 =	simm.s32 @!p0 $0x0  }
0x2c: {  	[sflag:s4] =	ssyncset.done $0x0;
	s15 =	sshll.u32 s14, $0xD  }
0x2d: {  	[sflag:s4] =	ssyncadd.s32 $0xFFFFE000;
	s18 =	sor.u32 $0x20, s15  }
0x2e: {  	s14 =	smul.u32 $0x8100, s14;
	v3 =	vld [tilespmem:s18+$0x10]  }
0x2f: {  	s30 =	sand.u32 $0x1, s11;
	v2 =	vld [tilespmem:s18+$0xFFFFFFF0]  }
0x30: {  	s15 =	smul.u32 $0x8100, s30;
	s14 =	sshrl.u32 s14, $0x2;
	v0 =	vld [tilespmem:s18+$0x0]  }
0x31: {  	v1 =	vld [tilespmem:s18+$0xFFFFFFE0];
	s16 =	sor.u32 $0x4000, s14  }
0x32: {  	s31 =	sshrl.u32 s15, $0x2;
	s15 =	sadd.s32 $0x0, s16  }
0x33: {  	s17 =	simm.s32 $0x4;
	s18 =	sadd.s32 $0x40, s18;
	s14 =	sor.u32 $0x4000, s31;
	[tilespmem:s15+$0x1830 ss:$0x81] =	vst.msk $0xffff, v3  }
.LBB1_3:
0x34: {  	v3 =	vld [tilespmem:s18+$0x10];
	p1 =	sne.s32 s17, $0x1FC;
	[tilespmem:s15+$0x810 ss:$0x81] =	vst.msk $0xffff, v2;
	s19 =	smov.u32 s17;
	s17 =	sadd.s32 $0x4, s17  }
.Ltmp3:
0x35: {  	v2 =	vld [tilespmem:s18+$0xFFFFFFF0];
	[tilespmem:s15+$0x1020 ss:$0x81] =	vst.msk $0xffff, v0;
	(pc) =	sbr.rel @p1 .LBB1_3-.Ltmp3, $4  }
0x36: {  	v0 =	vld [tilespmem:s18+$0x0];
	[tilespmem:s15+$0x0 ss:$0x81] =	vst.msk $0xffff, v1  }
0x37: {  	s15 =	sshra.s32 s19, $0x2;
	v1 =	vld [tilespmem:s18+$0xFFFFFFE0]  }
0x38: {  	s15 =	sadd.s32 s15, s16  }
0x39: {  	s18 =	sadd.s32 $0x40, s18;
	[tilespmem:s15+$0x1830 ss:$0x81] =	vst.msk $0xffff, v3  }
.Ltmp4:
0x3a: {  	_ = 	snop;
	(pc) =	sbr.rel .LBB1_4-.Ltmp4, $1  }
0x3b: {  	_ =	sdelay $0x3  }
.LBB1_6:
0x3c: {  	_ =	sfence.sel $0x180000  }
0x3d: {  	s2 =	simm.s32 $0x1;
	[bflag:$0x0] =	sbarrier.arrive $0xFFFF  }
0x3e: {  	s31 =	simm.s32 $0x2;
	[sflag:s2] =	ssyncpa.u1 $0x1  }
0x3f: {  	[sflag:s31] =	ssyncpa.u1 $0x1  }
0x40: {  	p0 =	sne.s32 s0, $0x0;
	_ =	strace $0x9000004A  }
0x41: {  	s0 =	sadd.s32 @!p0 $0x100000, s1;
	[bflag:$0x2] =	sbarrier.arrive $0xFFFF  }
0x42: {  	[sflag:s0] =	ssyncadd.tile.s32 @!p0 $0x1;
	_ =	shalt  }
.Lfunc_end1:
_tile_overlayer_lowered:
.L_overlay_start_2:
0x43: {  	(tag) =	ssettag $0x2  }
0x44: {  	s0 =	rddreg [dreg:$0x0];
	s2 =	stileid.u32  }
0x45: {  	s1 =	rddreg [dreg:$0x1];
	p0 =	sne.s32 s2, $0x0  }
0x46: {  	s3 =	rddreg [dreg:$0x2];
	[bflag:$0x3] =	sbarrier.arrive $0xFFFF;
	s2 =	simm.s32 @!p0 $0x1C01  }
0x47: {  	[timem:s3], [sflag:s2] =	dma.local @!p0 [hbm:s0], s1  }
0x48: {  	s0 =	simm.s32 @!p0 $0x1  }
0x49: {  	_ =	swait.ge @!p0 [sflag:s0], s1  }
0x4a: {  	s1 =	ssub.s32 @!p0 $0x0, s1;
	[sflag:s0] =	ssyncset.done @!p0 $0x0  }
0x4b: {  	[sflag:s0] =	ssyncadd.s32 @!p0 s1  }
0x4c: {  	[bflag:$0x3] =	sbarrier.arrive $0xFFFF  }
0x4d: {  	_ =	shalt  }

</sc_bundles>
